<compile_context>
chip_gen: v7x
topology: tpu7x:2x2x1
jax: 0.10.2.dev20260603
libtpu: 0.0.44.dev20260713+nightly
codegen_flags: <defaults>
</compile_context>

<pallas_src>
import functools
import math

import numpy as np
import jax
import jax.numpy as jnp
from jax import lax
from jax.experimental import pallas as pl
from jax.experimental.pallas import tpu as pltpu
from jax.experimental.pallas import tpu_sc as plsc

N = 10000
E = 160000
D = 128
NB = 8
NH = 64

NCORE = 2
NSUB = 16
CH = 64
NCHUNK = 80
EPC = NCHUNK * CH
EPAD = NCORE * NSUB * EPC
NPAD = 10112
ROWS_PER_TILE = NPAD // NSUB
NROT = 4

_z = np.random.default_rng(0).standard_normal(1000000)
_ACT = float(1.0 / np.sqrt(np.mean((_z / (1.0 + np.exp(-_z))) ** 2)))
C_S = math.sin(math.pi / 8.0)
C_X = math.cos(math.pi / 8.0)



def _w_body(el_ref, ea_ref, w1_ref, w2_ref, ni_ref, na_ref, wl1_ref,
            o_ref, x_ref):
    h = jnp.dot(el_ref[...], w1_ref[...], preferred_element_type=jnp.float32)
    h = h * (1.0 / math.sqrt(NB))
    h = h * jax.nn.sigmoid(h) * _ACT
    w = jnp.dot(h, w2_ref[...], preferred_element_type=jnp.float32)
    w = w * ea_ref[...] * (0.25 / math.sqrt(NH))
    bits = jax.lax.bitcast_convert_type(w, jnp.uint32)
    lo = (bits[:, :64] + jnp.uint32(0x8000)) >> jnp.uint32(16)
    hi = (bits[:, 64:] + jnp.uint32(0x8000)) & jnp.uint32(0xFFFF0000)
    o_ref[...] = (hi | lo).astype(jnp.int32)
    x_ref[...] = jnp.dot(ni_ref[...] * na_ref[...], wl1_ref[...],
                         preferred_element_type=jnp.float32) * (1.0 / math.sqrt(D))


_NXB = 25


def _edge_weights():
    BE = 2048
    nmap = lambda i: (jnp.minimum(i, _NXB - 1), 0)
    return pl.pallas_call(
        _w_body,
        grid=(EPAD // BE,),
        in_specs=[
            pl.BlockSpec((BE, NB), lambda i: (i, 0)),
            pl.BlockSpec((BE, 1), lambda i: (i, 0)),
            pl.BlockSpec((NB, NH), lambda i: (0, 0)),
            pl.BlockSpec((NH, D), lambda i: (0, 0)),
            pl.BlockSpec((N // _NXB, D), nmap),
            pl.BlockSpec((N // _NXB, 1), nmap),
            pl.BlockSpec((D, D), lambda i: (0, 0)),
        ],
        out_specs=[
            pl.BlockSpec((BE, D // 2), lambda i: (i, 0)),
            pl.BlockSpec((N // _NXB, D), nmap),
        ],
        out_shape=[
            jax.ShapeDtypeStruct((EPAD, D // 2), jnp.int32),
            jax.ShapeDtypeStruct((N, D), jnp.float32),
        ],
    )



_mesh = plsc.VectorSubcoreMesh(core_axis_name="c", subcore_axis_name="s")


@functools.partial(
    pl.kernel,
    out_type=jax.ShapeDtypeStruct((NCORE, NPAD, D), jnp.float32),
    mesh=_mesh,
    scratch_types=[
        pltpu.VMEM_SHARED((NPAD, D), jnp.float32),
        pltpu.VMEM((NROT, CH), jnp.int32),
        pltpu.VMEM((NROT, CH), jnp.int32),
        pltpu.VMEM((2, CH, D // 2), jnp.int32),
        pltpu.VMEM((NROT, CH, D), jnp.float32),
        pltpu.SemaphoreType.DMA,
        pltpu.SemaphoreType.DMA,
        pltpu.SemaphoreType.DMA,
        pltpu.SemaphoreType.DMA,
        pltpu.SemaphoreType.DMA,
    ],
)
def _sc_scatter(x_hbm, src_hbm, dst_hbm, w_hbm, out_hbm,
                agg, src_r, dst_r, wbuf, gbuf, isem, dsem, wsem, gsem, ssem):
    cid = lax.axis_index("c")
    sid = lax.axis_index("s")

    for p in range(2):
        pltpu.async_copy(src_hbm.at[cid, sid, pl.ds(2 * p, 2)],
                         src_r.at[pl.ds(2 * p, 2)], isem).wait()
        pltpu.async_copy(dst_hbm.at[cid, sid, pl.ds(2 * p, 2)],
                         dst_r.at[pl.ds(2 * p, 2)], dsem).wait()

    pltpu.async_copy(w_hbm.at[cid, sid, pl.ds(0, CH)], wbuf.at[0], wsem)
    pltpu.async_copy(w_hbm.at[cid, sid, pl.ds(CH, CH)], wbuf.at[1], wsem)
    pltpu.async_copy(x_hbm.at[src_r.at[0]], gbuf.at[0], gsem)
    pltpu.async_copy(x_hbm.at[src_r.at[1]], gbuf.at[1], gsem)

    zeros16 = jnp.zeros((16,), jnp.float32)

    @plsc.parallel_loop(0, CH)
    def _zb(r):
        for j in range(8):
            gbuf[NROT - 1, r, pl.ds(j * 16, 16)] = zeros16

    base = sid * ROWS_PER_TILE
    for k in range(ROWS_PER_TILE // CH):
        pltpu.sync_copy(gbuf.at[NROT - 1], agg.at[pl.ds(base + k * CH, CH)])
    _rem = ROWS_PER_TILE % CH
    if _rem:
        pltpu.sync_copy(gbuf.at[NROT - 1, pl.ds(0, _rem)],
                        agg.at[pl.ds(base + ROWS_PER_TILE - _rem, _rem)])
    plsc.subcore_barrier()

    def _outer(i4, carry):
        for b in range(NROT):
            c = i4 * NROT + b
            b2 = (b + 2) % NROT
            ws = b % 2
            pltpu.make_async_copy(
                w_hbm.at[cid, sid, pl.ds(c * CH, CH)], wbuf.at[ws], wsem).wait()
            pltpu.make_async_copy(
                x_hbm.at[src_r.at[b]], gbuf.at[b], gsem).wait()

            shift16 = jnp.full((16,), 16, jnp.int32)
            mask_hi = jnp.full((16,), -65536, jnp.int32)

            @plsc.parallel_loop(0, CH)
            def _mb(r):
                for j in range(4):
                    wv = wbuf[ws, r, pl.ds(j * 16, 16)]
                    wlo = lax.bitcast_convert_type(
                        lax.shift_left(wv, shift16), jnp.float32)
                    whi = lax.bitcast_convert_type(
                        lax.bitwise_and(wv, mask_hi), jnp.float32)
                    slo = pl.ds(j * 16, 16)
                    shi = pl.ds(64 + j * 16, 16)
                    gbuf[b, r, slo] = gbuf[b, r, slo] * wlo
                    gbuf[b, r, shi] = gbuf[b, r, shi] * whi

            @pl.when(c + 2 < NCHUNK)
            def _():
                pltpu.async_copy(
                    w_hbm.at[cid, sid, pl.ds((c + 2) * CH, CH)],
                    wbuf.at[ws], wsem)

            @pl.when(c >= 2)
            def _():
                pltpu.make_async_copy(
                    gbuf.at[b2], agg.at[dst_r.at[b2]], ssem).wait()

            if b % 2 == 1:
                @pl.when((c >= 3) & (c + 2 < NCHUNK))
                def _():
                    pltpu.async_copy(
                        dst_hbm.at[cid, sid, pl.ds(c + 1, 2)],
                        dst_r.at[pl.ds((b + 1) % NROT, 2)], dsem)

                @pl.when(c + 4 < NCHUNK)
                def _():
                    pltpu.async_copy(
                        src_hbm.at[cid, sid, pl.ds(c + 3, 2)],
                        src_r.at[pl.ds((b + 3) % NROT, 2)], isem)

            @pl.when(c + 2 < NCHUNK)
            def _():
                if b % 2 == 0:
                    @pl.when(c >= 2)
                    def _():
                        pltpu.make_async_copy(
                            src_hbm.at[cid, sid, pl.ds(c + 2, 2)],
                            src_r.at[pl.ds(b2, 2)], isem).wait()

                pltpu.async_copy(x_hbm.at[src_r.at[b2]], gbuf.at[b2], gsem)

            if b % 2 == 0:
                @pl.when(c >= 4)
                def _():
                    pltpu.make_async_copy(
                        dst_hbm.at[cid, sid, pl.ds(c, 2)],
                        dst_r.at[pl.ds(b, 2)], dsem).wait()

            pltpu.async_copy(gbuf.at[b], agg.at[dst_r.at[b]], ssem, add=True)
        return carry

    lax.fori_loop(0, NCHUNK // NROT, _outer, 0)

    pltpu.make_async_copy(
        gbuf.at[(NCHUNK - 2) % NROT],
        agg.at[dst_r.at[(NCHUNK - 2) % NROT]], ssem).wait()
    pltpu.make_async_copy(
        gbuf.at[(NCHUNK - 1) % NROT],
        agg.at[dst_r.at[(NCHUNK - 1) % NROT]], ssem).wait()
    plsc.subcore_barrier()

    pltpu.sync_copy(agg.at[pl.ds(base, ROWS_PER_TILE)],
                    out_hbm.at[cid, pl.ds(base, ROWS_PER_TILE)])



def _f_body(ni_ref, na_ref, agg_ref, wsc_ref, wl2_ref, o_ref):
    na = na_ref[...]
    nie = ni_ref[...] * na
    aggs = (agg_ref[0] + agg_ref[1]) * na
    o_ref[...] = (jnp.dot(nie, wsc_ref[...], preferred_element_type=jnp.float32)
                  * (C_S / math.sqrt(D))
                  + jnp.dot(aggs, wl2_ref[...], preferred_element_type=jnp.float32)
                  * (C_X / math.sqrt(D)))


def _final(ni, na, agg2, w_sc, w_lin2):
    BN = 2000
    return pl.pallas_call(
        _f_body,
        grid=(N // BN,),
        in_specs=[
            pl.BlockSpec((BN, D), lambda i: (i, 0)),
            pl.BlockSpec((BN, 1), lambda i: (i, 0)),
            pl.BlockSpec((NCORE, BN, D), lambda i: (0, i, 0)),
            pl.BlockSpec((D, D), lambda i: (0, 0)),
            pl.BlockSpec((D, D), lambda i: (0, 0)),
        ],
        out_specs=pl.BlockSpec((BN, D), lambda i: (i, 0)),
        out_shape=jax.ShapeDtypeStruct((N, D), jnp.float32),
    )(ni, na, agg2, w_sc, w_lin2)


def kernel(node_input, node_attr, edge_src, edge_dst, edge_attr,
           edge_length_embedded, w_sc, w_lin1, w_lin2, fc_w1, fc_w2):
    pad = EPAD - E
    src4 = jnp.reshape(
        jnp.concatenate([edge_src, jnp.zeros((pad,), jnp.int32)]),
        (NCORE, NSUB, NCHUNK, CH))
    dst4 = jnp.reshape(
        jnp.concatenate([edge_dst, jnp.zeros((pad,), jnp.int32)]),
        (NCORE, NSUB, NCHUNK, CH))
    ea_p = jnp.concatenate([edge_attr, jnp.zeros((pad, 1), jnp.float32)])
    el_p = jnp.concatenate(
        [edge_length_embedded, jnp.zeros((pad, NB), jnp.float32)])

    w_edges, x = _edge_weights()(el_p, ea_p, fc_w1, fc_w2,
                                 node_input, node_attr, w_lin1)
    w4 = jnp.reshape(w_edges, (NCORE, NSUB, EPC, D // 2))
    agg2 = _sc_scatter(x, src4, dst4, w4)
    return _final(node_input, node_attr, agg2[:, :N], w_sc, w_lin2)

# --- scband reference (transcript-rebuilt; emitter-appended) ---
"""Pipeline reference for scband-interaction-block-71433896067582 (READ-ONLY COPY).

The authoritative reference and input builder live on the scoring server;
editing this copy changes nothing except your own understanding.
"""

import jax, jax.numpy as jnp
import numpy as np
import math

N = 10000
E = 160000
D = 128
NB = 8
NH = 64
NUM_NEIGHBORS = 16.0

def _np_silu(z):
    return z / (1.0 + np.exp(-z))

# e3nn normalize2mom constant for silu: 1/sqrt(E_{z~N(0,1)}[silu(z)^2])
_z = np.random.default_rng(0).standard_normal(1000000)
ACT_CST = float(1.0 / np.sqrt(np.mean(_np_silu(_z) ** 2)))

def _silu(x):
    return x * jax.nn.sigmoid(x)

def _fc(e, w1, w2):
    # e3nn FullyConnectedNet: h = normalized_silu(x @ W / sqrt(fan_in)); last layer linear
    h = _silu(jnp.dot(e, w1) / jnp.sqrt(float(NB))) * ACT_CST
    return jnp.dot(h, w2) / jnp.sqrt(float(NH))

def _fctp(x, attr, w):
    # FullyConnectedTensorProduct(128x0e, 1x0e -> 128x0e): bilinear with path weight 1/sqrt(mul_in*mul_attr)
    return jnp.dot(x * attr, w) / jnp.sqrt(float(D))

def setup_inputs(seed: int = 0):
    key = jax.random.key(seed)
    ks = jax.random.split(key, 10)
    node_input = jax.random.normal(ks[0], (N, D), dtype=jnp.float32)
    node_attr = jnp.ones((N, 1), dtype=jnp.float32)
    edge_src = jax.random.randint(ks[1], (E,), 0, N, dtype=jnp.int32)
    edge_dst = jax.random.randint(ks[2], (E,), 0, N, dtype=jnp.int32)
    edge_attr = jax.random.normal(ks[3], (E, 1), dtype=jnp.float32)
    edge_length_embedded = jax.random.uniform(ks[4], (E, NB), dtype=jnp.float32)
    w_sc = jax.random.normal(ks[5], (D, D), dtype=jnp.float32)
    w_lin1 = jax.random.normal(ks[6], (D, D), dtype=jnp.float32)
    w_lin2 = jax.random.normal(ks[7], (D, D), dtype=jnp.float32)
    fc_w1 = jax.random.normal(ks[8], (NB, NH), dtype=jnp.float32)
    fc_w2 = jax.random.normal(ks[9], (NH, D), dtype=jnp.float32)
    return {"node_input": node_input, "node_attr": node_attr, "edge_src": edge_src, "edge_dst": edge_dst, "edge_attr": edge_attr, "edge_length_embedded": edge_length_embedded, "w_sc": w_sc, "w_lin1": w_lin1, "w_lin2": w_lin2, "fc_w1": fc_w1, "fc_w2": fc_w2}

def reference(node_input, node_attr, edge_src, edge_dst, edge_attr, edge_length_embedded, w_sc, w_lin1, w_lin2, fc_w1, fc_w2):
    # radial network -> per-edge tensor-product weights (tp 'uvu', shared_weights=False => weight_numel = 128)
    weight = _fc(edge_length_embedded, fc_w1, fc_w2)
    # self-connection and first linear (both attr-conditioned bilinear maps)
    s = _fctp(node_input, node_attr, w_sc)
    x = _fctp(node_input, node_attr, w_lin1)
    # gather source node features, per-edge tensor product (0e x 0e -> 0e is elementwise mult)
    edge_features = jnp.take(x, edge_src, axis=0) * edge_attr * weight
    # scatter-add over destination nodes
    agg = jnp.zeros((N, D), dtype=x.dtype).at[edge_dst].add(edge_features) / jnp.sqrt(NUM_NEIGHBORS)
    x = _fctp(agg, node_attr, w_lin2)
    # sc.output_mask is all ones (every output irrep reachable), so c_x = cos(pi/8)
    c_s = math.sin(math.pi / 8.0)
    c_x = math.cos(math.pi / 8.0)
    return c_s * s + c_x * x

if __name__ == "__main__":
    import jax
    _d = setup_inputs()
    print(jax.jit(kernel)(*tuple(_d.values())))

</pallas_src>

<mosaic_0001>
#map = affine_map<(d0, d1) -> (0, 0)>
#map1 = affine_map<(d0, d1) -> (0, 0, 0, 0)>
#map2 = affine_map<(d0, d1) -> (0, 0, 0)>
module attributes {stable_mosaic.version = 14 : i64} {
  func.func @_sc_scatter(%arg0: i32, %arg1: i32, %arg2: memref<10000x128xf32, #tpu.memory_space<hbm>>, %arg3: memref<2x16x80x64xi32, #tpu.memory_space<hbm>>, %arg4: memref<2x16x80x64xi32, #tpu.memory_space<hbm>>, %arg5: memref<2x16x5120x64xi32, #tpu.memory_space<hbm>>, %arg6: memref<2x10112x128xf32, #tpu.memory_space<hbm>>, %arg7: memref<10112x128xf32, #tpu.memory_space<vmem_shared>>, %arg8: memref<4x64xi32, #tpu.memory_space<vmem>>, %arg9: memref<4x64xi32, #tpu.memory_space<vmem>>, %arg10: memref<2x64x64xi32, #tpu.memory_space<vmem>>, %arg11: memref<4x64x128xf32, #tpu.memory_space<vmem>>, %arg12: memref<!tpu.dma_semaphore, #tpu.memory_space<semaphore_mem>>, %arg13: memref<!tpu.dma_semaphore, #tpu.memory_space<semaphore_mem>>, %arg14: memref<!tpu.dma_semaphore, #tpu.memory_space<semaphore_mem>>, %arg15: memref<!tpu.dma_semaphore, #tpu.memory_space<semaphore_mem>>, %arg16: memref<!tpu.dma_semaphore, #tpu.memory_space<semaphore_mem>>) attributes {dimension_semantics = [#tpu.dimension_semantics<core_parallel>, #tpu.dimension_semantics<subcore_parallel>], iteration_bounds = array<i64: 2, 16>, scalar_prefetch = 0 : i64, scratch_operands = 10 : i64, tpu.core_type = #tpu.core_type<sc_vector_subcore>, window_params = [{transform_indices = #map}, {transform_indices = #map1}, {transform_indices = #map1}, {transform_indices = #map1}, {transform_indices = #map2}]} {
    %dma_start3A = arith.constant 0 : i32
    %dma_start3A_0 = arith.constant 0 : i32
    %dma_start3A_1 = tpu.memref_slice %arg8[%dma_start3A, %dma_start3A_0] : memref<4x64xi32, #tpu.memory_space<vmem>> -> memref<2x64xi32, #tpu.memory_space<vmem>>
    %dma_start3A_2 = arith.constant 0 : i32
    %dma_start3A_3 = arith.constant 0 : i32
    %dma_start3A_4 = tpu.memref_slice %arg3[%arg0, %arg1, %dma_start3A_2, %dma_start3A_3] : memref<2x16x80x64xi32, #tpu.memory_space<hbm>> -> memref<1x1x2x64xi32, #tpu.memory_space<hbm>>
    %dma_start3A_5 = tpu.memref_squeeze %dma_start3A_4 : memref<1x1x2x64xi32, #tpu.memory_space<hbm>> -> memref<2x64xi32, #tpu.memory_space<hbm>>
    %dma_start3A_6 = arith.constant 0 : i32
    %dma_start3A_7 = arith.constant 0 : i32
    %dma_start3A_8 = tpu.memref_slice %arg8[%dma_start3A_6, %dma_start3A_7] : memref<4x64xi32, #tpu.memory_space<vmem>> -> memref<2x64xi32, #tpu.memory_space<vmem>>
    %dma_start3A_9 = arith.constant 0 : i32
    %dma_start3A_10 = arith.constant 0 : i32
    %dma_start3A_11 = tpu.memref_slice %arg3[%arg0, %arg1, %dma_start3A_9, %dma_start3A_10] : memref<2x16x80x64xi32, #tpu.memory_space<hbm>> -> memref<1x1x2x64xi32, #tpu.memory_space<hbm>>
    %dma_start3A_12 = tpu.memref_squeeze %dma_start3A_11 : memref<1x1x2x64xi32, #tpu.memory_space<hbm>> -> memref<2x64xi32, #tpu.memory_space<hbm>>
    tpu.enqueue_dma source(%dma_start3A_12 : memref<2x64xi32, #tpu.memory_space<hbm>>) target(%dma_start3A_8 : memref<2x64xi32, #tpu.memory_space<vmem>>) target_semaphore(%arg12 : memref<!tpu.dma_semaphore, #tpu.memory_space<semaphore_mem>>)
    %dma_wait3A = arith.constant 0 : i32
    %dma_wait3A_13 = arith.constant 0 : i32
    %dma_wait3A_14 = tpu.memref_slice %arg8[%dma_wait3A, %dma_wait3A_13] : memref<4x64xi32, #tpu.memory_space<vmem>> -> memref<2x64xi32, #tpu.memory_space<vmem>>
    %dma_wait3A_15 = arith.constant 0 : i32
    %dma_wait3A_16 = arith.constant 0 : i32
    %dma_wait3A_17 = tpu.memref_slice %arg3[%arg0, %arg1, %dma_wait3A_15, %dma_wait3A_16] : memref<2x16x80x64xi32, #tpu.memory_space<hbm>> -> memref<1x1x2x64xi32, #tpu.memory_space<hbm>>
    %dma_wait3A_18 = tpu.memref_squeeze %dma_wait3A_17 : memref<1x1x2x64xi32, #tpu.memory_space<hbm>> -> memref<2x64xi32, #tpu.memory_space<hbm>>
    %dma_wait3A_19 = arith.constant 0 : i32
    %dma_wait3A_20 = arith.constant 0 : i32
    %dma_wait3A_21 = tpu.memref_slice %arg8[%dma_wait3A_19, %dma_wait3A_20] : memref<4x64xi32, #tpu.memory_space<vmem>> -> memref<2x64xi32, #tpu.memory_space<vmem>>
    %dma_wait3A_22 = arith.constant 0 : i32
    %dma_wait3A_23 = arith.constant 0 : i32
    %dma_wait3A_24 = tpu.memref_slice %arg3[%arg0, %arg1, %dma_wait3A_22, %dma_wait3A_23] : memref<2x16x80x64xi32, #tpu.memory_space<hbm>> -> memref<1x1x2x64xi32, #tpu.memory_space<hbm>>
    %dma_wait3A_25 = tpu.memref_squeeze %dma_wait3A_24 : memref<1x1x2x64xi32, #tpu.memory_space<hbm>> -> memref<2x64xi32, #tpu.memory_space<hbm>>
    tpu.wait_dma2 semaphore(%arg12 : memref<!tpu.dma_semaphore, #tpu.memory_space<semaphore_mem>>) src(%dma_wait3A_25 : memref<2x64xi32, #tpu.memory_space<hbm>>) dst(%dma_wait3A_21 : memref<2x64xi32, #tpu.memory_space<vmem>>)
    %dma_start3A_26 = arith.constant 0 : i32
    %dma_start3A_27 = arith.constant 0 : i32
    %dma_start3A_28 = tpu.memref_slice %arg9[%dma_start3A_26, %dma_start3A_27] : memref<4x64xi32, #tpu.memory_space<vmem>> -> memref<2x64xi32, #tpu.memory_space<vmem>>
    %dma_start3A_29 = arith.constant 0 : i32
    %dma_start3A_30 = arith.constant 0 : i32
    %dma_start3A_31 = tpu.memref_slice %arg4[%arg0, %arg1, %dma_start3A_29, %dma_start3A_30] : memref<2x16x80x64xi32, #tpu.memory_space<hbm>> -> memref<1x1x2x64xi32, #tpu.memory_space<hbm>>
    %dma_start3A_32 = tpu.memref_squeeze %dma_start3A_31 : memref<1x1x2x64xi32, #tpu.memory_space<hbm>> -> memref<2x64xi32, #tpu.memory_space<hbm>>
    %dma_start3A_33 = arith.constant 0 : i32
    %dma_start3A_34 = arith.constant 0 : i32
    %dma_start3A_35 = tpu.memref_slice %arg9[%dma_start3A_33, %dma_start3A_34] : memref<4x64xi32, #tpu.memory_space<vmem>> -> memref<2x64xi32, #tpu.memory_space<vmem>>
    %dma_start3A_36 = arith.constant 0 : i32
    %dma_start3A_37 = arith.constant 0 : i32
    %dma_start3A_38 = tpu.memref_slice %arg4[%arg0, %arg1, %dma_start3A_36, %dma_start3A_37] : memref<2x16x80x64xi32, #tpu.memory_space<hbm>> -> memref<1x1x2x64xi32, #tpu.memory_space<hbm>>
    %dma_start3A_39 = tpu.memref_squeeze %dma_start3A_38 : memref<1x1x2x64xi32, #tpu.memory_space<hbm>> -> memref<2x64xi32, #tpu.memory_space<hbm>>
    tpu.enqueue_dma source(%dma_start3A_39 : memref<2x64xi32, #tpu.memory_space<hbm>>) target(%dma_start3A_35 : memref<2x64xi32, #tpu.memory_space<vmem>>) target_semaphore(%arg13 : memref<!tpu.dma_semaphore, #tpu.memory_space<semaphore_mem>>)
    %dma_wait3A_40 = arith.constant 0 : i32
    %dma_wait3A_41 = arith.constant 0 : i32
    %dma_wait3A_42 = tpu.memref_slice %arg9[%dma_wait3A_40, %dma_wait3A_41] : memref<4x64xi32, #tpu.memory_space<vmem>> -> memref<2x64xi32, #tpu.memory_space<vmem>>
    %dma_wait3A_43 = arith.constant 0 : i32
    %dma_wait3A_44 = arith.constant 0 : i32
    %dma_wait3A_45 = tpu.memref_slice %arg4[%arg0, %arg1, %dma_wait3A_43, %dma_wait3A_44] : memref<2x16x80x64xi32, #tpu.memory_space<hbm>> -> memref<1x1x2x64xi32, #tpu.memory_space<hbm>>
    %dma_wait3A_46 = tpu.memref_squeeze %dma_wait3A_45 : memref<1x1x2x64xi32, #tpu.memory_space<hbm>> -> memref<2x64xi32, #tpu.memory_space<hbm>>
    %dma_wait3A_47 = arith.constant 0 : i32
    %dma_wait3A_48 = arith.constant 0 : i32
    %dma_wait3A_49 = tpu.memref_slice %arg9[%dma_wait3A_47, %dma_wait3A_48] : memref<4x64xi32, #tpu.memory_space<vmem>> -> memref<2x64xi32, #tpu.memory_space<vmem>>
    %dma_wait3A_50 = arith.constant 0 : i32
    %dma_wait3A_51 = arith.constant 0 : i32
    %dma_wait3A_52 = tpu.memref_slice %arg4[%arg0, %arg1, %dma_wait3A_50, %dma_wait3A_51] : memref<2x16x80x64xi32, #tpu.memory_space<hbm>> -> memref<1x1x2x64xi32, #tpu.memory_space<hbm>>
    %dma_wait3A_53 = tpu.memref_squeeze %dma_wait3A_52 : memref<1x1x2x64xi32, #tpu.memory_space<hbm>> -> memref<2x64xi32, #tpu.memory_space<hbm>>
    tpu.wait_dma2 semaphore(%arg13 : memref<!tpu.dma_semaphore, #tpu.memory_space<semaphore_mem>>) src(%dma_wait3A_53 : memref<2x64xi32, #tpu.memory_space<hbm>>) dst(%dma_wait3A_49 : memref<2x64xi32, #tpu.memory_space<vmem>>)
    %dma_start3A_54 = arith.constant 2 : i32
    %dma_start3A_55 = arith.constant 0 : i32
    %dma_start3A_56 = tpu.memref_slice %arg8[%dma_start3A_54, %dma_start3A_55] : memref<4x64xi32, #tpu.memory_space<vmem>> -> memref<2x64xi32, #tpu.memory_space<vmem>>
    %dma_start3A_57 = arith.constant 2 : i32
    %dma_start3A_58 = arith.constant 0 : i32
    %dma_start3A_59 = tpu.memref_slice %arg3[%arg0, %arg1, %dma_start3A_57, %dma_start3A_58] : memref<2x16x80x64xi32, #tpu.memory_space<hbm>> -> memref<1x1x2x64xi32, #tpu.memory_space<hbm>>
    %dma_start3A_60 = tpu.memref_squeeze %dma_start3A_59 : memref<1x1x2x64xi32, #tpu.memory_space<hbm>> -> memref<2x64xi32, #tpu.memory_space<hbm>>
    %dma_start3A_61 = arith.constant 2 : i32
    %dma_start3A_62 = arith.constant 0 : i32
    %dma_start3A_63 = tpu.memref_slice %arg8[%dma_start3A_61, %dma_start3A_62] : memref<4x64xi32, #tpu.memory_space<vmem>> -> memref<2x64xi32, #tpu.memory_space<vmem>>
    %dma_start3A_64 = arith.constant 2 : i32
    %dma_start3A_65 = arith.constant 0 : i32
    %dma_start3A_66 = tpu.memref_slice %arg3[%arg0, %arg1, %dma_start3A_64, %dma_start3A_65] : memref<2x16x80x64xi32, #tpu.memory_space<hbm>> -> memref<1x1x2x64xi32, #tpu.memory_space<hbm>>
    %dma_start3A_67 = tpu.memref_squeeze %dma_start3A_66 : memref<1x1x2x64xi32, #tpu.memory_space<hbm>> -> memref<2x64xi32, #tpu.memory_space<hbm>>
    tpu.enqueue_dma source(%dma_start3A_67 : memref<2x64xi32, #tpu.memory_space<hbm>>) target(%dma_start3A_63 : memref<2x64xi32, #tpu.memory_space<vmem>>) target_semaphore(%arg12 : memref<!tpu.dma_semaphore, #tpu.memory_space<semaphore_mem>>)
    %dma_wait3A_68 = arith.constant 2 : i32
    %dma_wait3A_69 = arith.constant 0 : i32
    %dma_wait3A_70 = tpu.memref_slice %arg8[%dma_wait3A_68, %dma_wait3A_69] : memref<4x64xi32, #tpu.memory_space<vmem>> -> memref<2x64xi32, #tpu.memory_space<vmem>>
    %dma_wait3A_71 = arith.constant 2 : i32
    %dma_wait3A_72 = arith.constant 0 : i32
    %dma_wait3A_73 = tpu.memref_slice %arg3[%arg0, %arg1, %dma_wait3A_71, %dma_wait3A_72] : memref<2x16x80x64xi32, #tpu.memory_space<hbm>> -> memref<1x1x2x64xi32, #tpu.memory_space<hbm>>
    %dma_wait3A_74 = tpu.memref_squeeze %dma_wait3A_73 : memref<1x1x2x64xi32, #tpu.memory_space<hbm>> -> memref<2x64xi32, #tpu.memory_space<hbm>>
    %dma_wait3A_75 = arith.constant 2 : i32
    %dma_wait3A_76 = arith.constant 0 : i32
    %dma_wait3A_77 = tpu.memref_slice %arg8[%dma_wait3A_75, %dma_wait3A_76] : memref<4x64xi32, #tpu.memory_space<vmem>> -> memref<2x64xi32, #tpu.memory_space<vmem>>
    %dma_wait3A_78 = arith.constant 2 : i32
    %dma_wait3A_79 = arith.constant 0 : i32
    %dma_wait3A_80 = tpu.memref_slice %arg3[%arg0, %arg1, %dma_wait3A_78, %dma_wait3A_79] : memref<2x16x80x64xi32, #tpu.memory_space<hbm>> -> memref<1x1x2x64xi32, #tpu.memory_space<hbm>>
    %dma_wait3A_81 = tpu.memref_squeeze %dma_wait3A_80 : memref<1x1x2x64xi32, #tpu.memory_space<hbm>> -> memref<2x64xi32, #tpu.memory_space<hbm>>
    tpu.wait_dma2 semaphore(%arg12 : memref<!tpu.dma_semaphore, #tpu.memory_space<semaphore_mem>>) src(%dma_wait3A_81 : memref<2x64xi32, #tpu.memory_space<hbm>>) dst(%dma_wait3A_77 : memref<2x64xi32, #tpu.memory_space<vmem>>)
    %dma_start3A_82 = arith.constant 2 : i32
    %dma_start3A_83 = arith.constant 0 : i32
    %dma_start3A_84 = tpu.memref_slice %arg9[%dma_start3A_82, %dma_start3A_83] : memref<4x64xi32, #tpu.memory_space<vmem>> -> memref<2x64xi32, #tpu.memory_space<vmem>>
    %dma_start3A_85 = arith.constant 2 : i32
    %dma_start3A_86 = arith.constant 0 : i32
    %dma_start3A_87 = tpu.memref_slice %arg4[%arg0, %arg1, %dma_start3A_85, %dma_start3A_86] : memref<2x16x80x64xi32, #tpu.memory_space<hbm>> -> memref<1x1x2x64xi32, #tpu.memory_space<hbm>>
    %dma_start3A_88 = tpu.memref_squeeze %dma_start3A_87 : memref<1x1x2x64xi32, #tpu.memory_space<hbm>> -> memref<2x64xi32, #tpu.memory_space<hbm>>
    %dma_start3A_89 = arith.constant 2 : i32
    %dma_start3A_90 = arith.constant 0 : i32
    %dma_start3A_91 = tpu.memref_slice %arg9[%dma_start3A_89, %dma_start3A_90] : memref<4x64xi32, #tpu.memory_space<vmem>> -> memref<2x64xi32, #tpu.memory_space<vmem>>
    %dma_start3A_92 = arith.constant 2 : i32
    %dma_start3A_93 = arith.constant 0 : i32
    %dma_start3A_94 = tpu.memref_slice %arg4[%arg0, %arg1, %dma_start3A_92, %dma_start3A_93] : memref<2x16x80x64xi32, #tpu.memory_space<hbm>> -> memref<1x1x2x64xi32, #tpu.memory_space<hbm>>
    %dma_start3A_95 = tpu.memref_squeeze %dma_start3A_94 : memref<1x1x2x64xi32, #tpu.memory_space<hbm>> -> memref<2x64xi32, #tpu.memory_space<hbm>>
    tpu.enqueue_dma source(%dma_start3A_95 : memref<2x64xi32, #tpu.memory_space<hbm>>) target(%dma_start3A_91 : memref<2x64xi32, #tpu.memory_space<vmem>>) target_semaphore(%arg13 : memref<!tpu.dma_semaphore, #tpu.memory_space<semaphore_mem>>)
    %dma_wait3A_96 = arith.constant 2 : i32
    %dma_wait3A_97 = arith.constant 0 : i32
    %dma_wait3A_98 = tpu.memref_slice %arg9[%dma_wait3A_96, %dma_wait3A_97] : memref<4x64xi32, #tpu.memory_space<vmem>> -> memref<2x64xi32, #tpu.memory_space<vmem>>
    %dma_wait3A_99 = arith.constant 2 : i32
    %dma_wait3A_100 = arith.constant 0 : i32
    %dma_wait3A_101 = tpu.memref_slice %arg4[%arg0, %arg1, %dma_wait3A_99, %dma_wait3A_100] : memref<2x16x80x64xi32, #tpu.memory_space<hbm>> -> memref<1x1x2x64xi32, #tpu.memory_space<hbm>>
    %dma_wait3A_102 = tpu.memref_squeeze %dma_wait3A_101 : memref<1x1x2x64xi32, #tpu.memory_space<hbm>> -> memref<2x64xi32, #tpu.memory_space<hbm>>
    %dma_wait3A_103 = arith.constant 2 : i32
    %dma_wait3A_104 = arith.constant 0 : i32
    %dma_wait3A_105 = tpu.memref_slice %arg9[%dma_wait3A_103, %dma_wait3A_104] : memref<4x64xi32, #tpu.memory_space<vmem>> -> memref<2x64xi32, #tpu.memory_space<vmem>>
    %dma_wait3A_106 = arith.constant 2 : i32
    %dma_wait3A_107 = arith.constant 0 : i32
    %dma_wait3A_108 = tpu.memref_slice %arg4[%arg0, %arg1, %dma_wait3A_106, %dma_wait3A_107] : memref<2x16x80x64xi32, #tpu.memory_space<hbm>> -> memref<1x1x2x64xi32, #tpu.memory_space<hbm>>
    %dma_wait3A_109 = tpu.memref_squeeze %dma_wait3A_108 : memref<1x1x2x64xi32, #tpu.memory_space<hbm>> -> memref<2x64xi32, #tpu.memory_space<hbm>>
    tpu.wait_dma2 semaphore(%arg13 : memref<!tpu.dma_semaphore, #tpu.memory_space<semaphore_mem>>) src(%dma_wait3A_109 : memref<2x64xi32, #tpu.memory_space<hbm>>) dst(%dma_wait3A_105 : memref<2x64xi32, #tpu.memory_space<vmem>>)
    %dma_start3A_110 = arith.constant 0 : i32
    %dma_start3A_111 = arith.constant 0 : i32
    %dma_start3A_112 = arith.constant 0 : i32
    %dma_start3A_113 = tpu.memref_slice %arg10[%dma_start3A_110, %dma_start3A_111, %dma_start3A_112] : memref<2x64x64xi32, #tpu.memory_space<vmem>> -> memref<1x64x64xi32, #tpu.memory_space<vmem>>
    %dma_start3A_114 = tpu.memref_squeeze %dma_start3A_113 : memref<1x64x64xi32, #tpu.memory_space<vmem>> -> memref<64x64xi32, #tpu.memory_space<vmem>>
    %dma_start3A_115 = arith.constant 0 : i32
    %dma_start3A_116 = arith.constant 0 : i32
    %dma_start3A_117 = tpu.memref_slice %arg5[%arg0, %arg1, %dma_start3A_115, %dma_start3A_116] : memref<2x16x5120x64xi32, #tpu.memory_space<hbm>> -> memref<1x1x64x64xi32, #tpu.memory_space<hbm>>
    %dma_start3A_118 = tpu.memref_squeeze %dma_start3A_117 : memref<1x1x64x64xi32, #tpu.memory_space<hbm>> -> memref<64x64xi32, #tpu.memory_space<hbm>>
    %dma_start3A_119 = arith.constant 0 : i32
    %dma_start3A_120 = arith.constant 0 : i32
    %dma_start3A_121 = tpu.memref_slice %arg10[%dma_start3A_110, %dma_start3A_119, %dma_start3A_120] : memref<2x64x64xi32, #tpu.memory_space<vmem>> -> memref<1x64x64xi32, #tpu.memory_space<vmem>>
    %dma_start3A_122 = tpu.memref_squeeze %dma_start3A_121 : memref<1x64x64xi32, #tpu.memory_space<vmem>> -> memref<64x64xi32, #tpu.memory_space<vmem>>
    %dma_start3A_123 = arith.constant 0 : i32
    %dma_start3A_124 = arith.constant 0 : i32
    %dma_start3A_125 = tpu.memref_slice %arg5[%arg0, %arg1, %dma_start3A_123, %dma_start3A_124] : memref<2x16x5120x64xi32, #tpu.memory_space<hbm>> -> memref<1x1x64x64xi32, #tpu.memory_space<hbm>>
    %dma_start3A_126 = tpu.memref_squeeze %dma_start3A_125 : memref<1x1x64x64xi32, #tpu.memory_space<hbm>> -> memref<64x64xi32, #tpu.memory_space<hbm>>
    tpu.enqueue_dma source(%dma_start3A_126 : memref<64x64xi32, #tpu.memory_space<hbm>>) target(%dma_start3A_122 : memref<64x64xi32, #tpu.memory_space<vmem>>) target_semaphore(%arg14 : memref<!tpu.dma_semaphore, #tpu.memory_space<semaphore_mem>>)
    %dma_start3A_127 = arith.constant 1 : i32
    %dma_start3A_128 = arith.constant 0 : i32
    %dma_start3A_129 = arith.constant 0 : i32
    %dma_start3A_130 = tpu.memref_slice %arg10[%dma_start3A_127, %dma_start3A_128, %dma_start3A_129] : memref<2x64x64xi32, #tpu.memory_space<vmem>> -> memref<1x64x64xi32, #tpu.memory_space<vmem>>
    %dma_start3A_131 = tpu.memref_squeeze %dma_start3A_130 : memref<1x64x64xi32, #tpu.memory_space<vmem>> -> memref<64x64xi32, #tpu.memory_space<vmem>>
    %dma_start3A_132 = arith.constant 64 : i32
    %dma_start3A_133 = arith.constant 0 : i32
    %dma_start3A_134 = tpu.memref_slice %arg5[%arg0, %arg1, %dma_start3A_132, %dma_start3A_133] : memref<2x16x5120x64xi32, #tpu.memory_space<hbm>> -> memref<1x1x64x64xi32, #tpu.memory_space<hbm>>
    %dma_start3A_135 = tpu.memref_squeeze %dma_start3A_134 : memref<1x1x64x64xi32, #tpu.memory_space<hbm>> -> memref<64x64xi32, #tpu.memory_space<hbm>>
    %dma_start3A_136 = arith.constant 0 : i32
    %dma_start3A_137 = arith.constant 0 : i32
    %dma_start3A_138 = tpu.memref_slice %arg10[%dma_start3A_127, %dma_start3A_136, %dma_start3A_137] : memref<2x64x64xi32, #tpu.memory_space<vmem>> -> memref<1x64x64xi32, #tpu.memory_space<vmem>>
    %dma_start3A_139 = tpu.memref_squeeze %dma_start3A_138 : memref<1x64x64xi32, #tpu.memory_space<vmem>> -> memref<64x64xi32, #tpu.memory_space<vmem>>
    %dma_start3A_140 = arith.constant 64 : i32
    %dma_start3A_141 = arith.constant 0 : i32
    %dma_start3A_142 = tpu.memref_slice %arg5[%arg0, %arg1, %dma_start3A_140, %dma_start3A_141] : memref<2x16x5120x64xi32, #tpu.memory_space<hbm>> -> memref<1x1x64x64xi32, #tpu.memory_space<hbm>>
    %dma_start3A_143 = tpu.memref_squeeze %dma_start3A_142 : memref<1x1x64x64xi32, #tpu.memory_space<hbm>> -> memref<64x64xi32, #tpu.memory_space<hbm>>
    tpu.enqueue_dma source(%dma_start3A_143 : memref<64x64xi32, #tpu.memory_space<hbm>>) target(%dma_start3A_139 : memref<64x64xi32, #tpu.memory_space<vmem>>) target_semaphore(%arg14 : memref<!tpu.dma_semaphore, #tpu.memory_space<semaphore_mem>>)
    %dma_start3A_144 = arith.constant 0 : i32
    %dma_start3A_145 = arith.constant 0 : i32
    %dma_start3A_146 = arith.constant 0 : i32
    %dma_start3A_147 = arith.constant 0 : i32
    %dma_start3A_148 = tpu.memref_slice %arg11[%dma_start3A_145, %dma_start3A_146, %dma_start3A_147] : memref<4x64x128xf32, #tpu.memory_space<vmem>> -> memref<1x64x128xf32, #tpu.memory_space<vmem>>
    %dma_start3A_149 = tpu.memref_squeeze %dma_start3A_148 : memref<1x64x128xf32, #tpu.memory_space<vmem>> -> memref<64x128xf32, #tpu.memory_space<vmem>>
    %dma_start3A_150 = arith.constant 0 : i32
    %dma_start3A_151 = tpu.memref_slice %arg8[%dma_start3A_144, %dma_start3A_150] : memref<4x64xi32, #tpu.memory_space<vmem>> -> memref<1x64xi32, #tpu.memory_space<vmem>>
    %dma_start3A_152 = tpu.memref_squeeze %dma_start3A_151 : memref<1x64xi32, #tpu.memory_space<vmem>> -> memref<64xi32, #tpu.memory_space<vmem>>
    %dma_start3A_153 = arith.constant 0 : i32
    %dma_start3A_154 = arith.constant 0 : i32
    %dma_start3A_155 = tpu.memref_slice %arg2[%dma_start3A_153, %dma_start3A_154] : memref<10000x128xf32, #tpu.memory_space<hbm>> -> memref<10000x128xf32, #tpu.memory_space<hbm>>
    tpu.enqueue_indirect_dma source(%dma_start3A_155 : memref<10000x128xf32, #tpu.memory_space<hbm>>) target(%dma_start3A_149 : memref<64x128xf32, #tpu.memory_space<vmem>>) offsets(%dma_start3A_152 : memref<64xi32, #tpu.memory_space<vmem>>) semaphore(%arg15 : memref<!tpu.dma_semaphore, #tpu.memory_space<semaphore_mem>>)
    %dma_start3A_156 = arith.constant 1 : i32
    %dma_start3A_157 = arith.constant 1 : i32
    %dma_start3A_158 = arith.constant 0 : i32
    %dma_start3A_159 = arith.constant 0 : i32
    %dma_start3A_160 = tpu.memref_slice %arg11[%dma_start3A_157, %dma_start3A_158, %dma_start3A_159] : memref<4x64x128xf32, #tpu.memory_space<vmem>> -> memref<1x64x128xf32, #tpu.memory_space<vmem>>
    %dma_start3A_161 = tpu.memref_squeeze %dma_start3A_160 : memref<1x64x128xf32, #tpu.memory_space<vmem>> -> memref<64x128xf32, #tpu.memory_space<vmem>>
    %dma_start3A_162 = arith.constant 0 : i32
    %dma_start3A_163 = tpu.memref_slice %arg8[%dma_start3A_156, %dma_start3A_162] : memref<4x64xi32, #tpu.memory_space<vmem>> -> memref<1x64xi32, #tpu.memory_space<vmem>>
    %dma_start3A_164 = tpu.memref_squeeze %dma_start3A_163 : memref<1x64xi32, #tpu.memory_space<vmem>> -> memref<64xi32, #tpu.memory_space<vmem>>
    %dma_start3A_165 = arith.constant 0 : i32
    %dma_start3A_166 = arith.constant 0 : i32
    %dma_start3A_167 = tpu.memref_slice %arg2[%dma_start3A_165, %dma_start3A_166] : memref<10000x128xf32, #tpu.memory_space<hbm>> -> memref<10000x128xf32, #tpu.memory_space<hbm>>
    tpu.enqueue_indirect_dma source(%dma_start3A_167 : memref<10000x128xf32, #tpu.memory_space<hbm>>) target(%dma_start3A_161 : memref<64x128xf32, #tpu.memory_space<vmem>>) offsets(%dma_start3A_164 : memref<64xi32, #tpu.memory_space<vmem>>) semaphore(%arg15 : memref<!tpu.dma_semaphore, #tpu.memory_space<semaphore_mem>>)
    %broadcast_in_dim3A = arith.constant 0.000000e+00 : f32
    %broadcast_in_dim3A_168 = vector.broadcast %broadcast_in_dim3A : f32 to vector<16xf32>
    %parallel_loop3A = arith.constant 0 : i32
    %parallel_loop3A_169 = arith.constant 64 : i32
    %parallel_loop3A_170 = arith.constant 1 : i32
    scf.for %parallel_loop3A_231 = %parallel_loop3A to %parallel_loop3A_169 step %parallel_loop3A_170  : i32 {
      %parallel_loop3A_232 = arith.constant 3 : i32
      %parallel_loop3A_233 = arith.index_cast %parallel_loop3A_232 : i32 to index
      %parallel_loop3A_234 = arith.index_cast %parallel_loop3A_231 : i32 to index
      %parallel_loop3A_235 = arith.constant 0 : index
      %parallel_loop3A_236 = tpu.vector_load %arg11[%parallel_loop3A_233, %parallel_loop3A_234, %parallel_loop3A_235] {strides = array<i32>} : memref<4x64x128xf32, #tpu.memory_space<vmem>>, vector<1x1x16xf32>,
      %parallel_loop3A_237 = vector.shape_cast %parallel_loop3A_236 : vector<1x1x16xf32> to vector<16xf32>
      %parallel_loop3A_238 = vector.shape_cast %broadcast_in_dim3A_168 : vector<16xf32> to vector<1x1x16xf32>
      tpu.vector_store %arg11[%parallel_loop3A_233, %parallel_loop3A_234, %parallel_loop3A_235], %parallel_loop3A_238 {strides = array<i32>} : memref<4x64x128xf32, #tpu.memory_space<vmem>>, vector<1x1x16xf32>,
      %parallel_loop3A_239 = arith.constant 3 : i32
      %parallel_loop3A_240 = arith.index_cast %parallel_loop3A_239 : i32 to index
      %parallel_loop3A_241 = arith.index_cast %parallel_loop3A_231 : i32 to index
      %parallel_loop3A_242 = arith.constant 16 : index
      %parallel_loop3A_243 = tpu.vector_load %arg11[%parallel_loop3A_240, %parallel_loop3A_241, %parallel_loop3A_242] {strides = array<i32>} : memref<4x64x128xf32, #tpu.memory_space<vmem>>, vector<1x1x16xf32>,
      %parallel_loop3A_244 = vector.shape_cast %parallel_loop3A_243 : vector<1x1x16xf32> to vector<16xf32>
      %parallel_loop3A_245 = vector.shape_cast %broadcast_in_dim3A_168 : vector<16xf32> to vector<1x1x16xf32>
      tpu.vector_store %arg11[%parallel_loop3A_240, %parallel_loop3A_241, %parallel_loop3A_242], %parallel_loop3A_245 {strides = array<i32>} : memref<4x64x128xf32, #tpu.memory_space<vmem>>, vector<1x1x16xf32>,
      %parallel_loop3A_246 = arith.constant 3 : i32
      %parallel_loop3A_247 = arith.index_cast %parallel_loop3A_246 : i32 to index
      %parallel_loop3A_248 = arith.index_cast %parallel_loop3A_231 : i32 to index
      %parallel_loop3A_249 = arith.constant 32 : index
      %parallel_loop3A_250 = tpu.vector_load %arg11[%parallel_loop3A_247, %parallel_loop3A_248, %parallel_loop3A_249] {strides = array<i32>} : memref<4x64x128xf32, #tpu.memory_space<vmem>>, vector<1x1x16xf32>,
      %parallel_loop3A_251 = vector.shape_cast %parallel_loop3A_250 : vector<1x1x16xf32> to vector<16xf32>
      %parallel_loop3A_252 = vector.shape_cast %broadcast_in_dim3A_168 : vector<16xf32> to vector<1x1x16xf32>
      tpu.vector_store %arg11[%parallel_loop3A_247, %parallel_loop3A_248, %parallel_loop3A_249], %parallel_loop3A_252 {strides = array<i32>} : memref<4x64x128xf32, #tpu.memory_space<vmem>>, vector<1x1x16xf32>,
      %parallel_loop3A_253 = arith.constant 3 : i32
      %parallel_loop3A_254 = arith.index_cast %parallel_loop3A_253 : i32 to index
      %parallel_loop3A_255 = arith.index_cast %parallel_loop3A_231 : i32 to index
      %parallel_loop3A_256 = arith.constant 48 : index
      %parallel_loop3A_257 = tpu.vector_load %arg11[%parallel_loop3A_254, %parallel_loop3A_255, %parallel_loop3A_256] {strides = array<i32>} : memref<4x64x128xf32, #tpu.memory_space<vmem>>, vector<1x1x16xf32>,
      %parallel_loop3A_258 = vector.shape_cast %parallel_loop3A_257 : vector<1x1x16xf32> to vector<16xf32>
      %parallel_loop3A_259 = vector.shape_cast %broadcast_in_dim3A_168 : vector<16xf32> to vector<1x1x16xf32>
      tpu.vector_store %arg11[%parallel_loop3A_254, %parallel_loop3A_255, %parallel_loop3A_256], %parallel_loop3A_259 {strides = array<i32>} : memref<4x64x128xf32, #tpu.memory_space<vmem>>, vector<1x1x16xf32>,
      %parallel_loop3A_260 = arith.constant 3 : i32
      %parallel_loop3A_261 = arith.index_cast %parallel_loop3A_260 : i32 to index
      %parallel_loop3A_262 = arith.index_cast %parallel_loop3A_231 : i32 to index
      %parallel_loop3A_263 = arith.constant 64 : index
      %parallel_loop3A_264 = tpu.vector_load %arg11[%parallel_loop3A_261, %parallel_loop3A_262, %parallel_loop3A_263] {strides = array<i32>} : memref<4x64x128xf32, #tpu.memory_space<vmem>>, vector<1x1x16xf32>,
      %parallel_loop3A_265 = vector.shape_cast %parallel_loop3A_264 : vector<1x1x16xf32> to vector<16xf32>
      %parallel_loop3A_266 = vector.shape_cast %broadcast_in_dim3A_168 : vector<16xf32> to vector<1x1x16xf32>
      tpu.vector_store %arg11[%parallel_loop3A_261, %parallel_loop3A_262, %parallel_loop3A_263], %parallel_loop3A_266 {strides = array<i32>} : memref<4x64x128xf32, #tpu.memory_space<vmem>>, vector<1x1x16xf32>,
      %parallel_loop3A_267 = arith.constant 3 : i32
      %parallel_loop3A_268 = arith.index_cast %parallel_loop3A_267 : i32 to index
      %parallel_loop3A_269 = arith.index_cast %parallel_loop3A_231 : i32 to index
      %parallel_loop3A_270 = arith.constant 80 : index
      %parallel_loop3A_271 = tpu.vector_load %arg11[%parallel_loop3A_268, %parallel_loop3A_269, %parallel_loop3A_270] {strides = array<i32>} : memref<4x64x128xf32, #tpu.memory_space<vmem>>, vector<1x1x16xf32>,
      %parallel_loop3A_272 = vector.shape_cast %parallel_loop3A_271 : vector<1x1x16xf32> to vector<16xf32>
      %parallel_loop3A_273 = vector.shape_cast %broadcast_in_dim3A_168 : vector<16xf32> to vector<1x1x16xf32>
      tpu.vector_store %arg11[%parallel_loop3A_268, %parallel_loop3A_269, %parallel_loop3A_270], %parallel_loop3A_273 {strides = array<i32>} : memref<4x64x128xf32, #tpu.memory_space<vmem>>, vector<1x1x16xf32>,
      %parallel_loop3A_274 = arith.constant 3 : i32
      %parallel_loop3A_275 = arith.index_cast %parallel_loop3A_274 : i32 to index
      %parallel_loop3A_276 = arith.index_cast %parallel_loop3A_231 : i32 to index
      %parallel_loop3A_277 = arith.constant 96 : index
      %parallel_loop3A_278 = tpu.vector_load %arg11[%parallel_loop3A_275, %parallel_loop3A_276, %parallel_loop3A_277] {strides = array<i32>} : memref<4x64x128xf32, #tpu.memory_space<vmem>>, vector<1x1x16xf32>,
      %parallel_loop3A_279 = vector.shape_cast %parallel_loop3A_278 : vector<1x1x16xf32> to vector<16xf32>
      %parallel_loop3A_280 = vector.shape_cast %broadcast_in_dim3A_168 : vector<16xf32> to vector<1x1x16xf32>
      tpu.vector_store %arg11[%parallel_loop3A_275, %parallel_loop3A_276, %parallel_loop3A_277], %parallel_loop3A_280 {strides = array<i32>} : memref<4x64x128xf32, #tpu.memory_space<vmem>>, vector<1x1x16xf32>,
      %parallel_loop3A_281 = arith.constant 3 : i32
      %parallel_loop3A_282 = arith.index_cast %parallel_loop3A_281 : i32 to index
      %parallel_loop3A_283 = arith.index_cast %parallel_loop3A_231 : i32 to index
      %parallel_loop3A_284 = arith.constant 112 : index
      %parallel_loop3A_285 = tpu.vector_load %arg11[%parallel_loop3A_282, %parallel_loop3A_283, %parallel_loop3A_284] {strides = array<i32>} : memref<4x64x128xf32, #tpu.memory_space<vmem>>, vector<1x1x16xf32>,
      %parallel_loop3A_286 = vector.shape_cast %parallel_loop3A_285 : vector<1x1x16xf32> to vector<16xf32>
      %parallel_loop3A_287 = vector.shape_cast %broadcast_in_dim3A_168 : vector<16xf32> to vector<1x1x16xf32>
      tpu.vector_store %arg11[%parallel_loop3A_282, %parallel_loop3A_283, %parallel_loop3A_284], %parallel_loop3A_287 {strides = array<i32>} : memref<4x64x128xf32, #tpu.memory_space<vmem>>, vector<1x1x16xf32>,
    } {sc.loop_unroll_factor = 1 : i64, sc.parallel_access}
    %mul3A = arith.constant 632 : i32
    %mul3A_171 = arith.muli %arg1, %mul3A : i32
    %add3A = arith.constant 0 : i32
    %add3A_172 = arith.addi %mul3A_171, %add3A : i32
    %run_scoped3A = arith.constant 3 : i32
    "tpu.region"() ({
      %run_scoped3A_231 = tpu.sem_alloc : memref<!tpu.dma_semaphore, #tpu.memory_space<semaphore_mem>>
      %dma_start3A_232 = arith.constant 0 : i32
      %dma_start3A_233 = arith.constant 0 : i32
      %dma_start3A_234 = tpu.memref_slice %arg11[%run_scoped3A, %dma_start3A_232, %dma_start3A_233] : memref<4x64x128xf32, #tpu.memory_space<vmem>> -> memref<1x64x128xf32, #tpu.memory_space<vmem>>
      %dma_start3A_235 = tpu.memref_squeeze %dma_start3A_234 : memref<1x64x128xf32, #tpu.memory_space<vmem>> -> memref<64x128xf32, #tpu.memory_space<vmem>>
      %dma_start3A_236 = arith.constant 0 : i32
      %dma_start3A_237 = tpu.memref_slice %arg7[%add3A_172, %dma_start3A_236] : memref<10112x128xf32, #tpu.memory_space<vmem_shared>> -> memref<64x128xf32, #tpu.memory_space<vmem_shared>>
      %dma_start3A_238 = arith.constant 0 : i32
      %dma_start3A_239 = tpu.memref_slice %arg7[%add3A_172, %dma_start3A_238] : memref<10112x128xf32, #tpu.memory_space<vmem_shared>> -> memref<64x128xf32, #tpu.memory_space<vmem_shared>>
      %dma_start3A_240 = arith.constant 0 : i32
      %dma_start3A_241 = arith.constant 0 : i32
      %dma_start3A_242 = tpu.memref_slice %arg11[%run_scoped3A, %dma_start3A_240, %dma_start3A_241] : memref<4x64x128xf32, #tpu.memory_space<vmem>> -> memref<1x64x128xf32, #tpu.memory_space<vmem>>
      %dma_start3A_243 = tpu.memref_squeeze %dma_start3A_242 : memref<1x64x128xf32, #tpu.memory_space<vmem>> -> memref<64x128xf32, #tpu.memory_space<vmem>>
      tpu.enqueue_dma source(%dma_start3A_243 : memref<64x128xf32, #tpu.memory_space<vmem>>) target(%dma_start3A_239 : memref<64x128xf32, #tpu.memory_space<vmem_shared>>) target_semaphore(%run_scoped3A_231 : memref<!tpu.dma_semaphore, #tpu.memory_space<semaphore_mem>>)
      %dma_wait3A_244 = arith.constant 0 : i32
      %dma_wait3A_245 = arith.constant 0 : i32
      %dma_wait3A_246 = tpu.memref_slice %arg11[%run_scoped3A, %dma_wait3A_244, %dma_wait3A_245] : memref<4x64x128xf32, #tpu.memory_space<vmem>> -> memref<1x64x128xf32, #tpu.memory_space<vmem>>
      %dma_wait3A_247 = tpu.memref_squeeze %dma_wait3A_246 : memref<1x64x128xf32, #tpu.memory_space<vmem>> -> memref<64x128xf32, #tpu.memory_space<vmem>>
      %dma_wait3A_248 = arith.constant 0 : i32
      %dma_wait3A_249 = tpu.memref_slice %arg7[%add3A_172, %dma_wait3A_248] : memref<10112x128xf32, #tpu.memory_space<vmem_shared>> -> memref<64x128xf32, #tpu.memory_space<vmem_shared>>
      %dma_wait3A_250 = arith.constant 0 : i32
      %dma_wait3A_251 = tpu.memref_slice %arg7[%add3A_172, %dma_wait3A_250] : memref<10112x128xf32, #tpu.memory_space<vmem_shared>> -> memref<64x128xf32, #tpu.memory_space<vmem_shared>>
      %dma_wait3A_252 = arith.constant 0 : i32
      %dma_wait3A_253 = arith.constant 0 : i32
      %dma_wait3A_254 = tpu.memref_slice %arg11[%run_scoped3A, %dma_wait3A_252, %dma_wait3A_253] : memref<4x64x128xf32, #tpu.memory_space<vmem>> -> memref<1x64x128xf32, #tpu.memory_space<vmem>>
      %dma_wait3A_255 = tpu.memref_squeeze %dma_wait3A_254 : memref<1x64x128xf32, #tpu.memory_space<vmem>> -> memref<64x128xf32, #tpu.memory_space<vmem>>
      tpu.wait_dma2 semaphore(%run_scoped3A_231 : memref<!tpu.dma_semaphore, #tpu.memory_space<semaphore_mem>>) src(%dma_wait3A_255 : memref<64x128xf32, #tpu.memory_space<vmem>>) dst(%dma_wait3A_251 : memref<64x128xf32, #tpu.memory_space<vmem_shared>>)
      tpu.yield
    }) : () -> ()
    %add3A_173 = arith.constant 64 : i32
    %add3A_174 = arith.addi %mul3A_171, %add3A_173 : i32
    %run_scoped3A_175 = arith.constant 3 : i32
    "tpu.region"() ({
      %run_scoped3A_231 = tpu.sem_alloc : memref<!tpu.dma_semaphore, #tpu.memory_space<semaphore_mem>>
      %dma_start3A_232 = arith.constant 0 : i32
      %dma_start3A_233 = arith.constant 0 : i32
      %dma_start3A_234 = tpu.memref_slice %arg11[%run_scoped3A_175, %dma_start3A_232, %dma_start3A_233] : memref<4x64x128xf32, #tpu.memory_space<vmem>> -> memref<1x64x128xf32, #tpu.memory_space<vmem>>
      %dma_start3A_235 = tpu.memref_squeeze %dma_start3A_234 : memref<1x64x128xf32, #tpu.memory_space<vmem>> -> memref<64x128xf32, #tpu.memory_space<vmem>>
      %dma_start3A_236 = arith.constant 0 : i32
      %dma_start3A_237 = tpu.memref_slice %arg7[%add3A_174, %dma_start3A_236] : memref<10112x128xf32, #tpu.memory_space<vmem_shared>> -> memref<64x128xf32, #tpu.memory_space<vmem_shared>>
      %dma_start3A_238 = arith.constant 0 : i32
      %dma_start3A_239 = tpu.memref_slice %arg7[%add3A_174, %dma_start3A_238] : memref<10112x128xf32, #tpu.memory_space<vmem_shared>> -> memref<64x128xf32, #tpu.memory_space<vmem_shared>>
      %dma_start3A_240 = arith.constant 0 : i32
      %dma_start3A_241 = arith.constant 0 : i32
      %dma_start3A_242 = tpu.memref_slice %arg11[%run_scoped3A_175, %dma_start3A_240, %dma_start3A_241] : memref<4x64x128xf32, #tpu.memory_space<vmem>> -> memref<1x64x128xf32, #tpu.memory_space<vmem>>
      %dma_start3A_243 = tpu.memref_squeeze %dma_start3A_242 : memref<1x64x128xf32, #tpu.memory_space<vmem>> -> memref<64x128xf32, #tpu.memory_space<vmem>>
      tpu.enqueue_dma source(%dma_start3A_243 : memref<64x128xf32, #tpu.memory_space<vmem>>) target(%dma_start3A_239 : memref<64x128xf32, #tpu.memory_space<vmem_shared>>) target_semaphore(%run_scoped3A_231 : memref<!tpu.dma_semaphore, #tpu.memory_space<semaphore_mem>>)
      %dma_wait3A_244 = arith.constant 0 : i32
      %dma_wait3A_245 = arith.constant 0 : i32
      %dma_wait3A_246 = tpu.memref_slice %arg11[%run_scoped3A_175, %dma_wait3A_244, %dma_wait3A_245] : memref<4x64x128xf32, #tpu.memory_space<vmem>> -> memref<1x64x128xf32, #tpu.memory_space<vmem>>
      %dma_wait3A_247 = tpu.memref_squeeze %dma_wait3A_246 : memref<1x64x128xf32, #tpu.memory_space<vmem>> -> memref<64x128xf32, #tpu.memory_space<vmem>>
      %dma_wait3A_248 = arith.constant 0 : i32
      %dma_wait3A_249 = tpu.memref_slice %arg7[%add3A_174, %dma_wait3A_248] : memref<10112x128xf32, #tpu.memory_space<vmem_shared>> -> memref<64x128xf32, #tpu.memory_space<vmem_shared>>
      %dma_wait3A_250 = arith.constant 0 : i32
      %dma_wait3A_251 = tpu.memref_slice %arg7[%add3A_174, %dma_wait3A_250] : memref<10112x128xf32, #tpu.memory_space<vmem_shared>> -> memref<64x128xf32, #tpu.memory_space<vmem_shared>>
      %dma_wait3A_252 = arith.constant 0 : i32
      %dma_wait3A_253 = arith.constant 0 : i32
      %dma_wait3A_254 = tpu.memref_slice %arg11[%run_scoped3A_175, %dma_wait3A_252, %dma_wait3A_253] : memref<4x64x128xf32, #tpu.memory_space<vmem>> -> memref<1x64x128xf32, #tpu.memory_space<vmem>>
      %dma_wait3A_255 = tpu.memref_squeeze %dma_wait3A_254 : memref<1x64x128xf32, #tpu.memory_space<vmem>> -> memref<64x128xf32, #tpu.memory_space<vmem>>
      tpu.wait_dma2 semaphore(%run_scoped3A_231 : memref<!tpu.dma_semaphore, #tpu.memory_space<semaphore_mem>>) src(%dma_wait3A_255 : memref<64x128xf32, #tpu.memory_space<vmem>>) dst(%dma_wait3A_251 : memref<64x128xf32, #tpu.memory_space<vmem_shared>>)
      tpu.yield
    }) : () -> ()
    %add3A_176 = arith.constant 128 : i32
    %add3A_177 = arith.addi %mul3A_171, %add3A_176 : i32
    %run_scoped3A_178 = arith.constant 3 : i32
    "tpu.region"() ({
      %run_scoped3A_231 = tpu.sem_alloc : memref<!tpu.dma_semaphore, #tpu.memory_space<semaphore_mem>>
      %dma_start3A_232 = arith.constant 0 : i32
      %dma_start3A_233 = arith.constant 0 : i32
      %dma_start3A_234 = tpu.memref_slice %arg11[%run_scoped3A_178, %dma_start3A_232, %dma_start3A_233] : memref<4x64x128xf32, #tpu.memory_space<vmem>> -> memref<1x64x128xf32, #tpu.memory_space<vmem>>
      %dma_start3A_235 = tpu.memref_squeeze %dma_start3A_234 : memref<1x64x128xf32, #tpu.memory_space<vmem>> -> memref<64x128xf32, #tpu.memory_space<vmem>>
      %dma_start3A_236 = arith.constant 0 : i32
      %dma_start3A_237 = tpu.memref_slice %arg7[%add3A_177, %dma_start3A_236] : memref<10112x128xf32, #tpu.memory_space<vmem_shared>> -> memref<64x128xf32, #tpu.memory_space<vmem_shared>>
      %dma_start3A_238 = arith.constant 0 : i32
      %dma_start3A_239 = tpu.memref_slice %arg7[%add3A_177, %dma_start3A_238] : memref<10112x128xf32, #tpu.memory_space<vmem_shared>> -> memref<64x128xf32, #tpu.memory_space<vmem_shared>>
      %dma_start3A_240 = arith.constant 0 : i32
      %dma_start3A_241 = arith.constant 0 : i32
      %dma_start3A_242 = tpu.memref_slice %arg11[%run_scoped3A_178, %dma_start3A_240, %dma_start3A_241] : memref<4x64x128xf32, #tpu.memory_space<vmem>> -> memref<1x64x128xf32, #tpu.memory_space<vmem>>
      %dma_start3A_243 = tpu.memref_squeeze %dma_start3A_242 : memref<1x64x128xf32, #tpu.memory_space<vmem>> -> memref<64x128xf32, #tpu.memory_space<vmem>>
      tpu.enqueue_dma source(%dma_start3A_243 : memref<64x128xf32, #tpu.memory_space<vmem>>) target(%dma_start3A_239 : memref<64x128xf32, #tpu.memory_space<vmem_shared>>) target_semaphore(%run_scoped3A_231 : memref<!tpu.dma_semaphore, #tpu.memory_space<semaphore_mem>>)
      %dma_wait3A_244 = arith.constant 0 : i32
      %dma_wait3A_245 = arith.constant 0 : i32
      %dma_wait3A_246 = tpu.memref_slice %arg11[%run_scoped3A_178, %dma_wait3A_244, %dma_wait3A_245] : memref<4x64x128xf32, #tpu.memory_space<vmem>> -> memref<1x64x128xf32, #tpu.memory_space<vmem>>
      %dma_wait3A_247 = tpu.memref_squeeze %dma_wait3A_246 : memref<1x64x128xf32, #tpu.memory_space<vmem>> -> memref<64x128xf32, #tpu.memory_space<vmem>>
      %dma_wait3A_248 = arith.constant 0 : i32
      %dma_wait3A_249 = tpu.memref_slice %arg7[%add3A_177, %dma_wait3A_248] : memref<10112x128xf32, #tpu.memory_space<vmem_shared>> -> memref<64x128xf32, #tpu.memory_space<vmem_shared>>
      %dma_wait3A_250 = arith.constant 0 : i32
      %dma_wait3A_251 = tpu.memref_slice %arg7[%add3A_177, %dma_wait3A_250] : memref<10112x128xf32, #tpu.memory_space<vmem_shared>> -> memref<64x128xf32, #tpu.memory_space<vmem_shared>>
      %dma_wait3A_252 = arith.constant 0 : i32
      %dma_wait3A_253 = arith.constant 0 : i32
      %dma_wait3A_254 = tpu.memref_slice %arg11[%run_scoped3A_178, %dma_wait3A_252, %dma_wait3A_253] : memref<4x64x128xf32, #tpu.memory_space<vmem>> -> memref<1x64x128xf32, #tpu.memory_space<vmem>>
      %dma_wait3A_255 = tpu.memref_squeeze %dma_wait3A_254 : memref<1x64x128xf32, #tpu.memory_space<vmem>> -> memref<64x128xf32, #tpu.memory_space<vmem>>
      tpu.wait_dma2 semaphore(%run_scoped3A_231 : memref<!tpu.dma_semaphore, #tpu.memory_space<semaphore_mem>>) src(%dma_wait3A_255 : memref<64x128xf32, #tpu.memory_space<vmem>>) dst(%dma_wait3A_251 : memref<64x128xf32, #tpu.memory_space<vmem_shared>>)
      tpu.yield
    }) : () -> ()
    %add3A_179 = arith.constant 192 : i32
    %add3A_180 = arith.addi %mul3A_171, %add3A_179 : i32
    %run_scoped3A_181 = arith.constant 3 : i32
    "tpu.region"() ({
      %run_scoped3A_231 = tpu.sem_alloc : memref<!tpu.dma_semaphore, #tpu.memory_space<semaphore_mem>>
      %dma_start3A_232 = arith.constant 0 : i32
      %dma_start3A_233 = arith.constant 0 : i32
      %dma_start3A_234 = tpu.memref_slice %arg11[%run_scoped3A_181, %dma_start3A_232, %dma_start3A_233] : memref<4x64x128xf32, #tpu.memory_space<vmem>> -> memref<1x64x128xf32, #tpu.memory_space<vmem>>
      %dma_start3A_235 = tpu.memref_squeeze %dma_start3A_234 : memref<1x64x128xf32, #tpu.memory_space<vmem>> -> memref<64x128xf32, #tpu.memory_space<vmem>>
      %dma_start3A_236 = arith.constant 0 : i32
      %dma_start3A_237 = tpu.memref_slice %arg7[%add3A_180, %dma_start3A_236] : memref<10112x128xf32, #tpu.memory_space<vmem_shared>> -> memref<64x128xf32, #tpu.memory_space<vmem_shared>>
      %dma_start3A_238 = arith.constant 0 : i32
      %dma_start3A_239 = tpu.memref_slice %arg7[%add3A_180, %dma_start3A_238] : memref<10112x128xf32, #tpu.memory_space<vmem_shared>> -> memref<64x128xf32, #tpu.memory_space<vmem_shared>>
      %dma_start3A_240 = arith.constant 0 : i32
      %dma_start3A_241 = arith.constant 0 : i32
      %dma_start3A_242 = tpu.memref_slice %arg11[%run_scoped3A_181, %dma_start3A_240, %dma_start3A_241] : memref<4x64x128xf32, #tpu.memory_space<vmem>> -> memref<1x64x128xf32, #tpu.memory_space<vmem>>
      %dma_start3A_243 = tpu.memref_squeeze %dma_start3A_242 : memref<1x64x128xf32, #tpu.memory_space<vmem>> -> memref<64x128xf32, #tpu.memory_space<vmem>>
      tpu.enqueue_dma source(%dma_start3A_243 : memref<64x128xf32, #tpu.memory_space<vmem>>) target(%dma_start3A_239 : memref<64x128xf32, #tpu.memory_space<vmem_shared>>) target_semaphore(%run_scoped3A_231 : memref<!tpu.dma_semaphore, #tpu.memory_space<semaphore_mem>>)
      %dma_wait3A_244 = arith.constant 0 : i32
      %dma_wait3A_245 = arith.constant 0 : i32
      %dma_wait3A_246 = tpu.memref_slice %arg11[%run_scoped3A_181, %dma_wait3A_244, %dma_wait3A_245] : memref<4x64x128xf32, #tpu.memory_space<vmem>> -> memref<1x64x128xf32, #tpu.memory_space<vmem>>
      %dma_wait3A_247 = tpu.memref_squeeze %dma_wait3A_246 : memref<1x64x128xf32, #tpu.memory_space<vmem>> -> memref<64x128xf32, #tpu.memory_space<vmem>>
      %dma_wait3A_248 = arith.constant 0 : i32
      %dma_wait3A_249 = tpu.memref_slice %arg7[%add3A_180, %dma_wait3A_248] : memref<10112x128xf32, #tpu.memory_space<vmem_shared>> -> memref<64x128xf32, #tpu.memory_space<vmem_shared>>
      %dma_wait3A_250 = arith.constant 0 : i32
      %dma_wait3A_251 = tpu.memref_slice %arg7[%add3A_180, %dma_wait3A_250] : memref<10112x128xf32, #tpu.memory_space<vmem_shared>> -> memref<64x128xf32, #tpu.memory_space<vmem_shared>>
      %dma_wait3A_252 = arith.constant 0 : i32
      %dma_wait3A_253 = arith.constant 0 : i32
      %dma_wait3A_254 = tpu.memref_slice %arg11[%run_scoped3A_181, %dma_wait3A_252, %dma_wait3A_253] : memref<4x64x128xf32, #tpu.memory_space<vmem>> -> memref<1x64x128xf32, #tpu.memory_space<vmem>>
      %dma_wait3A_255 = tpu.memref_squeeze %dma_wait3A_254 : memref<1x64x128xf32, #tpu.memory_space<vmem>> -> memref<64x128xf32, #tpu.memory_space<vmem>>
      tpu.wait_dma2 semaphore(%run_scoped3A_231 : memref<!tpu.dma_semaphore, #tpu.memory_space<semaphore_mem>>) src(%dma_wait3A_255 : memref<64x128xf32, #tpu.memory_space<vmem>>) dst(%dma_wait3A_251 : memref<64x128xf32, #tpu.memory_space<vmem_shared>>)
      tpu.yield
    }) : () -> ()
    %add3A_182 = arith.constant 256 : i32
    %add3A_183 = arith.addi %mul3A_171, %add3A_182 : i32
    %run_scoped3A_184 = arith.constant 3 : i32
    "tpu.region"() ({
      %run_scoped3A_231 = tpu.sem_alloc : memref<!tpu.dma_semaphore, #tpu.memory_space<semaphore_mem>>
      %dma_start3A_232 = arith.constant 0 : i32
      %dma_start3A_233 = arith.constant 0 : i32
      %dma_start3A_234 = tpu.memref_slice %arg11[%run_scoped3A_184, %dma_start3A_232, %dma_start3A_233] : memref<4x64x128xf32, #tpu.memory_space<vmem>> -> memref<1x64x128xf32, #tpu.memory_space<vmem>>
      %dma_start3A_235 = tpu.memref_squeeze %dma_start3A_234 : memref<1x64x128xf32, #tpu.memory_space<vmem>> -> memref<64x128xf32, #tpu.memory_space<vmem>>
      %dma_start3A_236 = arith.constant 0 : i32
      %dma_start3A_237 = tpu.memref_slice %arg7[%add3A_183, %dma_start3A_236] : memref<10112x128xf32, #tpu.memory_space<vmem_shared>> -> memref<64x128xf32, #tpu.memory_space<vmem_shared>>
      %dma_start3A_238 = arith.constant 0 : i32
      %dma_start3A_239 = tpu.memref_slice %arg7[%add3A_183, %dma_start3A_238] : memref<10112x128xf32, #tpu.memory_space<vmem_shared>> -> memref<64x128xf32, #tpu.memory_space<vmem_shared>>
      %dma_start3A_240 = arith.constant 0 : i32
      %dma_start3A_241 = arith.constant 0 : i32
      %dma_start3A_242 = tpu.memref_slice %arg11[%run_scoped3A_184, %dma_start3A_240, %dma_start3A_241] : memref<4x64x128xf32, #tpu.memory_space<vmem>> -> memref<1x64x128xf32, #tpu.memory_space<vmem>>
      %dma_start3A_243 = tpu.memref_squeeze %dma_start3A_242 : memref<1x64x128xf32, #tpu.memory_space<vmem>> -> memref<64x128xf32, #tpu.memory_space<vmem>>
      tpu.enqueue_dma source(%dma_start3A_243 : memref<64x128xf32, #tpu.memory_space<vmem>>) target(%dma_start3A_239 : memref<64x128xf32, #tpu.memory_space<vmem_shared>>) target_semaphore(%run_scoped3A_231 : memref<!tpu.dma_semaphore, #tpu.memory_space<semaphore_mem>>)
      %dma_wait3A_244 = arith.constant 0 : i32
      %dma_wait3A_245 = arith.constant 0 : i32
      %dma_wait3A_246 = tpu.memref_slice %arg11[%run_scoped3A_184, %dma_wait3A_244, %dma_wait3A_245] : memref<4x64x128xf32, #tpu.memory_space<vmem>> -> memref<1x64x128xf32, #tpu.memory_space<vmem>>
      %dma_wait3A_247 = tpu.memref_squeeze %dma_wait3A_246 : memref<1x64x128xf32, #tpu.memory_space<vmem>> -> memref<64x128xf32, #tpu.memory_space<vmem>>
      %dma_wait3A_248 = arith.constant 0 : i32
      %dma_wait3A_249 = tpu.memref_slice %arg7[%add3A_183, %dma_wait3A_248] : memref<10112x128xf32, #tpu.memory_space<vmem_shared>> -> memref<64x128xf32, #tpu.memory_space<vmem_shared>>
      %dma_wait3A_250 = arith.constant 0 : i32
      %dma_wait3A_251 = tpu.memref_slice %arg7[%add3A_183, %dma_wait3A_250] : memref<10112x128xf32, #tpu.memory_space<vmem_shared>> -> memref<64x128xf32, #tpu.memory_space<vmem_shared>>
      %dma_wait3A_252 = arith.constant 0 : i32
      %dma_wait3A_253 = arith.constant 0 : i32
      %dma_wait3A_254 = tpu.memref_slice %arg11[%run_scoped3A_184, %dma_wait3A_252, %dma_wait3A_253] : memref<4x64x128xf32, #tpu.memory_space<vmem>> -> memref<1x64x128xf32, #tpu.memory_space<vmem>>
      %dma_wait3A_255 = tpu.memref_squeeze %dma_wait3A_254 : memref<1x64x128xf32, #tpu.memory_space<vmem>> -> memref<64x128xf32, #tpu.memory_space<vmem>>
      tpu.wait_dma2 semaphore(%run_scoped3A_231 : memref<!tpu.dma_semaphore, #tpu.memory_space<semaphore_mem>>) src(%dma_wait3A_255 : memref<64x128xf32, #tpu.memory_space<vmem>>) dst(%dma_wait3A_251 : memref<64x128xf32, #tpu.memory_space<vmem_shared>>)
      tpu.yield
    }) : () -> ()
    %add3A_185 = arith.constant 320 : i32
    %add3A_186 = arith.addi %mul3A_171, %add3A_185 : i32
    %run_scoped3A_187 = arith.constant 3 : i32
    "tpu.region"() ({
      %run_scoped3A_231 = tpu.sem_alloc : memref<!tpu.dma_semaphore, #tpu.memory_space<semaphore_mem>>
      %dma_start3A_232 = arith.constant 0 : i32
      %dma_start3A_233 = arith.constant 0 : i32
      %dma_start3A_234 = tpu.memref_slice %arg11[%run_scoped3A_187, %dma_start3A_232, %dma_start3A_233] : memref<4x64x128xf32, #tpu.memory_space<vmem>> -> memref<1x64x128xf32, #tpu.memory_space<vmem>>
      %dma_start3A_235 = tpu.memref_squeeze %dma_start3A_234 : memref<1x64x128xf32, #tpu.memory_space<vmem>> -> memref<64x128xf32, #tpu.memory_space<vmem>>
      %dma_start3A_236 = arith.constant 0 : i32
      %dma_start3A_237 = tpu.memref_slice %arg7[%add3A_186, %dma_start3A_236] : memref<10112x128xf32, #tpu.memory_space<vmem_shared>> -> memref<64x128xf32, #tpu.memory_space<vmem_shared>>
      %dma_start3A_238 = arith.constant 0 : i32
      %dma_start3A_239 = tpu.memref_slice %arg7[%add3A_186, %dma_start3A_238] : memref<10112x128xf32, #tpu.memory_space<vmem_shared>> -> memref<64x128xf32, #tpu.memory_space<vmem_shared>>
      %dma_start3A_240 = arith.constant 0 : i32
      %dma_start3A_241 = arith.constant 0 : i32
      %dma_start3A_242 = tpu.memref_slice %arg11[%run_scoped3A_187, %dma_start3A_240, %dma_start3A_241] : memref<4x64x128xf32, #tpu.memory_space<vmem>> -> memref<1x64x128xf32, #tpu.memory_space<vmem>>
      %dma_start3A_243 = tpu.memref_squeeze %dma_start3A_242 : memref<1x64x128xf32, #tpu.memory_space<vmem>> -> memref<64x128xf32, #tpu.memory_space<vmem>>
      tpu.enqueue_dma source(%dma_start3A_243 : memref<64x128xf32, #tpu.memory_space<vmem>>) target(%dma_start3A_239 : memref<64x128xf32, #tpu.memory_space<vmem_shared>>) target_semaphore(%run_scoped3A_231 : memref<!tpu.dma_semaphore, #tpu.memory_space<semaphore_mem>>)
      %dma_wait3A_244 = arith.constant 0 : i32
      %dma_wait3A_245 = arith.constant 0 : i32
      %dma_wait3A_246 = tpu.memref_slice %arg11[%run_scoped3A_187, %dma_wait3A_244, %dma_wait3A_245] : memref<4x64x128xf32, #tpu.memory_space<vmem>> -> memref<1x64x128xf32, #tpu.memory_space<vmem>>
      %dma_wait3A_247 = tpu.memref_squeeze %dma_wait3A_246 : memref<1x64x128xf32, #tpu.memory_space<vmem>> -> memref<64x128xf32, #tpu.memory_space<vmem>>
      %dma_wait3A_248 = arith.constant 0 : i32
      %dma_wait3A_249 = tpu.memref_slice %arg7[%add3A_186, %dma_wait3A_248] : memref<10112x128xf32, #tpu.memory_space<vmem_shared>> -> memref<64x128xf32, #tpu.memory_space<vmem_shared>>
      %dma_wait3A_250 = arith.constant 0 : i32
      %dma_wait3A_251 = tpu.memref_slice %arg7[%add3A_186, %dma_wait3A_250] : memref<10112x128xf32, #tpu.memory_space<vmem_shared>> -> memref<64x128xf32, #tpu.memory_space<vmem_shared>>
      %dma_wait3A_252 = arith.constant 0 : i32
      %dma_wait3A_253 = arith.constant 0 : i32
      %dma_wait3A_254 = tpu.memref_slice %arg11[%run_scoped3A_187, %dma_wait3A_252, %dma_wait3A_253] : memref<4x64x128xf32, #tpu.memory_space<vmem>> -> memref<1x64x128xf32, #tpu.memory_space<vmem>>
      %dma_wait3A_255 = tpu.memref_squeeze %dma_wait3A_254 : memref<1x64x128xf32, #tpu.memory_space<vmem>> -> memref<64x128xf32, #tpu.memory_space<vmem>>
      tpu.wait_dma2 semaphore(%run_scoped3A_231 : memref<!tpu.dma_semaphore, #tpu.memory_space<semaphore_mem>>) src(%dma_wait3A_255 : memref<64x128xf32, #tpu.memory_space<vmem>>) dst(%dma_wait3A_251 : memref<64x128xf32, #tpu.memory_space<vmem_shared>>)
      tpu.yield
    }) : () -> ()
    %add3A_188 = arith.constant 384 : i32
    %add3A_189 = arith.addi %mul3A_171, %add3A_188 : i32
    %run_scoped3A_190 = arith.constant 3 : i32
    "tpu.region"() ({
      %run_scoped3A_231 = tpu.sem_alloc : memref<!tpu.dma_semaphore, #tpu.memory_space<semaphore_mem>>
      %dma_start3A_232 = arith.constant 0 : i32
      %dma_start3A_233 = arith.constant 0 : i32
      %dma_start3A_234 = tpu.memref_slice %arg11[%run_scoped3A_190, %dma_start3A_232, %dma_start3A_233] : memref<4x64x128xf32, #tpu.memory_space<vmem>> -> memref<1x64x128xf32, #tpu.memory_space<vmem>>
      %dma_start3A_235 = tpu.memref_squeeze %dma_start3A_234 : memref<1x64x128xf32, #tpu.memory_space<vmem>> -> memref<64x128xf32, #tpu.memory_space<vmem>>
      %dma_start3A_236 = arith.constant 0 : i32
      %dma_start3A_237 = tpu.memref_slice %arg7[%add3A_189, %dma_start3A_236] : memref<10112x128xf32, #tpu.memory_space<vmem_shared>> -> memref<64x128xf32, #tpu.memory_space<vmem_shared>>
      %dma_start3A_238 = arith.constant 0 : i32
      %dma_start3A_239 = tpu.memref_slice %arg7[%add3A_189, %dma_start3A_238] : memref<10112x128xf32, #tpu.memory_space<vmem_shared>> -> memref<64x128xf32, #tpu.memory_space<vmem_shared>>
      %dma_start3A_240 = arith.constant 0 : i32
      %dma_start3A_241 = arith.constant 0 : i32
      %dma_start3A_242 = tpu.memref_slice %arg11[%run_scoped3A_190, %dma_start3A_240, %dma_start3A_241] : memref<4x64x128xf32, #tpu.memory_space<vmem>> -> memref<1x64x128xf32, #tpu.memory_space<vmem>>
      %dma_start3A_243 = tpu.memref_squeeze %dma_start3A_242 : memref<1x64x128xf32, #tpu.memory_space<vmem>> -> memref<64x128xf32, #tpu.memory_space<vmem>>
      tpu.enqueue_dma source(%dma_start3A_243 : memref<64x128xf32, #tpu.memory_space<vmem>>) target(%dma_start3A_239 : memref<64x128xf32, #tpu.memory_space<vmem_shared>>) target_semaphore(%run_scoped3A_231 : memref<!tpu.dma_semaphore, #tpu.memory_space<semaphore_mem>>)
      %dma_wait3A_244 = arith.constant 0 : i32
      %dma_wait3A_245 = arith.constant 0 : i32
      %dma_wait3A_246 = tpu.memref_slice %arg11[%run_scoped3A_190, %dma_wait3A_244, %dma_wait3A_245] : memref<4x64x128xf32, #tpu.memory_space<vmem>> -> memref<1x64x128xf32, #tpu.memory_space<vmem>>
      %dma_wait3A_247 = tpu.memref_squeeze %dma_wait3A_246 : memref<1x64x128xf32, #tpu.memory_space<vmem>> -> memref<64x128xf32, #tpu.memory_space<vmem>>
      %dma_wait3A_248 = arith.constant 0 : i32
      %dma_wait3A_249 = tpu.memref_slice %arg7[%add3A_189, %dma_wait3A_248] : memref<10112x128xf32, #tpu.memory_space<vmem_shared>> -> memref<64x128xf32, #tpu.memory_space<vmem_shared>>
      %dma_wait3A_250 = arith.constant 0 : i32
      %dma_wait3A_251 = tpu.memref_slice %arg7[%add3A_189, %dma_wait3A_250] : memref<10112x128xf32, #tpu.memory_space<vmem_shared>> -> memref<64x128xf32, #tpu.memory_space<vmem_shared>>
      %dma_wait3A_252 = arith.constant 0 : i32
      %dma_wait3A_253 = arith.constant 0 : i32
      %dma_wait3A_254 = tpu.memref_slice %arg11[%run_scoped3A_190, %dma_wait3A_252, %dma_wait3A_253] : memref<4x64x128xf32, #tpu.memory_space<vmem>> -> memref<1x64x128xf32, #tpu.memory_space<vmem>>
      %dma_wait3A_255 = tpu.memref_squeeze %dma_wait3A_254 : memref<1x64x128xf32, #tpu.memory_space<vmem>> -> memref<64x128xf32, #tpu.memory_space<vmem>>
      tpu.wait_dma2 semaphore(%run_scoped3A_231 : memref<!tpu.dma_semaphore, #tpu.memory_space<semaphore_mem>>) src(%dma_wait3A_255 : memref<64x128xf32, #tpu.memory_space<vmem>>) dst(%dma_wait3A_251 : memref<64x128xf32, #tpu.memory_space<vmem_shared>>)
      tpu.yield
    }) : () -> ()
    %add3A_191 = arith.constant 448 : i32
    %add3A_192 = arith.addi %mul3A_171, %add3A_191 : i32
    %run_scoped3A_193 = arith.constant 3 : i32
    "tpu.region"() ({
      %run_scoped3A_231 = tpu.sem_alloc : memref<!tpu.dma_semaphore, #tpu.memory_space<semaphore_mem>>
      %dma_start3A_232 = arith.constant 0 : i32
      %dma_start3A_233 = arith.constant 0 : i32
      %dma_start3A_234 = tpu.memref_slice %arg11[%run_scoped3A_193, %dma_start3A_232, %dma_start3A_233] : memref<4x64x128xf32, #tpu.memory_space<vmem>> -> memref<1x64x128xf32, #tpu.memory_space<vmem>>
      %dma_start3A_235 = tpu.memref_squeeze %dma_start3A_234 : memref<1x64x128xf32, #tpu.memory_space<vmem>> -> memref<64x128xf32, #tpu.memory_space<vmem>>
      %dma_start3A_236 = arith.constant 0 : i32
      %dma_start3A_237 = tpu.memref_slice %arg7[%add3A_192, %dma_start3A_236] : memref<10112x128xf32, #tpu.memory_space<vmem_shared>> -> memref<64x128xf32, #tpu.memory_space<vmem_shared>>
      %dma_start3A_238 = arith.constant 0 : i32
      %dma_start3A_239 = tpu.memref_slice %arg7[%add3A_192, %dma_start3A_238] : memref<10112x128xf32, #tpu.memory_space<vmem_shared>> -> memref<64x128xf32, #tpu.memory_space<vmem_shared>>
      %dma_start3A_240 = arith.constant 0 : i32
      %dma_start3A_241 = arith.constant 0 : i32
      %dma_start3A_242 = tpu.memref_slice %arg11[%run_scoped3A_193, %dma_start3A_240, %dma_start3A_241] : memref<4x64x128xf32, #tpu.memory_space<vmem>> -> memref<1x64x128xf32, #tpu.memory_space<vmem>>
      %dma_start3A_243 = tpu.memref_squeeze %dma_start3A_242 : memref<1x64x128xf32, #tpu.memory_space<vmem>> -> memref<64x128xf32, #tpu.memory_space<vmem>>
      tpu.enqueue_dma source(%dma_start3A_243 : memref<64x128xf32, #tpu.memory_space<vmem>>) target(%dma_start3A_239 : memref<64x128xf32, #tpu.memory_space<vmem_shared>>) target_semaphore(%run_scoped3A_231 : memref<!tpu.dma_semaphore, #tpu.memory_space<semaphore_mem>>)
      %dma_wait3A_244 = arith.constant 0 : i32
      %dma_wait3A_245 = arith.constant 0 : i32
      %dma_wait3A_246 = tpu.memref_slice %arg11[%run_scoped3A_193, %dma_wait3A_244, %dma_wait3A_245] : memref<4x64x128xf32, #tpu.memory_space<vmem>> -> memref<1x64x128xf32, #tpu.memory_space<vmem>>
      %dma_wait3A_247 = tpu.memref_squeeze %dma_wait3A_246 : memref<1x64x128xf32, #tpu.memory_space<vmem>> -> memref<64x128xf32, #tpu.memory_space<vmem>>
      %dma_wait3A_248 = arith.constant 0 : i32
      %dma_wait3A_249 = tpu.memref_slice %arg7[%add3A_192, %dma_wait3A_248] : memref<10112x128xf32, #tpu.memory_space<vmem_shared>> -> memref<64x128xf32, #tpu.memory_space<vmem_shared>>
      %dma_wait3A_250 = arith.constant 0 : i32
      %dma_wait3A_251 = tpu.memref_slice %arg7[%add3A_192, %dma_wait3A_250] : memref<10112x128xf32, #tpu.memory_space<vmem_shared>> -> memref<64x128xf32, #tpu.memory_space<vmem_shared>>
      %dma_wait3A_252 = arith.constant 0 : i32
      %dma_wait3A_253 = arith.constant 0 : i32
      %dma_wait3A_254 = tpu.memref_slice %arg11[%run_scoped3A_193, %dma_wait3A_252, %dma_wait3A_253] : memref<4x64x128xf32, #tpu.memory_space<vmem>> -> memref<1x64x128xf32, #tpu.memory_space<vmem>>
      %dma_wait3A_255 = tpu.memref_squeeze %dma_wait3A_254 : memref<1x64x128xf32, #tpu.memory_space<vmem>> -> memref<64x128xf32, #tpu.memory_space<vmem>>
      tpu.wait_dma2 semaphore(%run_scoped3A_231 : memref<!tpu.dma_semaphore, #tpu.memory_space<semaphore_mem>>) src(%dma_wait3A_255 : memref<64x128xf32, #tpu.memory_space<vmem>>) dst(%dma_wait3A_251 : memref<64x128xf32, #tpu.memory_space<vmem_shared>>)
      tpu.yield
    }) : () -> ()
    %add3A_194 = arith.constant 512 : i32
    %add3A_195 = arith.addi %mul3A_171, %add3A_194 : i32
    %run_scoped3A_196 = arith.constant 3 : i32
    "tpu.region"() ({
      %run_scoped3A_231 = tpu.sem_alloc : memref<!tpu.dma_semaphore, #tpu.memory_space<semaphore_mem>>
      %dma_start3A_232 = arith.constant 0 : i32
      %dma_start3A_233 = arith.constant 0 : i32
      %dma_start3A_234 = tpu.memref_slice %arg11[%run_scoped3A_196, %dma_start3A_232, %dma_start3A_233] : memref<4x64x128xf32, #tpu.memory_space<vmem>> -> memref<1x64x128xf32, #tpu.memory_space<vmem>>
      %dma_start3A_235 = tpu.memref_squeeze %dma_start3A_234 : memref<1x64x128xf32, #tpu.memory_space<vmem>> -> memref<64x128xf32, #tpu.memory_space<vmem>>
      %dma_start3A_236 = arith.constant 0 : i32
      %dma_start3A_237 = tpu.memref_slice %arg7[%add3A_195, %dma_start3A_236] : memref<10112x128xf32, #tpu.memory_space<vmem_shared>> -> memref<64x128xf32, #tpu.memory_space<vmem_shared>>
      %dma_start3A_238 = arith.constant 0 : i32
      %dma_start3A_239 = tpu.memref_slice %arg7[%add3A_195, %dma_start3A_238] : memref<10112x128xf32, #tpu.memory_space<vmem_shared>> -> memref<64x128xf32, #tpu.memory_space<vmem_shared>>
      %dma_start3A_240 = arith.constant 0 : i32
      %dma_start3A_241 = arith.constant 0 : i32
      %dma_start3A_242 = tpu.memref_slice %arg11[%run_scoped3A_196, %dma_start3A_240, %dma_start3A_241] : memref<4x64x128xf32, #tpu.memory_space<vmem>> -> memref<1x64x128xf32, #tpu.memory_space<vmem>>
      %dma_start3A_243 = tpu.memref_squeeze %dma_start3A_242 : memref<1x64x128xf32, #tpu.memory_space<vmem>> -> memref<64x128xf32, #tpu.memory_space<vmem>>
      tpu.enqueue_dma source(%dma_start3A_243 : memref<64x128xf32, #tpu.memory_space<vmem>>) target(%dma_start3A_239 : memref<64x128xf32, #tpu.memory_space<vmem_shared>>) target_semaphore(%run_scoped3A_231 : memref<!tpu.dma_semaphore, #tpu.memory_space<semaphore_mem>>)
      %dma_wait3A_244 = arith.constant 0 : i32
      %dma_wait3A_245 = arith.constant 0 : i32
      %dma_wait3A_246 = tpu.memref_slice %arg11[%run_scoped3A_196, %dma_wait3A_244, %dma_wait3A_245] : memref<4x64x128xf32, #tpu.memory_space<vmem>> -> memref<1x64x128xf32, #tpu.memory_space<vmem>>
      %dma_wait3A_247 = tpu.memref_squeeze %dma_wait3A_246 : memref<1x64x128xf32, #tpu.memory_space<vmem>> -> memref<64x128xf32, #tpu.memory_space<vmem>>
      %dma_wait3A_248 = arith.constant 0 : i32
      %dma_wait3A_249 = tpu.memref_slice %arg7[%add3A_195, %dma_wait3A_248] : memref<10112x128xf32, #tpu.memory_space<vmem_shared>> -> memref<64x128xf32, #tpu.memory_space<vmem_shared>>
      %dma_wait3A_250 = arith.constant 0 : i32
      %dma_wait3A_251 = tpu.memref_slice %arg7[%add3A_195, %dma_wait3A_250] : memref<10112x128xf32, #tpu.memory_space<vmem_shared>> -> memref<64x128xf32, #tpu.memory_space<vmem_shared>>
      %dma_wait3A_252 = arith.constant 0 : i32
      %dma_wait3A_253 = arith.constant 0 : i32
      %dma_wait3A_254 = tpu.memref_slice %arg11[%run_scoped3A_196, %dma_wait3A_252, %dma_wait3A_253] : memref<4x64x128xf32, #tpu.memory_space<vmem>> -> memref<1x64x128xf32, #tpu.memory_space<vmem>>
      %dma_wait3A_255 = tpu.memref_squeeze %dma_wait3A_254 : memref<1x64x128xf32, #tpu.memory_space<vmem>> -> memref<64x128xf32, #tpu.memory_space<vmem>>
      tpu.wait_dma2 semaphore(%run_scoped3A_231 : memref<!tpu.dma_semaphore, #tpu.memory_space<semaphore_mem>>) src(%dma_wait3A_255 : memref<64x128xf32, #tpu.memory_space<vmem>>) dst(%dma_wait3A_251 : memref<64x128xf32, #tpu.memory_space<vmem_shared>>)
      tpu.yield
    }) : () -> ()
    %add3A_197 = arith.constant 632 : i32
    %add3A_198 = arith.addi %mul3A_171, %add3A_197 : i32
    %sub3A = arith.constant 56 : i32
    %sub3A_199 = arith.subi %add3A_198, %sub3A : i32
    %run_scoped3A_200 = arith.constant 3 : i32
    "tpu.region"() ({
      %run_scoped3A_231 = tpu.sem_alloc : memref<!tpu.dma_semaphore, #tpu.memory_space<semaphore_mem>>
      %dma_start3A_232 = arith.constant 0 : i32
      %dma_start3A_233 = arith.constant 0 : i32
      %dma_start3A_234 = tpu.memref_slice %arg11[%run_scoped3A_200, %dma_start3A_232, %dma_start3A_233] : memref<4x64x128xf32, #tpu.memory_space<vmem>> -> memref<1x56x128xf32, #tpu.memory_space<vmem>>
      %dma_start3A_235 = tpu.memref_squeeze %dma_start3A_234 : memref<1x56x128xf32, #tpu.memory_space<vmem>> -> memref<56x128xf32, #tpu.memory_space<vmem>>
      %dma_start3A_236 = arith.constant 0 : i32
      %dma_start3A_237 = tpu.memref_slice %arg7[%sub3A_199, %dma_start3A_236] : memref<10112x128xf32, #tpu.memory_space<vmem_shared>> -> memref<56x128xf32, #tpu.memory_space<vmem_shared>>
      %dma_start3A_238 = arith.constant 0 : i32
      %dma_start3A_239 = tpu.memref_slice %arg7[%sub3A_199, %dma_start3A_238] : memref<10112x128xf32, #tpu.memory_space<vmem_shared>> -> memref<56x128xf32, #tpu.memory_space<vmem_shared>>
      %dma_start3A_240 = arith.constant 0 : i32
      %dma_start3A_241 = arith.constant 0 : i32
      %dma_start3A_242 = tpu.memref_slice %arg11[%run_scoped3A_200, %dma_start3A_240, %dma_start3A_241] : memref<4x64x128xf32, #tpu.memory_space<vmem>> -> memref<1x56x128xf32, #tpu.memory_space<vmem>>
      %dma_start3A_243 = tpu.memref_squeeze %dma_start3A_242 : memref<1x56x128xf32, #tpu.memory_space<vmem>> -> memref<56x128xf32, #tpu.memory_space<vmem>>
      tpu.enqueue_dma source(%dma_start3A_243 : memref<56x128xf32, #tpu.memory_space<vmem>>) target(%dma_start3A_239 : memref<56x128xf32, #tpu.memory_space<vmem_shared>>) target_semaphore(%run_scoped3A_231 : memref<!tpu.dma_semaphore, #tpu.memory_space<semaphore_mem>>)
      %dma_wait3A_244 = arith.constant 0 : i32
      %dma_wait3A_245 = arith.constant 0 : i32
      %dma_wait3A_246 = tpu.memref_slice %arg11[%run_scoped3A_200, %dma_wait3A_244, %dma_wait3A_245] : memref<4x64x128xf32, #tpu.memory_space<vmem>> -> memref<1x56x128xf32, #tpu.memory_space<vmem>>
      %dma_wait3A_247 = tpu.memref_squeeze %dma_wait3A_246 : memref<1x56x128xf32, #tpu.memory_space<vmem>> -> memref<56x128xf32, #tpu.memory_space<vmem>>
      %dma_wait3A_248 = arith.constant 0 : i32
      %dma_wait3A_249 = tpu.memref_slice %arg7[%sub3A_199, %dma_wait3A_248] : memref<10112x128xf32, #tpu.memory_space<vmem_shared>> -> memref<56x128xf32, #tpu.memory_space<vmem_shared>>
      %dma_wait3A_250 = arith.constant 0 : i32
      %dma_wait3A_251 = tpu.memref_slice %arg7[%sub3A_199, %dma_wait3A_250] : memref<10112x128xf32, #tpu.memory_space<vmem_shared>> -> memref<56x128xf32, #tpu.memory_space<vmem_shared>>
      %dma_wait3A_252 = arith.constant 0 : i32
      %dma_wait3A_253 = arith.constant 0 : i32
      %dma_wait3A_254 = tpu.memref_slice %arg11[%run_scoped3A_200, %dma_wait3A_252, %dma_wait3A_253] : memref<4x64x128xf32, #tpu.memory_space<vmem>> -> memref<1x56x128xf32, #tpu.memory_space<vmem>>
      %dma_wait3A_255 = tpu.memref_squeeze %dma_wait3A_254 : memref<1x56x128xf32, #tpu.memory_space<vmem>> -> memref<56x128xf32, #tpu.memory_space<vmem>>
      tpu.wait_dma2 semaphore(%run_scoped3A_231 : memref<!tpu.dma_semaphore, #tpu.memory_space<semaphore_mem>>) src(%dma_wait3A_255 : memref<56x128xf32, #tpu.memory_space<vmem>>) dst(%dma_wait3A_251 : memref<56x128xf32, #tpu.memory_space<vmem_shared>>)
      tpu.yield
    }) : () -> ()
    %barrier3A = arith.constant 0 : index
    tpu.barrier barrier_id(%barrier3A)
    %scan3A = arith.constant 0 : i32
    %scan3A_201 = arith.constant 0 : i32
    %scan3A_202 = arith.constant 20 : i32
    %scan3A_203 = arith.addi %scan3A_201, %scan3A_202 : i32
    %scan3A_204 = arith.constant 1 : i32
    scf.for %scan3A_231 = %scan3A_201 to %scan3A_203 step %scan3A_204  : i32 {
      %mul3A_232 = arith.constant 4 : i32
      %mul3A_233 = arith.muli %scan3A_231, %mul3A_232 : i32
      %add3A_234 = arith.constant 0 : i32
      %add3A_235 = arith.addi %mul3A_233, %add3A_234 : i32
      %mul3A_236 = arith.constant 64 : i32
      %mul3A_237 = arith.muli %add3A_235, %mul3A_236 : i32
      %dma_wait3A_238 = arith.constant 0 : i32
      %dma_wait3A_239 = arith.constant 0 : i32
      %dma_wait3A_240 = arith.constant 0 : i32
      %dma_wait3A_241 = tpu.memref_slice %arg10[%dma_wait3A_238, %dma_wait3A_239, %dma_wait3A_240] : memref<2x64x64xi32, #tpu.memory_space<vmem>> -> memref<1x64x64xi32, #tpu.memory_space<vmem>>
      %dma_wait3A_242 = tpu.memref_squeeze %dma_wait3A_241 : memref<1x64x64xi32, #tpu.memory_space<vmem>> -> memref<64x64xi32, #tpu.memory_space<vmem>>
      %dma_wait3A_243 = arith.constant 0 : i32
      %dma_wait3A_244 = tpu.memref_slice %arg5[%arg0, %arg1, %mul3A_237, %dma_wait3A_243] : memref<2x16x5120x64xi32, #tpu.memory_space<hbm>> -> memref<1x1x64x64xi32, #tpu.memory_space<hbm>>
      %dma_wait3A_245 = tpu.memref_squeeze %dma_wait3A_244 : memref<1x1x64x64xi32, #tpu.memory_space<hbm>> -> memref<64x64xi32, #tpu.memory_space<hbm>>
      %dma_wait3A_246 = arith.constant 0 : i32
      %dma_wait3A_247 = arith.constant 0 : i32
      %dma_wait3A_248 = tpu.memref_slice %arg10[%dma_wait3A_238, %dma_wait3A_246, %dma_wait3A_247] : memref<2x64x64xi32, #tpu.memory_space<vmem>> -> memref<1x64x64xi32, #tpu.memory_space<vmem>>
      %dma_wait3A_249 = tpu.memref_squeeze %dma_wait3A_248 : memref<1x64x64xi32, #tpu.memory_space<vmem>> -> memref<64x64xi32, #tpu.memory_space<vmem>>
      %dma_wait3A_250 = arith.constant 0 : i32
      %dma_wait3A_251 = tpu.memref_slice %arg5[%arg0, %arg1, %mul3A_237, %dma_wait3A_250] : memref<2x16x5120x64xi32, #tpu.memory_space<hbm>> -> memref<1x1x64x64xi32, #tpu.memory_space<hbm>>
      %dma_wait3A_252 = tpu.memref_squeeze %dma_wait3A_251 : memref<1x1x64x64xi32, #tpu.memory_space<hbm>> -> memref<64x64xi32, #tpu.memory_space<hbm>>
      tpu.wait_dma2 semaphore(%arg14 : memref<!tpu.dma_semaphore, #tpu.memory_space<semaphore_mem>>) src(%dma_wait3A_252 : memref<64x64xi32, #tpu.memory_space<hbm>>) dst(%dma_wait3A_249 : memref<64x64xi32, #tpu.memory_space<vmem>>)
      %dma_wait3A_253 = arith.constant 0 : i32
      %dma_wait3A_254 = arith.constant 0 : i32
      %dma_wait3A_255 = arith.constant 0 : i32
      %dma_wait3A_256 = arith.constant 0 : i32
      %dma_wait3A_257 = tpu.memref_slice %arg11[%dma_wait3A_254, %dma_wait3A_255, %dma_wait3A_256] : memref<4x64x128xf32, #tpu.memory_space<vmem>> -> memref<1x64x128xf32, #tpu.memory_space<vmem>>
      %dma_wait3A_258 = tpu.memref_squeeze %dma_wait3A_257 : memref<1x64x128xf32, #tpu.memory_space<vmem>> -> memref<64x128xf32, #tpu.memory_space<vmem>>
      %dma_wait3A_259 = arith.constant 0 : i32
      %dma_wait3A_260 = tpu.memref_slice %arg8[%dma_wait3A_253, %dma_wait3A_259] : memref<4x64xi32, #tpu.memory_space<vmem>> -> memref<1x64xi32, #tpu.memory_space<vmem>>
      %dma_wait3A_261 = tpu.memref_squeeze %dma_wait3A_260 : memref<1x64xi32, #tpu.memory_space<vmem>> -> memref<64xi32, #tpu.memory_space<vmem>>
      %dma_wait3A_262 = arith.constant 0 : i32
      %dma_wait3A_263 = arith.constant 0 : i32
      %dma_wait3A_264 = tpu.memref_slice %arg2[%dma_wait3A_262, %dma_wait3A_263] : memref<10000x128xf32, #tpu.memory_space<hbm>> -> memref<10000x128xf32, #tpu.memory_space<hbm>>
      tpu.wait_indirect_dma semaphore(%arg15 : memref<!tpu.dma_semaphore, #tpu.memory_space<semaphore_mem>>) src(%dma_wait3A_264 : memref<10000x128xf32, #tpu.memory_space<hbm>>) dst(%dma_wait3A_258 : memref<64x128xf32, #tpu.memory_space<vmem>>)
      %broadcast_in_dim3A_265 = arith.constant 16 : i32
      %broadcast_in_dim3A_266 = vector.broadcast %broadcast_in_dim3A_265 : i32 to vector<16xi32>
      %broadcast_in_dim3A_267 = arith.constant -65536 : i32
      %broadcast_in_dim3A_268 = vector.broadcast %broadcast_in_dim3A_267 : i32 to vector<16xi32>
      %parallel_loop3A_269 = arith.constant 0 : i32
      %parallel_loop3A_270 = arith.constant 64 : i32
      %parallel_loop3A_271 = arith.constant 1 : i32
      scf.for %parallel_loop3A_555 = %parallel_loop3A_269 to %parallel_loop3A_270 step %parallel_loop3A_271  : i32 {
        %parallel_loop3A_556 = arith.constant 0 : i32
        %parallel_loop3A_557 = arith.index_cast %parallel_loop3A_556 : i32 to index
        %parallel_loop3A_558 = arith.index_cast %parallel_loop3A_555 : i32 to index
        %parallel_loop3A_559 = arith.constant 0 : index
        %parallel_loop3A_560 = tpu.vector_load %arg10[%parallel_loop3A_557, %parallel_loop3A_558, %parallel_loop3A_559] {strides = array<i32>} : memref<2x64x64xi32, #tpu.memory_space<vmem>>, vector<1x1x16xi32>,
        %parallel_loop3A_561 = vector.shape_cast %parallel_loop3A_560 : vector<1x1x16xi32> to vector<16xi32>
        %parallel_loop3A_562 = arith.shli %parallel_loop3A_561, %broadcast_in_dim3A_266 : vector<16xi32>
        %parallel_loop3A_563 = tpu.bitcast %parallel_loop3A_562 : vector<16xi32> -> vector<16xf32>
        %parallel_loop3A_564 = arith.andi %parallel_loop3A_561, %broadcast_in_dim3A_268 : vector<16xi32>
        %parallel_loop3A_565 = tpu.bitcast %parallel_loop3A_564 : vector<16xi32> -> vector<16xf32>
        %parallel_loop3A_566 = arith.constant 0 : i32
        %parallel_loop3A_567 = arith.index_cast %parallel_loop3A_566 : i32 to index
        %parallel_loop3A_568 = arith.index_cast %parallel_loop3A_555 : i32 to index
        %parallel_loop3A_569 = arith.constant 0 : index
        %parallel_loop3A_570 = tpu.vector_load %arg11[%parallel_loop3A_567, %parallel_loop3A_568, %parallel_loop3A_569] {strides = array<i32>} : memref<4x64x128xf32, #tpu.memory_space<vmem>>, vector<1x1x16xf32>,
        %parallel_loop3A_571 = vector.shape_cast %parallel_loop3A_570 : vector<1x1x16xf32> to vector<16xf32>
        %parallel_loop3A_572 = arith.mulf %parallel_loop3A_571, %parallel_loop3A_563 : vector<16xf32>
        %parallel_loop3A_573 = arith.constant 0 : i32
        %parallel_loop3A_574 = arith.index_cast %parallel_loop3A_573 : i32 to index
        %parallel_loop3A_575 = arith.index_cast %parallel_loop3A_555 : i32 to index
        %parallel_loop3A_576 = arith.constant 0 : index
        %parallel_loop3A_577 = tpu.vector_load %arg11[%parallel_loop3A_574, %parallel_loop3A_575, %parallel_loop3A_576] {strides = array<i32>} : memref<4x64x128xf32, #tpu.memory_space<vmem>>, vector<1x1x16xf32>,
        %parallel_loop3A_578 = vector.shape_cast %parallel_loop3A_577 : vector<1x1x16xf32> to vector<16xf32>
        %parallel_loop3A_579 = vector.shape_cast %parallel_loop3A_572 : vector<16xf32> to vector<1x1x16xf32>
        tpu.vector_store %arg11[%parallel_loop3A_574, %parallel_loop3A_575, %parallel_loop3A_576], %parallel_loop3A_579 {strides = array<i32>} : memref<4x64x128xf32, #tpu.memory_space<vmem>>, vector<1x1x16xf32>,
        %parallel_loop3A_580 = arith.constant 0 : i32
        %parallel_loop3A_581 = arith.index_cast %parallel_loop3A_580 : i32 to index
        %parallel_loop3A_582 = arith.index_cast %parallel_loop3A_555 : i32 to index
        %parallel_loop3A_583 = arith.constant 64 : index
        %parallel_loop3A_584 = tpu.vector_load %arg11[%parallel_loop3A_581, %parallel_loop3A_582, %parallel_loop3A_583] {strides = array<i32>} : memref<4x64x128xf32, #tpu.memory_space<vmem>>, vector<1x1x16xf32>,
        %parallel_loop3A_585 = vector.shape_cast %parallel_loop3A_584 : vector<1x1x16xf32> to vector<16xf32>
        %parallel_loop3A_586 = arith.mulf %parallel_loop3A_585, %parallel_loop3A_565 : vector<16xf32>
        %parallel_loop3A_587 = arith.constant 0 : i32
        %parallel_loop3A_588 = arith.index_cast %parallel_loop3A_587 : i32 to index
        %parallel_loop3A_589 = arith.index_cast %parallel_loop3A_555 : i32 to index
        %parallel_loop3A_590 = arith.constant 64 : index
        %parallel_loop3A_591 = tpu.vector_load %arg11[%parallel_loop3A_588, %parallel_loop3A_589, %parallel_loop3A_590] {strides = array<i32>} : memref<4x64x128xf32, #tpu.memory_space<vmem>>, vector<1x1x16xf32>,
        %parallel_loop3A_592 = vector.shape_cast %parallel_loop3A_591 : vector<1x1x16xf32> to vector<16xf32>
        %parallel_loop3A_593 = vector.shape_cast %parallel_loop3A_586 : vector<16xf32> to vector<1x1x16xf32>
        tpu.vector_store %arg11[%parallel_loop3A_588, %parallel_loop3A_589, %parallel_loop3A_590], %parallel_loop3A_593 {strides = array<i32>} : memref<4x64x128xf32, #tpu.memory_space<vmem>>, vector<1x1x16xf32>,
        %parallel_loop3A_594 = arith.constant 0 : i32
        %parallel_loop3A_595 = arith.index_cast %parallel_loop3A_594 : i32 to index
        %parallel_loop3A_596 = arith.index_cast %parallel_loop3A_555 : i32 to index
        %parallel_loop3A_597 = arith.constant 16 : index
        %parallel_loop3A_598 = tpu.vector_load %arg10[%parallel_loop3A_595, %parallel_loop3A_596, %parallel_loop3A_597] {strides = array<i32>} : memref<2x64x64xi32, #tpu.memory_space<vmem>>, vector<1x1x16xi32>,
        %parallel_loop3A_599 = vector.shape_cast %parallel_loop3A_598 : vector<1x1x16xi32> to vector<16xi32>
        %parallel_loop3A_600 = arith.shli %parallel_loop3A_599, %broadcast_in_dim3A_266 : vector<16xi32>
        %parallel_loop3A_601 = tpu.bitcast %parallel_loop3A_600 : vector<16xi32> -> vector<16xf32>
        %parallel_loop3A_602 = arith.andi %parallel_loop3A_599, %broadcast_in_dim3A_268 : vector<16xi32>
        %parallel_loop3A_603 = tpu.bitcast %parallel_loop3A_602 : vector<16xi32> -> vector<16xf32>
        %parallel_loop3A_604 = arith.constant 0 : i32
        %parallel_loop3A_605 = arith.index_cast %parallel_loop3A_604 : i32 to index
        %parallel_loop3A_606 = arith.index_cast %parallel_loop3A_555 : i32 to index
        %parallel_loop3A_607 = arith.constant 16 : index
        %parallel_loop3A_608 = tpu.vector_load %arg11[%parallel_loop3A_605, %parallel_loop3A_606, %parallel_loop3A_607] {strides = array<i32>} : memref<4x64x128xf32, #tpu.memory_space<vmem>>, vector<1x1x16xf32>,
        %parallel_loop3A_609 = vector.shape_cast %parallel_loop3A_608 : vector<1x1x16xf32> to vector<16xf32>
        %parallel_loop3A_610 = arith.mulf %parallel_loop3A_609, %parallel_loop3A_601 : vector<16xf32>
        %parallel_loop3A_611 = arith.constant 0 : i32
        %parallel_loop3A_612 = arith.index_cast %parallel_loop3A_611 : i32 to index
        %parallel_loop3A_613 = arith.index_cast %parallel_loop3A_555 : i32 to index
        %parallel_loop3A_614 = arith.constant 16 : index
        %parallel_loop3A_615 = tpu.vector_load %arg11[%parallel_loop3A_612, %parallel_loop3A_613, %parallel_loop3A_614] {strides = array<i32>} : memref<4x64x128xf32, #tpu.memory_space<vmem>>, vector<1x1x16xf32>,
        %parallel_loop3A_616 = vector.shape_cast %parallel_loop3A_615 : vector<1x1x16xf32> to vector<16xf32>
        %parallel_loop3A_617 = vector.shape_cast %parallel_loop3A_610 : vector<16xf32> to vector<1x1x16xf32>
        tpu.vector_store %arg11[%parallel_loop3A_612, %parallel_loop3A_613, %parallel_loop3A_614], %parallel_loop3A_617 {strides = array<i32>} : memref<4x64x128xf32, #tpu.memory_space<vmem>>, vector<1x1x16xf32>,
        %parallel_loop3A_618 = arith.constant 0 : i32
        %parallel_loop3A_619 = arith.index_cast %parallel_loop3A_618 : i32 to index
        %parallel_loop3A_620 = arith.index_cast %parallel_loop3A_555 : i32 to index
        %parallel_loop3A_621 = arith.constant 80 : index
        %parallel_loop3A_622 = tpu.vector_load %arg11[%parallel_loop3A_619, %parallel_loop3A_620, %parallel_loop3A_621] {strides = array<i32>} : memref<4x64x128xf32, #tpu.memory_space<vmem>>, vector<1x1x16xf32>,
        %parallel_loop3A_623 = vector.shape_cast %parallel_loop3A_622 : vector<1x1x16xf32> to vector<16xf32>
        %parallel_loop3A_624 = arith.mulf %parallel_loop3A_623, %parallel_loop3A_603 : vector<16xf32>
        %parallel_loop3A_625 = arith.constant 0 : i32
        %parallel_loop3A_626 = arith.index_cast %parallel_loop3A_625 : i32 to index
        %parallel_loop3A_627 = arith.index_cast %parallel_loop3A_555 : i32 to index
        %parallel_loop3A_628 = arith.constant 80 : index
        %parallel_loop3A_629 = tpu.vector_load %arg11[%parallel_loop3A_626, %parallel_loop3A_627, %parallel_loop3A_628] {strides = array<i32>} : memref<4x64x128xf32, #tpu.memory_space<vmem>>, vector<1x1x16xf32>,
        %parallel_loop3A_630 = vector.shape_cast %parallel_loop3A_629 : vector<1x1x16xf32> to vector<16xf32>
        %parallel_loop3A_631 = vector.shape_cast %parallel_loop3A_624 : vector<16xf32> to vector<1x1x16xf32>
        tpu.vector_store %arg11[%parallel_loop3A_626, %parallel_loop3A_627, %parallel_loop3A_628], %parallel_loop3A_631 {strides = array<i32>} : memref<4x64x128xf32, #tpu.memory_space<vmem>>, vector<1x1x16xf32>,
        %parallel_loop3A_632 = arith.constant 0 : i32
        %parallel_loop3A_633 = arith.index_cast %parallel_loop3A_632 : i32 to index
        %parallel_loop3A_634 = arith.index_cast %parallel_loop3A_555 : i32 to index
        %parallel_loop3A_635 = arith.constant 32 : index
        %parallel_loop3A_636 = tpu.vector_load %arg10[%parallel_loop3A_633, %parallel_loop3A_634, %parallel_loop3A_635] {strides = array<i32>} : memref<2x64x64xi32, #tpu.memory_space<vmem>>, vector<1x1x16xi32>,
        %parallel_loop3A_637 = vector.shape_cast %parallel_loop3A_636 : vector<1x1x16xi32> to vector<16xi32>
        %parallel_loop3A_638 = arith.shli %parallel_loop3A_637, %broadcast_in_dim3A_266 : vector<16xi32>
        %parallel_loop3A_639 = tpu.bitcast %parallel_loop3A_638 : vector<16xi32> -> vector<16xf32>
        %parallel_loop3A_640 = arith.andi %parallel_loop3A_637, %broadcast_in_dim3A_268 : vector<16xi32>
        %parallel_loop3A_641 = tpu.bitcast %parallel_loop3A_640 : vector<16xi32> -> vector<16xf32>
        %parallel_loop3A_642 = arith.constant 0 : i32
        %parallel_loop3A_643 = arith.index_cast %parallel_loop3A_642 : i32 to index
        %parallel_loop3A_644 = arith.index_cast %parallel_loop3A_555 : i32 to index
        %parallel_loop3A_645 = arith.constant 32 : index
        %parallel_loop3A_646 = tpu.vector_load %arg11[%parallel_loop3A_643, %parallel_loop3A_644, %parallel_loop3A_645] {strides = array<i32>} : memref<4x64x128xf32, #tpu.memory_space<vmem>>, vector<1x1x16xf32>,
        %parallel_loop3A_647 = vector.shape_cast %parallel_loop3A_646 : vector<1x1x16xf32> to vector<16xf32>
        %parallel_loop3A_648 = arith.mulf %parallel_loop3A_647, %parallel_loop3A_639 : vector<16xf32>
        %parallel_loop3A_649 = arith.constant 0 : i32
        %parallel_loop3A_650 = arith.index_cast %parallel_loop3A_649 : i32 to index
        %parallel_loop3A_651 = arith.index_cast %parallel_loop3A_555 : i32 to index
        %parallel_loop3A_652 = arith.constant 32 : index
        %parallel_loop3A_653 = tpu.vector_load %arg11[%parallel_loop3A_650, %parallel_loop3A_651, %parallel_loop3A_652] {strides = array<i32>} : memref<4x64x128xf32, #tpu.memory_space<vmem>>, vector<1x1x16xf32>,
        %parallel_loop3A_654 = vector.shape_cast %parallel_loop3A_653 : vector<1x1x16xf32> to vector<16xf32>
        %parallel_loop3A_655 = vector.shape_cast %parallel_loop3A_648 : vector<16xf32> to vector<1x1x16xf32>
        tpu.vector_store %arg11[%parallel_loop3A_650, %parallel_loop3A_651, %parallel_loop3A_652], %parallel_loop3A_655 {strides = array<i32>} : memref<4x64x128xf32, #tpu.memory_space<vmem>>, vector<1x1x16xf32>,
        %parallel_loop3A_656 = arith.constant 0 : i32
        %parallel_loop3A_657 = arith.index_cast %parallel_loop3A_656 : i32 to index
        %parallel_loop3A_658 = arith.index_cast %parallel_loop3A_555 : i32 to index
        %parallel_loop3A_659 = arith.constant 96 : index
        %parallel_loop3A_660 = tpu.vector_load %arg11[%parallel_loop3A_657, %parallel_loop3A_658, %parallel_loop3A_659] {strides = array<i32>} : memref<4x64x128xf32, #tpu.memory_space<vmem>>, vector<1x1x16xf32>,
        %parallel_loop3A_661 = vector.shape_cast %parallel_loop3A_660 : vector<1x1x16xf32> to vector<16xf32>
        %parallel_loop3A_662 = arith.mulf %parallel_loop3A_661, %parallel_loop3A_641 : vector<16xf32>
        %parallel_loop3A_663 = arith.constant 0 : i32
        %parallel_loop3A_664 = arith.index_cast %parallel_loop3A_663 : i32 to index
        %parallel_loop3A_665 = arith.index_cast %parallel_loop3A_555 : i32 to index
        %parallel_loop3A_666 = arith.constant 96 : index
        %parallel_loop3A_667 = tpu.vector_load %arg11[%parallel_loop3A_664, %parallel_loop3A_665, %parallel_loop3A_666] {strides = array<i32>} : memref<4x64x128xf32, #tpu.memory_space<vmem>>, vector<1x1x16xf32>,
        %parallel_loop3A_668 = vector.shape_cast %parallel_loop3A_667 : vector<1x1x16xf32> to vector<16xf32>
        %parallel_loop3A_669 = vector.shape_cast %parallel_loop3A_662 : vector<16xf32> to vector<1x1x16xf32>
        tpu.vector_store %arg11[%parallel_loop3A_664, %parallel_loop3A_665, %parallel_loop3A_666], %parallel_loop3A_669 {strides = array<i32>} : memref<4x64x128xf32, #tpu.memory_space<vmem>>, vector<1x1x16xf32>,
        %parallel_loop3A_670 = arith.constant 0 : i32
        %parallel_loop3A_671 = arith.index_cast %parallel_loop3A_670 : i32 to index
        %parallel_loop3A_672 = arith.index_cast %parallel_loop3A_555 : i32 to index
        %parallel_loop3A_673 = arith.constant 48 : index
        %parallel_loop3A_674 = tpu.vector_load %arg10[%parallel_loop3A_671, %parallel_loop3A_672, %parallel_loop3A_673] {strides = array<i32>} : memref<2x64x64xi32, #tpu.memory_space<vmem>>, vector<1x1x16xi32>,
        %parallel_loop3A_675 = vector.shape_cast %parallel_loop3A_674 : vector<1x1x16xi32> to vector<16xi32>
        %parallel_loop3A_676 = arith.shli %parallel_loop3A_675, %broadcast_in_dim3A_266 : vector<16xi32>
        %parallel_loop3A_677 = tpu.bitcast %parallel_loop3A_676 : vector<16xi32> -> vector<16xf32>
        %parallel_loop3A_678 = arith.andi %parallel_loop3A_675, %broadcast_in_dim3A_268 : vector<16xi32>
        %parallel_loop3A_679 = tpu.bitcast %parallel_loop3A_678 : vector<16xi32> -> vector<16xf32>
        %parallel_loop3A_680 = arith.constant 0 : i32
        %parallel_loop3A_681 = arith.index_cast %parallel_loop3A_680 : i32 to index
        %parallel_loop3A_682 = arith.index_cast %parallel_loop3A_555 : i32 to index
        %parallel_loop3A_683 = arith.constant 48 : index
        %parallel_loop3A_684 = tpu.vector_load %arg11[%parallel_loop3A_681, %parallel_loop3A_682, %parallel_loop3A_683] {strides = array<i32>} : memref<4x64x128xf32, #tpu.memory_space<vmem>>, vector<1x1x16xf32>,
        %parallel_loop3A_685 = vector.shape_cast %parallel_loop3A_684 : vector<1x1x16xf32> to vector<16xf32>
        %parallel_loop3A_686 = arith.mulf %parallel_loop3A_685, %parallel_loop3A_677 : vector<16xf32>
        %parallel_loop3A_687 = arith.constant 0 : i32
        %parallel_loop3A_688 = arith.index_cast %parallel_loop3A_687 : i32 to index
        %parallel_loop3A_689 = arith.index_cast %parallel_loop3A_555 : i32 to index
        %parallel_loop3A_690 = arith.constant 48 : index
        %parallel_loop3A_691 = tpu.vector_load %arg11[%parallel_loop3A_688, %parallel_loop3A_689, %parallel_loop3A_690] {strides = array<i32>} : memref<4x64x128xf32, #tpu.memory_space<vmem>>, vector<1x1x16xf32>,
        %parallel_loop3A_692 = vector.shape_cast %parallel_loop3A_691 : vector<1x1x16xf32> to vector<16xf32>
        %parallel_loop3A_693 = vector.shape_cast %parallel_loop3A_686 : vector<16xf32> to vector<1x1x16xf32>
        tpu.vector_store %arg11[%parallel_loop3A_688, %parallel_loop3A_689, %parallel_loop3A_690], %parallel_loop3A_693 {strides = array<i32>} : memref<4x64x128xf32, #tpu.memory_space<vmem>>, vector<1x1x16xf32>,
        %parallel_loop3A_694 = arith.constant 0 : i32
        %parallel_loop3A_695 = arith.index_cast %parallel_loop3A_694 : i32 to index
        %parallel_loop3A_696 = arith.index_cast %parallel_loop3A_555 : i32 to index
        %parallel_loop3A_697 = arith.constant 112 : index
        %parallel_loop3A_698 = tpu.vector_load %arg11[%parallel_loop3A_695, %parallel_loop3A_696, %parallel_loop3A_697] {strides = array<i32>} : memref<4x64x128xf32, #tpu.memory_space<vmem>>, vector<1x1x16xf32>,
        %parallel_loop3A_699 = vector.shape_cast %parallel_loop3A_698 : vector<1x1x16xf32> to vector<16xf32>
        %parallel_loop3A_700 = arith.mulf %parallel_loop3A_699, %parallel_loop3A_679 : vector<16xf32>
        %parallel_loop3A_701 = arith.constant 0 : i32
        %parallel_loop3A_702 = arith.index_cast %parallel_loop3A_701 : i32 to index
        %parallel_loop3A_703 = arith.index_cast %parallel_loop3A_555 : i32 to index
        %parallel_loop3A_704 = arith.constant 112 : index
        %parallel_loop3A_705 = tpu.vector_load %arg11[%parallel_loop3A_702, %parallel_loop3A_703, %parallel_loop3A_704] {strides = array<i32>} : memref<4x64x128xf32, #tpu.memory_space<vmem>>, vector<1x1x16xf32>,
        %parallel_loop3A_706 = vector.shape_cast %parallel_loop3A_705 : vector<1x1x16xf32> to vector<16xf32>
        %parallel_loop3A_707 = vector.shape_cast %parallel_loop3A_700 : vector<16xf32> to vector<1x1x16xf32>
        tpu.vector_store %arg11[%parallel_loop3A_702, %parallel_loop3A_703, %parallel_loop3A_704], %parallel_loop3A_707 {strides = array<i32>} : memref<4x64x128xf32, #tpu.memory_space<vmem>>, vector<1x1x16xf32>,
      } {sc.loop_unroll_factor = 1 : i64, sc.parallel_access}
      %add3A_272 = arith.constant 2 : i32
      %add3A_273 = arith.addi %add3A_235, %add3A_272 : i32
      %lt3A = arith.constant 80 : i32
      %lt3A_274 = arith.cmpi slt, %add3A_273, %lt3A : i32
      %convert_element_type3A = arith.extui %lt3A_274 : i1 to i32
      %cond3A = arith.constant 0 : i32
      %cond3A_275 = arith.cmpi ne, %convert_element_type3A, %cond3A : i32
      scf.if %cond3A_275 {
        %add3A_555 = arith.constant 2 : i32
        %add3A_556 = arith.addi %add3A_235, %add3A_555 : i32
        %mul3A_557 = arith.constant 64 : i32
        %mul3A_558 = arith.muli %add3A_556, %mul3A_557 : i32
        %dma_start3A_559 = arith.constant 0 : i32
        %dma_start3A_560 = arith.constant 0 : i32
        %dma_start3A_561 = arith.constant 0 : i32
        %dma_start3A_562 = tpu.memref_slice %arg10[%dma_start3A_559, %dma_start3A_560, %dma_start3A_561] : memref<2x64x64xi32, #tpu.memory_space<vmem>> -> memref<1x64x64xi32, #tpu.memory_space<vmem>>
        %dma_start3A_563 = tpu.memref_squeeze %dma_start3A_562 : memref<1x64x64xi32, #tpu.memory_space<vmem>> -> memref<64x64xi32, #tpu.memory_space<vmem>>
        %dma_start3A_564 = arith.constant 0 : i32
        %dma_start3A_565 = tpu.memref_slice %arg5[%arg0, %arg1, %mul3A_558, %dma_start3A_564] : memref<2x16x5120x64xi32, #tpu.memory_space<hbm>> -> memref<1x1x64x64xi32, #tpu.memory_space<hbm>>
        %dma_start3A_566 = tpu.memref_squeeze %dma_start3A_565 : memref<1x1x64x64xi32, #tpu.memory_space<hbm>> -> memref<64x64xi32, #tpu.memory_space<hbm>>
        %dma_start3A_567 = arith.constant 0 : i32
        %dma_start3A_568 = arith.constant 0 : i32
        %dma_start3A_569 = tpu.memref_slice %arg10[%dma_start3A_559, %dma_start3A_567, %dma_start3A_568] : memref<2x64x64xi32, #tpu.memory_space<vmem>> -> memref<1x64x64xi32, #tpu.memory_space<vmem>>
        %dma_start3A_570 = tpu.memref_squeeze %dma_start3A_569 : memref<1x64x64xi32, #tpu.memory_space<vmem>> -> memref<64x64xi32, #tpu.memory_space<vmem>>
        %dma_start3A_571 = arith.constant 0 : i32
        %dma_start3A_572 = tpu.memref_slice %arg5[%arg0, %arg1, %mul3A_558, %dma_start3A_571] : memref<2x16x5120x64xi32, #tpu.memory_space<hbm>> -> memref<1x1x64x64xi32, #tpu.memory_space<hbm>>
        %dma_start3A_573 = tpu.memref_squeeze %dma_start3A_572 : memref<1x1x64x64xi32, #tpu.memory_space<hbm>> -> memref<64x64xi32, #tpu.memory_space<hbm>>
        tpu.enqueue_dma source(%dma_start3A_573 : memref<64x64xi32, #tpu.memory_space<hbm>>) target(%dma_start3A_570 : memref<64x64xi32, #tpu.memory_space<vmem>>) target_semaphore(%arg14 : memref<!tpu.dma_semaphore, #tpu.memory_space<semaphore_mem>>)
      } else {
      }
      %ge3A = arith.constant 2 : i32
      %ge3A_276 = arith.cmpi sge, %add3A_235, %ge3A : i32
      %convert_element_type3A_277 = arith.extui %ge3A_276 : i1 to i32
      %cond3A_278 = arith.constant 0 : i32
      %cond3A_279 = arith.cmpi ne, %convert_element_type3A_277, %cond3A_278 : i32
      scf.if %cond3A_279 {
        %dma_wait3A_555 = arith.constant 2 : i32
        %dma_wait3A_556 = arith.constant 2 : i32
        %dma_wait3A_557 = arith.constant 0 : i32
        %dma_wait3A_558 = arith.constant 0 : i32
        %dma_wait3A_559 = tpu.memref_slice %arg11[%dma_wait3A_555, %dma_wait3A_557, %dma_wait3A_558] : memref<4x64x128xf32, #tpu.memory_space<vmem>> -> memref<1x64x128xf32, #tpu.memory_space<vmem>>
        %dma_wait3A_560 = tpu.memref_squeeze %dma_wait3A_559 : memref<1x64x128xf32, #tpu.memory_space<vmem>> -> memref<64x128xf32, #tpu.memory_space<vmem>>
        %dma_wait3A_561 = arith.constant 0 : i32
        %dma_wait3A_562 = tpu.memref_slice %arg9[%dma_wait3A_556, %dma_wait3A_561] : memref<4x64xi32, #tpu.memory_space<vmem>> -> memref<1x64xi32, #tpu.memory_space<vmem>>
        %dma_wait3A_563 = tpu.memref_squeeze %dma_wait3A_562 : memref<1x64xi32, #tpu.memory_space<vmem>> -> memref<64xi32, #tpu.memory_space<vmem>>
        %dma_wait3A_564 = arith.constant 0 : i32
        %dma_wait3A_565 = arith.constant 0 : i32
        %dma_wait3A_566 = tpu.memref_slice %arg7[%dma_wait3A_564, %dma_wait3A_565] : memref<10112x128xf32, #tpu.memory_space<vmem_shared>> -> memref<10112x128xf32, #tpu.memory_space<vmem_shared>>
        tpu.wait_indirect_dma semaphore(%arg16 : memref<!tpu.dma_semaphore, #tpu.memory_space<semaphore_mem>>) src(%dma_wait3A_560 : memref<64x128xf32, #tpu.memory_space<vmem>>) dst(%dma_wait3A_566 : memref<10112x128xf32, #tpu.memory_space<vmem_shared>>)
      } else {
      }
      %add3A_280 = arith.constant 2 : i32
      %add3A_281 = arith.addi %add3A_235, %add3A_280 : i32
      %lt3A_282 = arith.constant 80 : i32
      %lt3A_283 = arith.cmpi slt, %add3A_281, %lt3A_282 : i32
      %convert_element_type3A_284 = arith.extui %lt3A_283 : i1 to i32
      %cond3A_285 = arith.constant 0 : i32
      %cond3A_286 = arith.cmpi ne, %convert_element_type3A_284, %cond3A_285 : i32
      scf.if %cond3A_286 {
        %ge3A_555 = arith.constant 2 : i32
        %ge3A_556 = arith.cmpi sge, %add3A_235, %ge3A_555 : i32
        %convert_element_type3A_557 = arith.extui %ge3A_556 : i1 to i32
        %cond3A_558 = arith.constant 0 : i32
        %cond3A_559 = arith.cmpi ne, %convert_element_type3A_557, %cond3A_558 : i32
        scf.if %cond3A_559 {
          %add3A_572 = arith.constant 2 : i32
          %add3A_573 = arith.addi %add3A_235, %add3A_572 : i32
          %dma_wait3A_574 = arith.constant 2 : i32
          %dma_wait3A_575 = arith.constant 0 : i32
          %dma_wait3A_576 = tpu.memref_slice %arg8[%dma_wait3A_574, %dma_wait3A_575] : memref<4x64xi32, #tpu.memory_space<vmem>> -> memref<2x64xi32, #tpu.memory_space<vmem>>
          %dma_wait3A_577 = arith.constant 0 : i32
          %dma_wait3A_578 = tpu.memref_slice %arg3[%arg0, %arg1, %add3A_573, %dma_wait3A_577] : memref<2x16x80x64xi32, #tpu.memory_space<hbm>> -> memref<1x1x2x64xi32, #tpu.memory_space<hbm>>
          %dma_wait3A_579 = tpu.memref_squeeze %dma_wait3A_578 : memref<1x1x2x64xi32, #tpu.memory_space<hbm>> -> memref<2x64xi32, #tpu.memory_space<hbm>>
          %dma_wait3A_580 = arith.constant 2 : i32
          %dma_wait3A_581 = arith.constant 0 : i32
          %dma_wait3A_582 = tpu.memref_slice %arg8[%dma_wait3A_580, %dma_wait3A_581] : memref<4x64xi32, #tpu.memory_space<vmem>> -> memref<2x64xi32, #tpu.memory_space<vmem>>
          %dma_wait3A_583 = arith.constant 0 : i32
          %dma_wait3A_584 = tpu.memref_slice %arg3[%arg0, %arg1, %add3A_573, %dma_wait3A_583] : memref<2x16x80x64xi32, #tpu.memory_space<hbm>> -> memref<1x1x2x64xi32, #tpu.memory_space<hbm>>
          %dma_wait3A_585 = tpu.memref_squeeze %dma_wait3A_584 : memref<1x1x2x64xi32, #tpu.memory_space<hbm>> -> memref<2x64xi32, #tpu.memory_space<hbm>>
          tpu.wait_dma2 semaphore(%arg12 : memref<!tpu.dma_semaphore, #tpu.memory_space<semaphore_mem>>) src(%dma_wait3A_585 : memref<2x64xi32, #tpu.memory_space<hbm>>) dst(%dma_wait3A_582 : memref<2x64xi32, #tpu.memory_space<vmem>>)
        } else {
        }
        %dma_start3A_560 = arith.constant 2 : i32
        %dma_start3A_561 = arith.constant 2 : i32
        %dma_start3A_562 = arith.constant 0 : i32
        %dma_start3A_563 = arith.constant 0 : i32
        %dma_start3A_564 = tpu.memref_slice %arg11[%dma_start3A_561, %dma_start3A_562, %dma_start3A_563] : memref<4x64x128xf32, #tpu.memory_space<vmem>> -> memref<1x64x128xf32, #tpu.memory_space<vmem>>
        %dma_start3A_565 = tpu.memref_squeeze %dma_start3A_564 : memref<1x64x128xf32, #tpu.memory_space<vmem>> -> memref<64x128xf32, #tpu.memory_space<vmem>>
        %dma_start3A_566 = arith.constant 0 : i32
        %dma_start3A_567 = tpu.memref_slice %arg8[%dma_start3A_560, %dma_start3A_566] : memref<4x64xi32, #tpu.memory_space<vmem>> -> memref<1x64xi32, #tpu.memory_space<vmem>>
        %dma_start3A_568 = tpu.memref_squeeze %dma_start3A_567 : memref<1x64xi32, #tpu.memory_space<vmem>> -> memref<64xi32, #tpu.memory_space<vmem>>
        %dma_start3A_569 = arith.constant 0 : i32
        %dma_start3A_570 = arith.constant 0 : i32
        %dma_start3A_571 = tpu.memref_slice %arg2[%dma_start3A_569, %dma_start3A_570] : memref<10000x128xf32, #tpu.memory_space<hbm>> -> memref<10000x128xf32, #tpu.memory_space<hbm>>
        tpu.enqueue_indirect_dma source(%dma_start3A_571 : memref<10000x128xf32, #tpu.memory_space<hbm>>) target(%dma_start3A_565 : memref<64x128xf32, #tpu.memory_space<vmem>>) offsets(%dma_start3A_568 : memref<64xi32, #tpu.memory_space<vmem>>) semaphore(%arg15 : memref<!tpu.dma_semaphore, #tpu.memory_space<semaphore_mem>>)
      } else {
      }
      %ge3A_287 = arith.constant 4 : i32
      %ge3A_288 = arith.cmpi sge, %add3A_235, %ge3A_287 : i32
      %convert_element_type3A_289 = arith.extui %ge3A_288 : i1 to i32
      %cond3A_290 = arith.constant 0 : i32
      %cond3A_291 = arith.cmpi ne, %convert_element_type3A_289, %cond3A_290 : i32
      scf.if %cond3A_291 {
        %dma_wait3A_555 = arith.constant 0 : i32
        %dma_wait3A_556 = arith.constant 0 : i32
        %dma_wait3A_557 = tpu.memref_slice %arg9[%dma_wait3A_555, %dma_wait3A_556] : memref<4x64xi32, #tpu.memory_space<vmem>> -> memref<2x64xi32, #tpu.memory_space<vmem>>
        %dma_wait3A_558 = arith.constant 0 : i32
        %dma_wait3A_559 = tpu.memref_slice %arg4[%arg0, %arg1, %add3A_235, %dma_wait3A_558] : memref<2x16x80x64xi32, #tpu.memory_space<hbm>> -> memref<1x1x2x64xi32, #tpu.memory_space<hbm>>
        %dma_wait3A_560 = tpu.memref_squeeze %dma_wait3A_559 : memref<1x1x2x64xi32, #tpu.memory_space<hbm>> -> memref<2x64xi32, #tpu.memory_space<hbm>>
        %dma_wait3A_561 = arith.constant 0 : i32
        %dma_wait3A_562 = arith.constant 0 : i32
        %dma_wait3A_563 = tpu.memref_slice %arg9[%dma_wait3A_561, %dma_wait3A_562] : memref<4x64xi32, #tpu.memory_space<vmem>> -> memref<2x64xi32, #tpu.memory_space<vmem>>
        %dma_wait3A_564 = arith.constant 0 : i32
        %dma_wait3A_565 = tpu.memref_slice %arg4[%arg0, %arg1, %add3A_235, %dma_wait3A_564] : memref<2x16x80x64xi32, #tpu.memory_space<hbm>> -> memref<1x1x2x64xi32, #tpu.memory_space<hbm>>
        %dma_wait3A_566 = tpu.memref_squeeze %dma_wait3A_565 : memref<1x1x2x64xi32, #tpu.memory_space<hbm>> -> memref<2x64xi32, #tpu.memory_space<hbm>>
        tpu.wait_dma2 semaphore(%arg13 : memref<!tpu.dma_semaphore, #tpu.memory_space<semaphore_mem>>) src(%dma_wait3A_566 : memref<2x64xi32, #tpu.memory_space<hbm>>) dst(%dma_wait3A_563 : memref<2x64xi32, #tpu.memory_space<vmem>>)
      } else {
      }
      %dma_start3A_292 = arith.constant 0 : i32
      %dma_start3A_293 = arith.constant 0 : i32
      %dma_start3A_294 = arith.constant 0 : i32
      %dma_start3A_295 = arith.constant 0 : i32
      %dma_start3A_296 = tpu.memref_slice %arg11[%dma_start3A_292, %dma_start3A_294, %dma_start3A_295] : memref<4x64x128xf32, #tpu.memory_space<vmem>> -> memref<1x64x128xf32, #tpu.memory_space<vmem>>
      %dma_start3A_297 = tpu.memref_squeeze %dma_start3A_296 : memref<1x64x128xf32, #tpu.memory_space<vmem>> -> memref<64x128xf32, #tpu.memory_space<vmem>>
      %dma_start3A_298 = arith.constant 0 : i32
      %dma_start3A_299 = tpu.memref_slice %arg9[%dma_start3A_293, %dma_start3A_298] : memref<4x64xi32, #tpu.memory_space<vmem>> -> memref<1x64xi32, #tpu.memory_space<vmem>>
      %dma_start3A_300 = tpu.memref_squeeze %dma_start3A_299 : memref<1x64xi32, #tpu.memory_space<vmem>> -> memref<64xi32, #tpu.memory_space<vmem>>
      %dma_start3A_301 = arith.constant 0 : i32
      %dma_start3A_302 = arith.constant 0 : i32
      %dma_start3A_303 = tpu.memref_slice %arg7[%dma_start3A_301, %dma_start3A_302] : memref<10112x128xf32, #tpu.memory_space<vmem_shared>> -> memref<10112x128xf32, #tpu.memory_space<vmem_shared>>
      tpu.enqueue_indirect_dma source(%dma_start3A_297 : memref<64x128xf32, #tpu.memory_space<vmem>>) target(%dma_start3A_303 : memref<10112x128xf32, #tpu.memory_space<vmem_shared>>) offsets(%dma_start3A_300 : memref<64xi32, #tpu.memory_space<vmem>>) semaphore(%arg16 : memref<!tpu.dma_semaphore, #tpu.memory_space<semaphore_mem>>) {add = true}
      %mul3A_304 = arith.constant 4 : i32
      %mul3A_305 = arith.muli %scan3A_231, %mul3A_304 : i32
      %add3A_306 = arith.constant 1 : i32
      %add3A_307 = arith.addi %mul3A_305, %add3A_306 : i32
      %mul3A_308 = arith.constant 64 : i32
      %mul3A_309 = arith.muli %add3A_307, %mul3A_308 : i32
      %dma_wait3A_310 = arith.constant 1 : i32
      %dma_wait3A_311 = arith.constant 0 : i32
      %dma_wait3A_312 = arith.constant 0 : i32
      %dma_wait3A_313 = tpu.memref_slice %arg10[%dma_wait3A_310, %dma_wait3A_311, %dma_wait3A_312] : memref<2x64x64xi32, #tpu.memory_space<vmem>> -> memref<1x64x64xi32, #tpu.memory_space<vmem>>
      %dma_wait3A_314 = tpu.memref_squeeze %dma_wait3A_313 : memref<1x64x64xi32, #tpu.memory_space<vmem>> -> memref<64x64xi32, #tpu.memory_space<vmem>>
      %dma_wait3A_315 = arith.constant 0 : i32
      %dma_wait3A_316 = tpu.memref_slice %arg5[%arg0, %arg1, %mul3A_309, %dma_wait3A_315] : memref<2x16x5120x64xi32, #tpu.memory_space<hbm>> -> memref<1x1x64x64xi32, #tpu.memory_space<hbm>>
      %dma_wait3A_317 = tpu.memref_squeeze %dma_wait3A_316 : memref<1x1x64x64xi32, #tpu.memory_space<hbm>> -> memref<64x64xi32, #tpu.memory_space<hbm>>
      %dma_wait3A_318 = arith.constant 0 : i32
      %dma_wait3A_319 = arith.constant 0 : i32
      %dma_wait3A_320 = tpu.memref_slice %arg10[%dma_wait3A_310, %dma_wait3A_318, %dma_wait3A_319] : memref<2x64x64xi32, #tpu.memory_space<vmem>> -> memref<1x64x64xi32, #tpu.memory_space<vmem>>
      %dma_wait3A_321 = tpu.memref_squeeze %dma_wait3A_320 : memref<1x64x64xi32, #tpu.memory_space<vmem>> -> memref<64x64xi32, #tpu.memory_space<vmem>>
      %dma_wait3A_322 = arith.constant 0 : i32
      %dma_wait3A_323 = tpu.memref_slice %arg5[%arg0, %arg1, %mul3A_309, %dma_wait3A_322] : memref<2x16x5120x64xi32, #tpu.memory_space<hbm>> -> memref<1x1x64x64xi32, #tpu.memory_space<hbm>>
      %dma_wait3A_324 = tpu.memref_squeeze %dma_wait3A_323 : memref<1x1x64x64xi32, #tpu.memory_space<hbm>> -> memref<64x64xi32, #tpu.memory_space<hbm>>
      tpu.wait_dma2 semaphore(%arg14 : memref<!tpu.dma_semaphore, #tpu.memory_space<semaphore_mem>>) src(%dma_wait3A_324 : memref<64x64xi32, #tpu.memory_space<hbm>>) dst(%dma_wait3A_321 : memref<64x64xi32, #tpu.memory_space<vmem>>)
      %dma_wait3A_325 = arith.constant 1 : i32
      %dma_wait3A_326 = arith.constant 1 : i32
      %dma_wait3A_327 = arith.constant 0 : i32
      %dma_wait3A_328 = arith.constant 0 : i32
      %dma_wait3A_329 = tpu.memref_slice %arg11[%dma_wait3A_326, %dma_wait3A_327, %dma_wait3A_328] : memref<4x64x128xf32, #tpu.memory_space<vmem>> -> memref<1x64x128xf32, #tpu.memory_space<vmem>>
      %dma_wait3A_330 = tpu.memref_squeeze %dma_wait3A_329 : memref<1x64x128xf32, #tpu.memory_space<vmem>> -> memref<64x128xf32, #tpu.memory_space<vmem>>
      %dma_wait3A_331 = arith.constant 0 : i32
      %dma_wait3A_332 = tpu.memref_slice %arg8[%dma_wait3A_325, %dma_wait3A_331] : memref<4x64xi32, #tpu.memory_space<vmem>> -> memref<1x64xi32, #tpu.memory_space<vmem>>
      %dma_wait3A_333 = tpu.memref_squeeze %dma_wait3A_332 : memref<1x64xi32, #tpu.memory_space<vmem>> -> memref<64xi32, #tpu.memory_space<vmem>>
      %dma_wait3A_334 = arith.constant 0 : i32
      %dma_wait3A_335 = arith.constant 0 : i32
      %dma_wait3A_336 = tpu.memref_slice %arg2[%dma_wait3A_334, %dma_wait3A_335] : memref<10000x128xf32, #tpu.memory_space<hbm>> -> memref<10000x128xf32, #tpu.memory_space<hbm>>
      tpu.wait_indirect_dma semaphore(%arg15 : memref<!tpu.dma_semaphore, #tpu.memory_space<semaphore_mem>>) src(%dma_wait3A_336 : memref<10000x128xf32, #tpu.memory_space<hbm>>) dst(%dma_wait3A_330 : memref<64x128xf32, #tpu.memory_space<vmem>>)
      %broadcast_in_dim3A_337 = arith.constant 16 : i32
      %broadcast_in_dim3A_338 = vector.broadcast %broadcast_in_dim3A_337 : i32 to vector<16xi32>
      %broadcast_in_dim3A_339 = arith.constant -65536 : i32
      %broadcast_in_dim3A_340 = vector.broadcast %broadcast_in_dim3A_339 : i32 to vector<16xi32>
      %parallel_loop3A_341 = arith.constant 0 : i32
      %parallel_loop3A_342 = arith.constant 64 : i32
      %parallel_loop3A_343 = arith.constant 1 : i32
      scf.for %parallel_loop3A_555 = %parallel_loop3A_341 to %parallel_loop3A_342 step %parallel_loop3A_343  : i32 {
        %parallel_loop3A_556 = arith.constant 1 : i32
        %parallel_loop3A_557 = arith.index_cast %parallel_loop3A_556 : i32 to index
        %parallel_loop3A_558 = arith.index_cast %parallel_loop3A_555 : i32 to index
        %parallel_loop3A_559 = arith.constant 0 : index
        %parallel_loop3A_560 = tpu.vector_load %arg10[%parallel_loop3A_557, %parallel_loop3A_558, %parallel_loop3A_559] {strides = array<i32>} : memref<2x64x64xi32, #tpu.memory_space<vmem>>, vector<1x1x16xi32>,
        %parallel_loop3A_561 = vector.shape_cast %parallel_loop3A_560 : vector<1x1x16xi32> to vector<16xi32>
        %parallel_loop3A_562 = arith.shli %parallel_loop3A_561, %broadcast_in_dim3A_338 : vector<16xi32>
        %parallel_loop3A_563 = tpu.bitcast %parallel_loop3A_562 : vector<16xi32> -> vector<16xf32>
        %parallel_loop3A_564 = arith.andi %parallel_loop3A_561, %broadcast_in_dim3A_340 : vector<16xi32>
        %parallel_loop3A_565 = tpu.bitcast %parallel_loop3A_564 : vector<16xi32> -> vector<16xf32>
        %parallel_loop3A_566 = arith.constant 1 : i32
        %parallel_loop3A_567 = arith.index_cast %parallel_loop3A_566 : i32 to index
        %parallel_loop3A_568 = arith.index_cast %parallel_loop3A_555 : i32 to index
        %parallel_loop3A_569 = arith.constant 0 : index
        %parallel_loop3A_570 = tpu.vector_load %arg11[%parallel_loop3A_567, %parallel_loop3A_568, %parallel_loop3A_569] {strides = array<i32>} : memref<4x64x128xf32, #tpu.memory_space<vmem>>, vector<1x1x16xf32>,
        %parallel_loop3A_571 = vector.shape_cast %parallel_loop3A_570 : vector<1x1x16xf32> to vector<16xf32>
        %parallel_loop3A_572 = arith.mulf %parallel_loop3A_571, %parallel_loop3A_563 : vector<16xf32>
        %parallel_loop3A_573 = arith.constant 1 : i32
        %parallel_loop3A_574 = arith.index_cast %parallel_loop3A_573 : i32 to index
        %parallel_loop3A_575 = arith.index_cast %parallel_loop3A_555 : i32 to index
        %parallel_loop3A_576 = arith.constant 0 : index
        %parallel_loop3A_577 = tpu.vector_load %arg11[%parallel_loop3A_574, %parallel_loop3A_575, %parallel_loop3A_576] {strides = array<i32>} : memref<4x64x128xf32, #tpu.memory_space<vmem>>, vector<1x1x16xf32>,
        %parallel_loop3A_578 = vector.shape_cast %parallel_loop3A_577 : vector<1x1x16xf32> to vector<16xf32>
        %parallel_loop3A_579 = vector.shape_cast %parallel_loop3A_572 : vector<16xf32> to vector<1x1x16xf32>
        tpu.vector_store %arg11[%parallel_loop3A_574, %parallel_loop3A_575, %parallel_loop3A_576], %parallel_loop3A_579 {strides = array<i32>} : memref<4x64x128xf32, #tpu.memory_space<vmem>>, vector<1x1x16xf32>,
        %parallel_loop3A_580 = arith.constant 1 : i32
        %parallel_loop3A_581 = arith.index_cast %parallel_loop3A_580 : i32 to index
        %parallel_loop3A_582 = arith.index_cast %parallel_loop3A_555 : i32 to index
        %parallel_loop3A_583 = arith.constant 64 : index
        %parallel_loop3A_584 = tpu.vector_load %arg11[%parallel_loop3A_581, %parallel_loop3A_582, %parallel_loop3A_583] {strides = array<i32>} : memref<4x64x128xf32, #tpu.memory_space<vmem>>, vector<1x1x16xf32>,
        %parallel_loop3A_585 = vector.shape_cast %parallel_loop3A_584 : vector<1x1x16xf32> to vector<16xf32>
        %parallel_loop3A_586 = arith.mulf %parallel_loop3A_585, %parallel_loop3A_565 : vector<16xf32>
        %parallel_loop3A_587 = arith.constant 1 : i32
        %parallel_loop3A_588 = arith.index_cast %parallel_loop3A_587 : i32 to index
        %parallel_loop3A_589 = arith.index_cast %parallel_loop3A_555 : i32 to index
        %parallel_loop3A_590 = arith.constant 64 : index
        %parallel_loop3A_591 = tpu.vector_load %arg11[%parallel_loop3A_588, %parallel_loop3A_589, %parallel_loop3A_590] {strides = array<i32>} : memref<4x64x128xf32, #tpu.memory_space<vmem>>, vector<1x1x16xf32>,
        %parallel_loop3A_592 = vector.shape_cast %parallel_loop3A_591 : vector<1x1x16xf32> to vector<16xf32>
        %parallel_loop3A_593 = vector.shape_cast %parallel_loop3A_586 : vector<16xf32> to vector<1x1x16xf32>
        tpu.vector_store %arg11[%parallel_loop3A_588, %parallel_loop3A_589, %parallel_loop3A_590], %parallel_loop3A_593 {strides = array<i32>} : memref<4x64x128xf32, #tpu.memory_space<vmem>>, vector<1x1x16xf32>,
        %parallel_loop3A_594 = arith.constant 1 : i32
        %parallel_loop3A_595 = arith.index_cast %parallel_loop3A_594 : i32 to index
        %parallel_loop3A_596 = arith.index_cast %parallel_loop3A_555 : i32 to index
        %parallel_loop3A_597 = arith.constant 16 : index
        %parallel_loop3A_598 = tpu.vector_load %arg10[%parallel_loop3A_595, %parallel_loop3A_596, %parallel_loop3A_597] {strides = array<i32>} : memref<2x64x64xi32, #tpu.memory_space<vmem>>, vector<1x1x16xi32>,
        %parallel_loop3A_599 = vector.shape_cast %parallel_loop3A_598 : vector<1x1x16xi32> to vector<16xi32>
        %parallel_loop3A_600 = arith.shli %parallel_loop3A_599, %broadcast_in_dim3A_338 : vector<16xi32>
        %parallel_loop3A_601 = tpu.bitcast %parallel_loop3A_600 : vector<16xi32> -> vector<16xf32>
        %parallel_loop3A_602 = arith.andi %parallel_loop3A_599, %broadcast_in_dim3A_340 : vector<16xi32>
        %parallel_loop3A_603 = tpu.bitcast %parallel_loop3A_602 : vector<16xi32> -> vector<16xf32>
        %parallel_loop3A_604 = arith.constant 1 : i32
        %parallel_loop3A_605 = arith.index_cast %parallel_loop3A_604 : i32 to index
        %parallel_loop3A_606 = arith.index_cast %parallel_loop3A_555 : i32 to index
        %parallel_loop3A_607 = arith.constant 16 : index
        %parallel_loop3A_608 = tpu.vector_load %arg11[%parallel_loop3A_605, %parallel_loop3A_606, %parallel_loop3A_607] {strides = array<i32>} : memref<4x64x128xf32, #tpu.memory_space<vmem>>, vector<1x1x16xf32>,
        %parallel_loop3A_609 = vector.shape_cast %parallel_loop3A_608 : vector<1x1x16xf32> to vector<16xf32>
        %parallel_loop3A_610 = arith.mulf %parallel_loop3A_609, %parallel_loop3A_601 : vector<16xf32>
        %parallel_loop3A_611 = arith.constant 1 : i32
        %parallel_loop3A_612 = arith.index_cast %parallel_loop3A_611 : i32 to index
        %parallel_loop3A_613 = arith.index_cast %parallel_loop3A_555 : i32 to index
        %parallel_loop3A_614 = arith.constant 16 : index
        %parallel_loop3A_615 = tpu.vector_load %arg11[%parallel_loop3A_612, %parallel_loop3A_613, %parallel_loop3A_614] {strides = array<i32>} : memref<4x64x128xf32, #tpu.memory_space<vmem>>, vector<1x1x16xf32>,
        %parallel_loop3A_616 = vector.shape_cast %parallel_loop3A_615 : vector<1x1x16xf32> to vector<16xf32>
        %parallel_loop3A_617 = vector.shape_cast %parallel_loop3A_610 : vector<16xf32> to vector<1x1x16xf32>
        tpu.vector_store %arg11[%parallel_loop3A_612, %parallel_loop3A_613, %parallel_loop3A_614], %parallel_loop3A_617 {strides = array<i32>} : memref<4x64x128xf32, #tpu.memory_space<vmem>>, vector<1x1x16xf32>,
        %parallel_loop3A_618 = arith.constant 1 : i32
        %parallel_loop3A_619 = arith.index_cast %parallel_loop3A_618 : i32 to index
        %parallel_loop3A_620 = arith.index_cast %parallel_loop3A_555 : i32 to index
        %parallel_loop3A_621 = arith.constant 80 : index
        %parallel_loop3A_622 = tpu.vector_load %arg11[%parallel_loop3A_619, %parallel_loop3A_620, %parallel_loop3A_621] {strides = array<i32>} : memref<4x64x128xf32, #tpu.memory_space<vmem>>, vector<1x1x16xf32>,
        %parallel_loop3A_623 = vector.shape_cast %parallel_loop3A_622 : vector<1x1x16xf32> to vector<16xf32>
        %parallel_loop3A_624 = arith.mulf %parallel_loop3A_623, %parallel_loop3A_603 : vector<16xf32>
        %parallel_loop3A_625 = arith.constant 1 : i32
        %parallel_loop3A_626 = arith.index_cast %parallel_loop3A_625 : i32 to index
        %parallel_loop3A_627 = arith.index_cast %parallel_loop3A_555 : i32 to index
        %parallel_loop3A_628 = arith.constant 80 : index
        %parallel_loop3A_629 = tpu.vector_load %arg11[%parallel_loop3A_626, %parallel_loop3A_627, %parallel_loop3A_628] {strides = array<i32>} : memref<4x64x128xf32, #tpu.memory_space<vmem>>, vector<1x1x16xf32>,
        %parallel_loop3A_630 = vector.shape_cast %parallel_loop3A_629 : vector<1x1x16xf32> to vector<16xf32>
        %parallel_loop3A_631 = vector.shape_cast %parallel_loop3A_624 : vector<16xf32> to vector<1x1x16xf32>
        tpu.vector_store %arg11[%parallel_loop3A_626, %parallel_loop3A_627, %parallel_loop3A_628], %parallel_loop3A_631 {strides = array<i32>} : memref<4x64x128xf32, #tpu.memory_space<vmem>>, vector<1x1x16xf32>,
        %parallel_loop3A_632 = arith.constant 1 : i32
        %parallel_loop3A_633 = arith.index_cast %parallel_loop3A_632 : i32 to index
        %parallel_loop3A_634 = arith.index_cast %parallel_loop3A_555 : i32 to index
        %parallel_loop3A_635 = arith.constant 32 : index
        %parallel_loop3A_636 = tpu.vector_load %arg10[%parallel_loop3A_633, %parallel_loop3A_634, %parallel_loop3A_635] {strides = array<i32>} : memref<2x64x64xi32, #tpu.memory_space<vmem>>, vector<1x1x16xi32>,
        %parallel_loop3A_637 = vector.shape_cast %parallel_loop3A_636 : vector<1x1x16xi32> to vector<16xi32>
        %parallel_loop3A_638 = arith.shli %parallel_loop3A_637, %broadcast_in_dim3A_338 : vector<16xi32>
        %parallel_loop3A_639 = tpu.bitcast %parallel_loop3A_638 : vector<16xi32> -> vector<16xf32>
        %parallel_loop3A_640 = arith.andi %parallel_loop3A_637, %broadcast_in_dim3A_340 : vector<16xi32>
        %parallel_loop3A_641 = tpu.bitcast %parallel_loop3A_640 : vector<16xi32> -> vector<16xf32>
        %parallel_loop3A_642 = arith.constant 1 : i32
        %parallel_loop3A_643 = arith.index_cast %parallel_loop3A_642 : i32 to index
        %parallel_loop3A_644 = arith.index_cast %parallel_loop3A_555 : i32 to index
        %parallel_loop3A_645 = arith.constant 32 : index
        %parallel_loop3A_646 = tpu.vector_load %arg11[%parallel_loop3A_643, %parallel_loop3A_644, %parallel_loop3A_645] {strides = array<i32>} : memref<4x64x128xf32, #tpu.memory_space<vmem>>, vector<1x1x16xf32>,
        %parallel_loop3A_647 = vector.shape_cast %parallel_loop3A_646 : vector<1x1x16xf32> to vector<16xf32>
        %parallel_loop3A_648 = arith.mulf %parallel_loop3A_647, %parallel_loop3A_639 : vector<16xf32>
        %parallel_loop3A_649 = arith.constant 1 : i32
        %parallel_loop3A_650 = arith.index_cast %parallel_loop3A_649 : i32 to index
        %parallel_loop3A_651 = arith.index_cast %parallel_loop3A_555 : i32 to index
        %parallel_loop3A_652 = arith.constant 32 : index
        %parallel_loop3A_653 = tpu.vector_load %arg11[%parallel_loop3A_650, %parallel_loop3A_651, %parallel_loop3A_652] {strides = array<i32>} : memref<4x64x128xf32, #tpu.memory_space<vmem>>, vector<1x1x16xf32>,
        %parallel_loop3A_654 = vector.shape_cast %parallel_loop3A_653 : vector<1x1x16xf32> to vector<16xf32>
        %parallel_loop3A_655 = vector.shape_cast %parallel_loop3A_648 : vector<16xf32> to vector<1x1x16xf32>
        tpu.vector_store %arg11[%parallel_loop3A_650, %parallel_loop3A_651, %parallel_loop3A_652], %parallel_loop3A_655 {strides = array<i32>} : memref<4x64x128xf32, #tpu.memory_space<vmem>>, vector<1x1x16xf32>,
        %parallel_loop3A_656 = arith.constant 1 : i32
        %parallel_loop3A_657 = arith.index_cast %parallel_loop3A_656 : i32 to index
        %parallel_loop3A_658 = arith.index_cast %parallel_loop3A_555 : i32 to index
        %parallel_loop3A_659 = arith.constant 96 : index
        %parallel_loop3A_660 = tpu.vector_load %arg11[%parallel_loop3A_657, %parallel_loop3A_658, %parallel_loop3A_659] {strides = array<i32>} : memref<4x64x128xf32, #tpu.memory_space<vmem>>, vector<1x1x16xf32>,
        %parallel_loop3A_661 = vector.shape_cast %parallel_loop3A_660 : vector<1x1x16xf32> to vector<16xf32>
        %parallel_loop3A_662 = arith.mulf %parallel_loop3A_661, %parallel_loop3A_641 : vector<16xf32>
        %parallel_loop3A_663 = arith.constant 1 : i32
        %parallel_loop3A_664 = arith.index_cast %parallel_loop3A_663 : i32 to index
        %parallel_loop3A_665 = arith.index_cast %parallel_loop3A_555 : i32 to index
        %parallel_loop3A_666 = arith.constant 96 : index
        %parallel_loop3A_667 = tpu.vector_load %arg11[%parallel_loop3A_664, %parallel_loop3A_665, %parallel_loop3A_666] {strides = array<i32>} : memref<4x64x128xf32, #tpu.memory_space<vmem>>, vector<1x1x16xf32>,
        %parallel_loop3A_668 = vector.shape_cast %parallel_loop3A_667 : vector<1x1x16xf32> to vector<16xf32>
        %parallel_loop3A_669 = vector.shape_cast %parallel_loop3A_662 : vector<16xf32> to vector<1x1x16xf32>
        tpu.vector_store %arg11[%parallel_loop3A_664, %parallel_loop3A_665, %parallel_loop3A_666], %parallel_loop3A_669 {strides = array<i32>} : memref<4x64x128xf32, #tpu.memory_space<vmem>>, vector<1x1x16xf32>,
        %parallel_loop3A_670 = arith.constant 1 : i32
        %parallel_loop3A_671 = arith.index_cast %parallel_loop3A_670 : i32 to index
        %parallel_loop3A_672 = arith.index_cast %parallel_loop3A_555 : i32 to index
        %parallel_loop3A_673 = arith.constant 48 : index
        %parallel_loop3A_674 = tpu.vector_load %arg10[%parallel_loop3A_671, %parallel_loop3A_672, %parallel_loop3A_673] {strides = array<i32>} : memref<2x64x64xi32, #tpu.memory_space<vmem>>, vector<1x1x16xi32>,
        %parallel_loop3A_675 = vector.shape_cast %parallel_loop3A_674 : vector<1x1x16xi32> to vector<16xi32>
        %parallel_loop3A_676 = arith.shli %parallel_loop3A_675, %broadcast_in_dim3A_338 : vector<16xi32>
        %parallel_loop3A_677 = tpu.bitcast %parallel_loop3A_676 : vector<16xi32> -> vector<16xf32>
        %parallel_loop3A_678 = arith.andi %parallel_loop3A_675, %broadcast_in_dim3A_340 : vector<16xi32>
        %parallel_loop3A_679 = tpu.bitcast %parallel_loop3A_678 : vector<16xi32> -> vector<16xf32>
        %parallel_loop3A_680 = arith.constant 1 : i32
        %parallel_loop3A_681 = arith.index_cast %parallel_loop3A_680 : i32 to index
        %parallel_loop3A_682 = arith.index_cast %parallel_loop3A_555 : i32 to index
        %parallel_loop3A_683 = arith.constant 48 : index
        %parallel_loop3A_684 = tpu.vector_load %arg11[%parallel_loop3A_681, %parallel_loop3A_682, %parallel_loop3A_683] {strides = array<i32>} : memref<4x64x128xf32, #tpu.memory_space<vmem>>, vector<1x1x16xf32>,
        %parallel_loop3A_685 = vector.shape_cast %parallel_loop3A_684 : vector<1x1x16xf32> to vector<16xf32>
        %parallel_loop3A_686 = arith.mulf %parallel_loop3A_685, %parallel_loop3A_677 : vector<16xf32>
        %parallel_loop3A_687 = arith.constant 1 : i32
        %parallel_loop3A_688 = arith.index_cast %parallel_loop3A_687 : i32 to index
        %parallel_loop3A_689 = arith.index_cast %parallel_loop3A_555 : i32 to index
        %parallel_loop3A_690 = arith.constant 48 : index
        %parallel_loop3A_691 = tpu.vector_load %arg11[%parallel_loop3A_688, %parallel_loop3A_689, %parallel_loop3A_690] {strides = array<i32>} : memref<4x64x128xf32, #tpu.memory_space<vmem>>, vector<1x1x16xf32>,
        %parallel_loop3A_692 = vector.shape_cast %parallel_loop3A_691 : vector<1x1x16xf32> to vector<16xf32>
        %parallel_loop3A_693 = vector.shape_cast %parallel_loop3A_686 : vector<16xf32> to vector<1x1x16xf32>
        tpu.vector_store %arg11[%parallel_loop3A_688, %parallel_loop3A_689, %parallel_loop3A_690], %parallel_loop3A_693 {strides = array<i32>} : memref<4x64x128xf32, #tpu.memory_space<vmem>>, vector<1x1x16xf32>,
        %parallel_loop3A_694 = arith.constant 1 : i32
        %parallel_loop3A_695 = arith.index_cast %parallel_loop3A_694 : i32 to index
        %parallel_loop3A_696 = arith.index_cast %parallel_loop3A_555 : i32 to index
        %parallel_loop3A_697 = arith.constant 112 : index
        %parallel_loop3A_698 = tpu.vector_load %arg11[%parallel_loop3A_695, %parallel_loop3A_696, %parallel_loop3A_697] {strides = array<i32>} : memref<4x64x128xf32, #tpu.memory_space<vmem>>, vector<1x1x16xf32>,
        %parallel_loop3A_699 = vector.shape_cast %parallel_loop3A_698 : vector<1x1x16xf32> to vector<16xf32>
        %parallel_loop3A_700 = arith.mulf %parallel_loop3A_699, %parallel_loop3A_679 : vector<16xf32>
        %parallel_loop3A_701 = arith.constant 1 : i32
        %parallel_loop3A_702 = arith.index_cast %parallel_loop3A_701 : i32 to index
        %parallel_loop3A_703 = arith.index_cast %parallel_loop3A_555 : i32 to index
        %parallel_loop3A_704 = arith.constant 112 : index
        %parallel_loop3A_705 = tpu.vector_load %arg11[%parallel_loop3A_702, %parallel_loop3A_703, %parallel_loop3A_704] {strides = array<i32>} : memref<4x64x128xf32, #tpu.memory_space<vmem>>, vector<1x1x16xf32>,
        %parallel_loop3A_706 = vector.shape_cast %parallel_loop3A_705 : vector<1x1x16xf32> to vector<16xf32>
        %parallel_loop3A_707 = vector.shape_cast %parallel_loop3A_700 : vector<16xf32> to vector<1x1x16xf32>
        tpu.vector_store %arg11[%parallel_loop3A_702, %parallel_loop3A_703, %parallel_loop3A_704], %parallel_loop3A_707 {strides = array<i32>} : memref<4x64x128xf32, #tpu.memory_space<vmem>>, vector<1x1x16xf32>,
      } {sc.loop_unroll_factor = 1 : i64, sc.parallel_access}
      %add3A_344 = arith.constant 2 : i32
      %add3A_345 = arith.addi %add3A_307, %add3A_344 : i32
      %lt3A_346 = arith.constant 80 : i32
      %lt3A_347 = arith.cmpi slt, %add3A_345, %lt3A_346 : i32
      %convert_element_type3A_348 = arith.extui %lt3A_347 : i1 to i32
      %cond3A_349 = arith.constant 0 : i32
      %cond3A_350 = arith.cmpi ne, %convert_element_type3A_348, %cond3A_349 : i32
      scf.if %cond3A_350 {
        %add3A_555 = arith.constant 2 : i32
        %add3A_556 = arith.addi %add3A_307, %add3A_555 : i32
        %mul3A_557 = arith.constant 64 : i32
        %mul3A_558 = arith.muli %add3A_556, %mul3A_557 : i32
        %dma_start3A_559 = arith.constant 1 : i32
        %dma_start3A_560 = arith.constant 0 : i32
        %dma_start3A_561 = arith.constant 0 : i32
        %dma_start3A_562 = tpu.memref_slice %arg10[%dma_start3A_559, %dma_start3A_560, %dma_start3A_561] : memref<2x64x64xi32, #tpu.memory_space<vmem>> -> memref<1x64x64xi32, #tpu.memory_space<vmem>>
        %dma_start3A_563 = tpu.memref_squeeze %dma_start3A_562 : memref<1x64x64xi32, #tpu.memory_space<vmem>> -> memref<64x64xi32, #tpu.memory_space<vmem>>
        %dma_start3A_564 = arith.constant 0 : i32
        %dma_start3A_565 = tpu.memref_slice %arg5[%arg0, %arg1, %mul3A_558, %dma_start3A_564] : memref<2x16x5120x64xi32, #tpu.memory_space<hbm>> -> memref<1x1x64x64xi32, #tpu.memory_space<hbm>>
        %dma_start3A_566 = tpu.memref_squeeze %dma_start3A_565 : memref<1x1x64x64xi32, #tpu.memory_space<hbm>> -> memref<64x64xi32, #tpu.memory_space<hbm>>
        %dma_start3A_567 = arith.constant 0 : i32
        %dma_start3A_568 = arith.constant 0 : i32
        %dma_start3A_569 = tpu.memref_slice %arg10[%dma_start3A_559, %dma_start3A_567, %dma_start3A_568] : memref<2x64x64xi32, #tpu.memory_space<vmem>> -> memref<1x64x64xi32, #tpu.memory_space<vmem>>
        %dma_start3A_570 = tpu.memref_squeeze %dma_start3A_569 : memref<1x64x64xi32, #tpu.memory_space<vmem>> -> memref<64x64xi32, #tpu.memory_space<vmem>>
        %dma_start3A_571 = arith.constant 0 : i32
        %dma_start3A_572 = tpu.memref_slice %arg5[%arg0, %arg1, %mul3A_558, %dma_start3A_571] : memref<2x16x5120x64xi32, #tpu.memory_space<hbm>> -> memref<1x1x64x64xi32, #tpu.memory_space<hbm>>
        %dma_start3A_573 = tpu.memref_squeeze %dma_start3A_572 : memref<1x1x64x64xi32, #tpu.memory_space<hbm>> -> memref<64x64xi32, #tpu.memory_space<hbm>>
        tpu.enqueue_dma source(%dma_start3A_573 : memref<64x64xi32, #tpu.memory_space<hbm>>) target(%dma_start3A_570 : memref<64x64xi32, #tpu.memory_space<vmem>>) target_semaphore(%arg14 : memref<!tpu.dma_semaphore, #tpu.memory_space<semaphore_mem>>)
      } else {
      }
      %ge3A_351 = arith.constant 2 : i32
      %ge3A_352 = arith.cmpi sge, %add3A_307, %ge3A_351 : i32
      %convert_element_type3A_353 = arith.extui %ge3A_352 : i1 to i32
      %cond3A_354 = arith.constant 0 : i32
      %cond3A_355 = arith.cmpi ne, %convert_element_type3A_353, %cond3A_354 : i32
      scf.if %cond3A_355 {
        %dma_wait3A_555 = arith.constant 3 : i32
        %dma_wait3A_556 = arith.constant 3 : i32
        %dma_wait3A_557 = arith.constant 0 : i32
        %dma_wait3A_558 = arith.constant 0 : i32
        %dma_wait3A_559 = tpu.memref_slice %arg11[%dma_wait3A_555, %dma_wait3A_557, %dma_wait3A_558] : memref<4x64x128xf32, #tpu.memory_space<vmem>> -> memref<1x64x128xf32, #tpu.memory_space<vmem>>
        %dma_wait3A_560 = tpu.memref_squeeze %dma_wait3A_559 : memref<1x64x128xf32, #tpu.memory_space<vmem>> -> memref<64x128xf32, #tpu.memory_space<vmem>>
        %dma_wait3A_561 = arith.constant 0 : i32
        %dma_wait3A_562 = tpu.memref_slice %arg9[%dma_wait3A_556, %dma_wait3A_561] : memref<4x64xi32, #tpu.memory_space<vmem>> -> memref<1x64xi32, #tpu.memory_space<vmem>>
        %dma_wait3A_563 = tpu.memref_squeeze %dma_wait3A_562 : memref<1x64xi32, #tpu.memory_space<vmem>> -> memref<64xi32, #tpu.memory_space<vmem>>
        %dma_wait3A_564 = arith.constant 0 : i32
        %dma_wait3A_565 = arith.constant 0 : i32
        %dma_wait3A_566 = tpu.memref_slice %arg7[%dma_wait3A_564, %dma_wait3A_565] : memref<10112x128xf32, #tpu.memory_space<vmem_shared>> -> memref<10112x128xf32, #tpu.memory_space<vmem_shared>>
        tpu.wait_indirect_dma semaphore(%arg16 : memref<!tpu.dma_semaphore, #tpu.memory_space<semaphore_mem>>) src(%dma_wait3A_560 : memref<64x128xf32, #tpu.memory_space<vmem>>) dst(%dma_wait3A_566 : memref<10112x128xf32, #tpu.memory_space<vmem_shared>>)
      } else {
      }
      %ge3A_356 = arith.constant 3 : i32
      %ge3A_357 = arith.cmpi sge, %add3A_307, %ge3A_356 : i32
      %add3A_358 = arith.constant 2 : i32
      %add3A_359 = arith.addi %add3A_307, %add3A_358 : i32
      %lt3A_360 = arith.constant 80 : i32
      %lt3A_361 = arith.cmpi slt, %add3A_359, %lt3A_360 : i32
      %and3A = arith.andi %ge3A_357, %lt3A_361 : i1
      %convert_element_type3A_362 = arith.extui %and3A : i1 to i32
      %cond3A_363 = arith.constant 0 : i32
      %cond3A_364 = arith.cmpi ne, %convert_element_type3A_362, %cond3A_363 : i32
      scf.if %cond3A_364 {
        %add3A_555 = arith.constant 1 : i32
        %add3A_556 = arith.addi %add3A_307, %add3A_555 : i32
        %dma_start3A_557 = arith.constant 2 : i32
        %dma_start3A_558 = arith.constant 0 : i32
        %dma_start3A_559 = tpu.memref_slice %arg9[%dma_start3A_557, %dma_start3A_558] : memref<4x64xi32, #tpu.memory_space<vmem>> -> memref<2x64xi32, #tpu.memory_space<vmem>>
        %dma_start3A_560 = arith.constant 0 : i32
        %dma_start3A_561 = tpu.memref_slice %arg4[%arg0, %arg1, %add3A_556, %dma_start3A_560] : memref<2x16x80x64xi32, #tpu.memory_space<hbm>> -> memref<1x1x2x64xi32, #tpu.memory_space<hbm>>
        %dma_start3A_562 = tpu.memref_squeeze %dma_start3A_561 : memref<1x1x2x64xi32, #tpu.memory_space<hbm>> -> memref<2x64xi32, #tpu.memory_space<hbm>>
        %dma_start3A_563 = arith.constant 2 : i32
        %dma_start3A_564 = arith.constant 0 : i32
        %dma_start3A_565 = tpu.memref_slice %arg9[%dma_start3A_563, %dma_start3A_564] : memref<4x64xi32, #tpu.memory_space<vmem>> -> memref<2x64xi32, #tpu.memory_space<vmem>>
        %dma_start3A_566 = arith.constant 0 : i32
        %dma_start3A_567 = tpu.memref_slice %arg4[%arg0, %arg1, %add3A_556, %dma_start3A_566] : memref<2x16x80x64xi32, #tpu.memory_space<hbm>> -> memref<1x1x2x64xi32, #tpu.memory_space<hbm>>
        %dma_start3A_568 = tpu.memref_squeeze %dma_start3A_567 : memref<1x1x2x64xi32, #tpu.memory_space<hbm>> -> memref<2x64xi32, #tpu.memory_space<hbm>>
        tpu.enqueue_dma source(%dma_start3A_568 : memref<2x64xi32, #tpu.memory_space<hbm>>) target(%dma_start3A_565 : memref<2x64xi32, #tpu.memory_space<vmem>>) target_semaphore(%arg13 : memref<!tpu.dma_semaphore, #tpu.memory_space<semaphore_mem>>)
      } else {
      }
      %add3A_365 = arith.constant 4 : i32
      %add3A_366 = arith.addi %add3A_307, %add3A_365 : i32
      %lt3A_367 = arith.constant 80 : i32
      %lt3A_368 = arith.cmpi slt, %add3A_366, %lt3A_367 : i32
      %convert_element_type3A_369 = arith.extui %lt3A_368 : i1 to i32
      %cond3A_370 = arith.constant 0 : i32
      %cond3A_371 = arith.cmpi ne, %convert_element_type3A_369, %cond3A_370 : i32
      scf.if %cond3A_371 {
        %add3A_555 = arith.constant 3 : i32
        %add3A_556 = arith.addi %add3A_307, %add3A_555 : i32
        %dma_start3A_557 = arith.constant 0 : i32
        %dma_start3A_558 = arith.constant 0 : i32
        %dma_start3A_559 = tpu.memref_slice %arg8[%dma_start3A_557, %dma_start3A_558] : memref<4x64xi32, #tpu.memory_space<vmem>> -> memref<2x64xi32, #tpu.memory_space<vmem>>
        %dma_start3A_560 = arith.constant 0 : i32
        %dma_start3A_561 = tpu.memref_slice %arg3[%arg0, %arg1, %add3A_556, %dma_start3A_560] : memref<2x16x80x64xi32, #tpu.memory_space<hbm>> -> memref<1x1x2x64xi32, #tpu.memory_space<hbm>>
        %dma_start3A_562 = tpu.memref_squeeze %dma_start3A_561 : memref<1x1x2x64xi32, #tpu.memory_space<hbm>> -> memref<2x64xi32, #tpu.memory_space<hbm>>
        %dma_start3A_563 = arith.constant 0 : i32
        %dma_start3A_564 = arith.constant 0 : i32
        %dma_start3A_565 = tpu.memref_slice %arg8[%dma_start3A_563, %dma_start3A_564] : memref<4x64xi32, #tpu.memory_space<vmem>> -> memref<2x64xi32, #tpu.memory_space<vmem>>
        %dma_start3A_566 = arith.constant 0 : i32
        %dma_start3A_567 = tpu.memref_slice %arg3[%arg0, %arg1, %add3A_556, %dma_start3A_566] : memref<2x16x80x64xi32, #tpu.memory_space<hbm>> -> memref<1x1x2x64xi32, #tpu.memory_space<hbm>>
        %dma_start3A_568 = tpu.memref_squeeze %dma_start3A_567 : memref<1x1x2x64xi32, #tpu.memory_space<hbm>> -> memref<2x64xi32, #tpu.memory_space<hbm>>
        tpu.enqueue_dma source(%dma_start3A_568 : memref<2x64xi32, #tpu.memory_space<hbm>>) target(%dma_start3A_565 : memref<2x64xi32, #tpu.memory_space<vmem>>) target_semaphore(%arg12 : memref<!tpu.dma_semaphore, #tpu.memory_space<semaphore_mem>>)
      } else {
      }
      %add3A_372 = arith.constant 2 : i32
      %add3A_373 = arith.addi %add3A_307, %add3A_372 : i32
      %lt3A_374 = arith.constant 80 : i32
      %lt3A_375 = arith.cmpi slt, %add3A_373, %lt3A_374 : i32
      %convert_element_type3A_376 = arith.extui %lt3A_375 : i1 to i32
      %cond3A_377 = arith.constant 0 : i32
      %cond3A_378 = arith.cmpi ne, %convert_element_type3A_376, %cond3A_377 : i32
      scf.if %cond3A_378 {
        %dma_start3A_555 = arith.constant 3 : i32
        %dma_start3A_556 = arith.constant 3 : i32
        %dma_start3A_557 = arith.constant 0 : i32
        %dma_start3A_558 = arith.constant 0 : i32
        %dma_start3A_559 = tpu.memref_slice %arg11[%dma_start3A_556, %dma_start3A_557, %dma_start3A_558] : memref<4x64x128xf32, #tpu.memory_space<vmem>> -> memref<1x64x128xf32, #tpu.memory_space<vmem>>
        %dma_start3A_560 = tpu.memref_squeeze %dma_start3A_559 : memref<1x64x128xf32, #tpu.memory_space<vmem>> -> memref<64x128xf32, #tpu.memory_space<vmem>>
        %dma_start3A_561 = arith.constant 0 : i32
        %dma_start3A_562 = tpu.memref_slice %arg8[%dma_start3A_555, %dma_start3A_561] : memref<4x64xi32, #tpu.memory_space<vmem>> -> memref<1x64xi32, #tpu.memory_space<vmem>>
        %dma_start3A_563 = tpu.memref_squeeze %dma_start3A_562 : memref<1x64xi32, #tpu.memory_space<vmem>> -> memref<64xi32, #tpu.memory_space<vmem>>
        %dma_start3A_564 = arith.constant 0 : i32
        %dma_start3A_565 = arith.constant 0 : i32
        %dma_start3A_566 = tpu.memref_slice %arg2[%dma_start3A_564, %dma_start3A_565] : memref<10000x128xf32, #tpu.memory_space<hbm>> -> memref<10000x128xf32, #tpu.memory_space<hbm>>
        tpu.enqueue_indirect_dma source(%dma_start3A_566 : memref<10000x128xf32, #tpu.memory_space<hbm>>) target(%dma_start3A_560 : memref<64x128xf32, #tpu.memory_space<vmem>>) offsets(%dma_start3A_563 : memref<64xi32, #tpu.memory_space<vmem>>) semaphore(%arg15 : memref<!tpu.dma_semaphore, #tpu.memory_space<semaphore_mem>>)
      } else {
      }
      %dma_start3A_379 = arith.constant 1 : i32
      %dma_start3A_380 = arith.constant 1 : i32
      %dma_start3A_381 = arith.constant 0 : i32
      %dma_start3A_382 = arith.constant 0 : i32
      %dma_start3A_383 = tpu.memref_slice %arg11[%dma_start3A_379, %dma_start3A_381, %dma_start3A_382] : memref<4x64x128xf32, #tpu.memory_space<vmem>> -> memref<1x64x128xf32, #tpu.memory_space<vmem>>
      %dma_start3A_384 = tpu.memref_squeeze %dma_start3A_383 : memref<1x64x128xf32, #tpu.memory_space<vmem>> -> memref<64x128xf32, #tpu.memory_space<vmem>>
      %dma_start3A_385 = arith.constant 0 : i32
      %dma_start3A_386 = tpu.memref_slice %arg9[%dma_start3A_380, %dma_start3A_385] : memref<4x64xi32, #tpu.memory_space<vmem>> -> memref<1x64xi32, #tpu.memory_space<vmem>>
      %dma_start3A_387 = tpu.memref_squeeze %dma_start3A_386 : memref<1x64xi32, #tpu.memory_space<vmem>> -> memref<64xi32, #tpu.memory_space<vmem>>
      %dma_start3A_388 = arith.constant 0 : i32
      %dma_start3A_389 = arith.constant 0 : i32
      %dma_start3A_390 = tpu.memref_slice %arg7[%dma_start3A_388, %dma_start3A_389] : memref<10112x128xf32, #tpu.memory_space<vmem_shared>> -> memref<10112x128xf32, #tpu.memory_space<vmem_shared>>
      tpu.enqueue_indirect_dma source(%dma_start3A_384 : memref<64x128xf32, #tpu.memory_space<vmem>>) target(%dma_start3A_390 : memref<10112x128xf32, #tpu.memory_space<vmem_shared>>) offsets(%dma_start3A_387 : memref<64xi32, #tpu.memory_space<vmem>>) semaphore(%arg16 : memref<!tpu.dma_semaphore, #tpu.memory_space<semaphore_mem>>) {add = true}
      %mul3A_391 = arith.constant 4 : i32
      %mul3A_392 = arith.muli %scan3A_231, %mul3A_391 : i32
      %add3A_393 = arith.constant 2 : i32
      %add3A_394 = arith.addi %mul3A_392, %add3A_393 : i32
      %mul3A_395 = arith.constant 64 : i32
      %mul3A_396 = arith.muli %add3A_394, %mul3A_395 : i32
      %dma_wait3A_397 = arith.constant 0 : i32
      %dma_wait3A_398 = arith.constant 0 : i32
      %dma_wait3A_399 = arith.constant 0 : i32
      %dma_wait3A_400 = tpu.memref_slice %arg10[%dma_wait3A_397, %dma_wait3A_398, %dma_wait3A_399] : memref<2x64x64xi32, #tpu.memory_space<vmem>> -> memref<1x64x64xi32, #tpu.memory_space<vmem>>
      %dma_wait3A_401 = tpu.memref_squeeze %dma_wait3A_400 : memref<1x64x64xi32, #tpu.memory_space<vmem>> -> memref<64x64xi32, #tpu.memory_space<vmem>>
      %dma_wait3A_402 = arith.constant 0 : i32
      %dma_wait3A_403 = tpu.memref_slice %arg5[%arg0, %arg1, %mul3A_396, %dma_wait3A_402] : memref<2x16x5120x64xi32, #tpu.memory_space<hbm>> -> memref<1x1x64x64xi32, #tpu.memory_space<hbm>>
      %dma_wait3A_404 = tpu.memref_squeeze %dma_wait3A_403 : memref<1x1x64x64xi32, #tpu.memory_space<hbm>> -> memref<64x64xi32, #tpu.memory_space<hbm>>
      %dma_wait3A_405 = arith.constant 0 : i32
      %dma_wait3A_406 = arith.constant 0 : i32
      %dma_wait3A_407 = tpu.memref_slice %arg10[%dma_wait3A_397, %dma_wait3A_405, %dma_wait3A_406] : memref<2x64x64xi32, #tpu.memory_space<vmem>> -> memref<1x64x64xi32, #tpu.memory_space<vmem>>
      %dma_wait3A_408 = tpu.memref_squeeze %dma_wait3A_407 : memref<1x64x64xi32, #tpu.memory_space<vmem>> -> memref<64x64xi32, #tpu.memory_space<vmem>>
      %dma_wait3A_409 = arith.constant 0 : i32
      %dma_wait3A_410 = tpu.memref_slice %arg5[%arg0, %arg1, %mul3A_396, %dma_wait3A_409] : memref<2x16x5120x64xi32, #tpu.memory_space<hbm>> -> memref<1x1x64x64xi32, #tpu.memory_space<hbm>>
      %dma_wait3A_411 = tpu.memref_squeeze %dma_wait3A_410 : memref<1x1x64x64xi32, #tpu.memory_space<hbm>> -> memref<64x64xi32, #tpu.memory_space<hbm>>
      tpu.wait_dma2 semaphore(%arg14 : memref<!tpu.dma_semaphore, #tpu.memory_space<semaphore_mem>>) src(%dma_wait3A_411 : memref<64x64xi32, #tpu.memory_space<hbm>>) dst(%dma_wait3A_408 : memref<64x64xi32, #tpu.memory_space<vmem>>)
      %dma_wait3A_412 = arith.constant 2 : i32
      %dma_wait3A_413 = arith.constant 2 : i32
      %dma_wait3A_414 = arith.constant 0 : i32
      %dma_wait3A_415 = arith.constant 0 : i32
      %dma_wait3A_416 = tpu.memref_slice %arg11[%dma_wait3A_413, %dma_wait3A_414, %dma_wait3A_415] : memref<4x64x128xf32, #tpu.memory_space<vmem>> -> memref<1x64x128xf32, #tpu.memory_space<vmem>>
      %dma_wait3A_417 = tpu.memref_squeeze %dma_wait3A_416 : memref<1x64x128xf32, #tpu.memory_space<vmem>> -> memref<64x128xf32, #tpu.memory_space<vmem>>
      %dma_wait3A_418 = arith.constant 0 : i32
      %dma_wait3A_419 = tpu.memref_slice %arg8[%dma_wait3A_412, %dma_wait3A_418] : memref<4x64xi32, #tpu.memory_space<vmem>> -> memref<1x64xi32, #tpu.memory_space<vmem>>
      %dma_wait3A_420 = tpu.memref_squeeze %dma_wait3A_419 : memref<1x64xi32, #tpu.memory_space<vmem>> -> memref<64xi32, #tpu.memory_space<vmem>>
      %dma_wait3A_421 = arith.constant 0 : i32
      %dma_wait3A_422 = arith.constant 0 : i32
      %dma_wait3A_423 = tpu.memref_slice %arg2[%dma_wait3A_421, %dma_wait3A_422] : memref<10000x128xf32, #tpu.memory_space<hbm>> -> memref<10000x128xf32, #tpu.memory_space<hbm>>
      tpu.wait_indirect_dma semaphore(%arg15 : memref<!tpu.dma_semaphore, #tpu.memory_space<semaphore_mem>>) src(%dma_wait3A_423 : memref<10000x128xf32, #tpu.memory_space<hbm>>) dst(%dma_wait3A_417 : memref<64x128xf32, #tpu.memory_space<vmem>>)
      %broadcast_in_dim3A_424 = arith.constant 16 : i32
      %broadcast_in_dim3A_425 = vector.broadcast %broadcast_in_dim3A_424 : i32 to vector<16xi32>
      %broadcast_in_dim3A_426 = arith.constant -65536 : i32
      %broadcast_in_dim3A_427 = vector.broadcast %broadcast_in_dim3A_426 : i32 to vector<16xi32>
      %parallel_loop3A_428 = arith.constant 0 : i32
      %parallel_loop3A_429 = arith.constant 64 : i32
      %parallel_loop3A_430 = arith.constant 1 : i32
      scf.for %parallel_loop3A_555 = %parallel_loop3A_428 to %parallel_loop3A_429 step %parallel_loop3A_430  : i32 {
        %parallel_loop3A_556 = arith.constant 0 : i32
        %parallel_loop3A_557 = arith.index_cast %parallel_loop3A_556 : i32 to index
        %parallel_loop3A_558 = arith.index_cast %parallel_loop3A_555 : i32 to index
        %parallel_loop3A_559 = arith.constant 0 : index
        %parallel_loop3A_560 = tpu.vector_load %arg10[%parallel_loop3A_557, %parallel_loop3A_558, %parallel_loop3A_559] {strides = array<i32>} : memref<2x64x64xi32, #tpu.memory_space<vmem>>, vector<1x1x16xi32>,
        %parallel_loop3A_561 = vector.shape_cast %parallel_loop3A_560 : vector<1x1x16xi32> to vector<16xi32>
        %parallel_loop3A_562 = arith.shli %parallel_loop3A_561, %broadcast_in_dim3A_425 : vector<16xi32>
        %parallel_loop3A_563 = tpu.bitcast %parallel_loop3A_562 : vector<16xi32> -> vector<16xf32>
        %parallel_loop3A_564 = arith.andi %parallel_loop3A_561, %broadcast_in_dim3A_427 : vector<16xi32>
        %parallel_loop3A_565 = tpu.bitcast %parallel_loop3A_564 : vector<16xi32> -> vector<16xf32>
        %parallel_loop3A_566 = arith.constant 2 : i32
        %parallel_loop3A_567 = arith.index_cast %parallel_loop3A_566 : i32 to index
        %parallel_loop3A_568 = arith.index_cast %parallel_loop3A_555 : i32 to index
        %parallel_loop3A_569 = arith.constant 0 : index
        %parallel_loop3A_570 = tpu.vector_load %arg11[%parallel_loop3A_567, %parallel_loop3A_568, %parallel_loop3A_569] {strides = array<i32>} : memref<4x64x128xf32, #tpu.memory_space<vmem>>, vector<1x1x16xf32>,
        %parallel_loop3A_571 = vector.shape_cast %parallel_loop3A_570 : vector<1x1x16xf32> to vector<16xf32>
        %parallel_loop3A_572 = arith.mulf %parallel_loop3A_571, %parallel_loop3A_563 : vector<16xf32>
        %parallel_loop3A_573 = arith.constant 2 : i32
        %parallel_loop3A_574 = arith.index_cast %parallel_loop3A_573 : i32 to index
        %parallel_loop3A_575 = arith.index_cast %parallel_loop3A_555 : i32 to index
        %parallel_loop3A_576 = arith.constant 0 : index
        %parallel_loop3A_577 = tpu.vector_load %arg11[%parallel_loop3A_574, %parallel_loop3A_575, %parallel_loop3A_576] {strides = array<i32>} : memref<4x64x128xf32, #tpu.memory_space<vmem>>, vector<1x1x16xf32>,
        %parallel_loop3A_578 = vector.shape_cast %parallel_loop3A_577 : vector<1x1x16xf32> to vector<16xf32>
        %parallel_loop3A_579 = vector.shape_cast %parallel_loop3A_572 : vector<16xf32> to vector<1x1x16xf32>
        tpu.vector_store %arg11[%parallel_loop3A_574, %parallel_loop3A_575, %parallel_loop3A_576], %parallel_loop3A_579 {strides = array<i32>} : memref<4x64x128xf32, #tpu.memory_space<vmem>>, vector<1x1x16xf32>,
        %parallel_loop3A_580 = arith.constant 2 : i32
        %parallel_loop3A_581 = arith.index_cast %parallel_loop3A_580 : i32 to index
        %parallel_loop3A_582 = arith.index_cast %parallel_loop3A_555 : i32 to index
        %parallel_loop3A_583 = arith.constant 64 : index
        %parallel_loop3A_584 = tpu.vector_load %arg11[%parallel_loop3A_581, %parallel_loop3A_582, %parallel_loop3A_583] {strides = array<i32>} : memref<4x64x128xf32, #tpu.memory_space<vmem>>, vector<1x1x16xf32>,
        %parallel_loop3A_585 = vector.shape_cast %parallel_loop3A_584 : vector<1x1x16xf32> to vector<16xf32>
        %parallel_loop3A_586 = arith.mulf %parallel_loop3A_585, %parallel_loop3A_565 : vector<16xf32>
        %parallel_loop3A_587 = arith.constant 2 : i32
        %parallel_loop3A_588 = arith.index_cast %parallel_loop3A_587 : i32 to index
        %parallel_loop3A_589 = arith.index_cast %parallel_loop3A_555 : i32 to index
        %parallel_loop3A_590 = arith.constant 64 : index
        %parallel_loop3A_591 = tpu.vector_load %arg11[%parallel_loop3A_588, %parallel_loop3A_589, %parallel_loop3A_590] {strides = array<i32>} : memref<4x64x128xf32, #tpu.memory_space<vmem>>, vector<1x1x16xf32>,
        %parallel_loop3A_592 = vector.shape_cast %parallel_loop3A_591 : vector<1x1x16xf32> to vector<16xf32>
        %parallel_loop3A_593 = vector.shape_cast %parallel_loop3A_586 : vector<16xf32> to vector<1x1x16xf32>
        tpu.vector_store %arg11[%parallel_loop3A_588, %parallel_loop3A_589, %parallel_loop3A_590], %parallel_loop3A_593 {strides = array<i32>} : memref<4x64x128xf32, #tpu.memory_space<vmem>>, vector<1x1x16xf32>,
        %parallel_loop3A_594 = arith.constant 0 : i32
        %parallel_loop3A_595 = arith.index_cast %parallel_loop3A_594 : i32 to index
        %parallel_loop3A_596 = arith.index_cast %parallel_loop3A_555 : i32 to index
        %parallel_loop3A_597 = arith.constant 16 : index
        %parallel_loop3A_598 = tpu.vector_load %arg10[%parallel_loop3A_595, %parallel_loop3A_596, %parallel_loop3A_597] {strides = array<i32>} : memref<2x64x64xi32, #tpu.memory_space<vmem>>, vector<1x1x16xi32>,
        %parallel_loop3A_599 = vector.shape_cast %parallel_loop3A_598 : vector<1x1x16xi32> to vector<16xi32>
        %parallel_loop3A_600 = arith.shli %parallel_loop3A_599, %broadcast_in_dim3A_425 : vector<16xi32>
        %parallel_loop3A_601 = tpu.bitcast %parallel_loop3A_600 : vector<16xi32> -> vector<16xf32>
        %parallel_loop3A_602 = arith.andi %parallel_loop3A_599, %broadcast_in_dim3A_427 : vector<16xi32>
        %parallel_loop3A_603 = tpu.bitcast %parallel_loop3A_602 : vector<16xi32> -> vector<16xf32>
        %parallel_loop3A_604 = arith.constant 2 : i32
        %parallel_loop3A_605 = arith.index_cast %parallel_loop3A_604 : i32 to index
        %parallel_loop3A_606 = arith.index_cast %parallel_loop3A_555 : i32 to index
        %parallel_loop3A_607 = arith.constant 16 : index
        %parallel_loop3A_608 = tpu.vector_load %arg11[%parallel_loop3A_605, %parallel_loop3A_606, %parallel_loop3A_607] {strides = array<i32>} : memref<4x64x128xf32, #tpu.memory_space<vmem>>, vector<1x1x16xf32>,
        %parallel_loop3A_609 = vector.shape_cast %parallel_loop3A_608 : vector<1x1x16xf32> to vector<16xf32>
        %parallel_loop3A_610 = arith.mulf %parallel_loop3A_609, %parallel_loop3A_601 : vector<16xf32>
        %parallel_loop3A_611 = arith.constant 2 : i32
        %parallel_loop3A_612 = arith.index_cast %parallel_loop3A_611 : i32 to index
        %parallel_loop3A_613 = arith.index_cast %parallel_loop3A_555 : i32 to index
        %parallel_loop3A_614 = arith.constant 16 : index
        %parallel_loop3A_615 = tpu.vector_load %arg11[%parallel_loop3A_612, %parallel_loop3A_613, %parallel_loop3A_614] {strides = array<i32>} : memref<4x64x128xf32, #tpu.memory_space<vmem>>, vector<1x1x16xf32>,
        %parallel_loop3A_616 = vector.shape_cast %parallel_loop3A_615 : vector<1x1x16xf32> to vector<16xf32>
        %parallel_loop3A_617 = vector.shape_cast %parallel_loop3A_610 : vector<16xf32> to vector<1x1x16xf32>
        tpu.vector_store %arg11[%parallel_loop3A_612, %parallel_loop3A_613, %parallel_loop3A_614], %parallel_loop3A_617 {strides = array<i32>} : memref<4x64x128xf32, #tpu.memory_space<vmem>>, vector<1x1x16xf32>,
        %parallel_loop3A_618 = arith.constant 2 : i32
        %parallel_loop3A_619 = arith.index_cast %parallel_loop3A_618 : i32 to index
        %parallel_loop3A_620 = arith.index_cast %parallel_loop3A_555 : i32 to index
        %parallel_loop3A_621 = arith.constant 80 : index
        %parallel_loop3A_622 = tpu.vector_load %arg11[%parallel_loop3A_619, %parallel_loop3A_620, %parallel_loop3A_621] {strides = array<i32>} : memref<4x64x128xf32, #tpu.memory_space<vmem>>, vector<1x1x16xf32>,
        %parallel_loop3A_623 = vector.shape_cast %parallel_loop3A_622 : vector<1x1x16xf32> to vector<16xf32>
        %parallel_loop3A_624 = arith.mulf %parallel_loop3A_623, %parallel_loop3A_603 : vector<16xf32>
        %parallel_loop3A_625 = arith.constant 2 : i32
        %parallel_loop3A_626 = arith.index_cast %parallel_loop3A_625 : i32 to index
        %parallel_loop3A_627 = arith.index_cast %parallel_loop3A_555 : i32 to index
        %parallel_loop3A_628 = arith.constant 80 : index
        %parallel_loop3A_629 = tpu.vector_load %arg11[%parallel_loop3A_626, %parallel_loop3A_627, %parallel_loop3A_628] {strides = array<i32>} : memref<4x64x128xf32, #tpu.memory_space<vmem>>, vector<1x1x16xf32>,
        %parallel_loop3A_630 = vector.shape_cast %parallel_loop3A_629 : vector<1x1x16xf32> to vector<16xf32>
        %parallel_loop3A_631 = vector.shape_cast %parallel_loop3A_624 : vector<16xf32> to vector<1x1x16xf32>
        tpu.vector_store %arg11[%parallel_loop3A_626, %parallel_loop3A_627, %parallel_loop3A_628], %parallel_loop3A_631 {strides = array<i32>} : memref<4x64x128xf32, #tpu.memory_space<vmem>>, vector<1x1x16xf32>,
        %parallel_loop3A_632 = arith.constant 0 : i32
        %parallel_loop3A_633 = arith.index_cast %parallel_loop3A_632 : i32 to index
        %parallel_loop3A_634 = arith.index_cast %parallel_loop3A_555 : i32 to index
        %parallel_loop3A_635 = arith.constant 32 : index
        %parallel_loop3A_636 = tpu.vector_load %arg10[%parallel_loop3A_633, %parallel_loop3A_634, %parallel_loop3A_635] {strides = array<i32>} : memref<2x64x64xi32, #tpu.memory_space<vmem>>, vector<1x1x16xi32>,
        %parallel_loop3A_637 = vector.shape_cast %parallel_loop3A_636 : vector<1x1x16xi32> to vector<16xi32>
        %parallel_loop3A_638 = arith.shli %parallel_loop3A_637, %broadcast_in_dim3A_425 : vector<16xi32>
        %parallel_loop3A_639 = tpu.bitcast %parallel_loop3A_638 : vector<16xi32> -> vector<16xf32>
        %parallel_loop3A_640 = arith.andi %parallel_loop3A_637, %broadcast_in_dim3A_427 : vector<16xi32>
        %parallel_loop3A_641 = tpu.bitcast %parallel_loop3A_640 : vector<16xi32> -> vector<16xf32>
        %parallel_loop3A_642 = arith.constant 2 : i32
        %parallel_loop3A_643 = arith.index_cast %parallel_loop3A_642 : i32 to index
        %parallel_loop3A_644 = arith.index_cast %parallel_loop3A_555 : i32 to index
        %parallel_loop3A_645 = arith.constant 32 : index
        %parallel_loop3A_646 = tpu.vector_load %arg11[%parallel_loop3A_643, %parallel_loop3A_644, %parallel_loop3A_645] {strides = array<i32>} : memref<4x64x128xf32, #tpu.memory_space<vmem>>, vector<1x1x16xf32>,
        %parallel_loop3A_647 = vector.shape_cast %parallel_loop3A_646 : vector<1x1x16xf32> to vector<16xf32>
        %parallel_loop3A_648 = arith.mulf %parallel_loop3A_647, %parallel_loop3A_639 : vector<16xf32>
        %parallel_loop3A_649 = arith.constant 2 : i32
        %parallel_loop3A_650 = arith.index_cast %parallel_loop3A_649 : i32 to index
        %parallel_loop3A_651 = arith.index_cast %parallel_loop3A_555 : i32 to index
        %parallel_loop3A_652 = arith.constant 32 : index
        %parallel_loop3A_653 = tpu.vector_load %arg11[%parallel_loop3A_650, %parallel_loop3A_651, %parallel_loop3A_652] {strides = array<i32>} : memref<4x64x128xf32, #tpu.memory_space<vmem>>, vector<1x1x16xf32>,
        %parallel_loop3A_654 = vector.shape_cast %parallel_loop3A_653 : vector<1x1x16xf32> to vector<16xf32>
        %parallel_loop3A_655 = vector.shape_cast %parallel_loop3A_648 : vector<16xf32> to vector<1x1x16xf32>
        tpu.vector_store %arg11[%parallel_loop3A_650, %parallel_loop3A_651, %parallel_loop3A_652], %parallel_loop3A_655 {strides = array<i32>} : memref<4x64x128xf32, #tpu.memory_space<vmem>>, vector<1x1x16xf32>,
        %parallel_loop3A_656 = arith.constant 2 : i32
        %parallel_loop3A_657 = arith.index_cast %parallel_loop3A_656 : i32 to index
        %parallel_loop3A_658 = arith.index_cast %parallel_loop3A_555 : i32 to index
        %parallel_loop3A_659 = arith.constant 96 : index
        %parallel_loop3A_660 = tpu.vector_load %arg11[%parallel_loop3A_657, %parallel_loop3A_658, %parallel_loop3A_659] {strides = array<i32>} : memref<4x64x128xf32, #tpu.memory_space<vmem>>, vector<1x1x16xf32>,
        %parallel_loop3A_661 = vector.shape_cast %parallel_loop3A_660 : vector<1x1x16xf32> to vector<16xf32>
        %parallel_loop3A_662 = arith.mulf %parallel_loop3A_661, %parallel_loop3A_641 : vector<16xf32>
        %parallel_loop3A_663 = arith.constant 2 : i32
        %parallel_loop3A_664 = arith.index_cast %parallel_loop3A_663 : i32 to index
        %parallel_loop3A_665 = arith.index_cast %parallel_loop3A_555 : i32 to index
        %parallel_loop3A_666 = arith.constant 96 : index
        %parallel_loop3A_667 = tpu.vector_load %arg11[%parallel_loop3A_664, %parallel_loop3A_665, %parallel_loop3A_666] {strides = array<i32>} : memref<4x64x128xf32, #tpu.memory_space<vmem>>, vector<1x1x16xf32>,
        %parallel_loop3A_668 = vector.shape_cast %parallel_loop3A_667 : vector<1x1x16xf32> to vector<16xf32>
        %parallel_loop3A_669 = vector.shape_cast %parallel_loop3A_662 : vector<16xf32> to vector<1x1x16xf32>
        tpu.vector_store %arg11[%parallel_loop3A_664, %parallel_loop3A_665, %parallel_loop3A_666], %parallel_loop3A_669 {strides = array<i32>} : memref<4x64x128xf32, #tpu.memory_space<vmem>>, vector<1x1x16xf32>,
        %parallel_loop3A_670 = arith.constant 0 : i32
        %parallel_loop3A_671 = arith.index_cast %parallel_loop3A_670 : i32 to index
        %parallel_loop3A_672 = arith.index_cast %parallel_loop3A_555 : i32 to index
        %parallel_loop3A_673 = arith.constant 48 : index
        %parallel_loop3A_674 = tpu.vector_load %arg10[%parallel_loop3A_671, %parallel_loop3A_672, %parallel_loop3A_673] {strides = array<i32>} : memref<2x64x64xi32, #tpu.memory_space<vmem>>, vector<1x1x16xi32>,
        %parallel_loop3A_675 = vector.shape_cast %parallel_loop3A_674 : vector<1x1x16xi32> to vector<16xi32>
        %parallel_loop3A_676 = arith.shli %parallel_loop3A_675, %broadcast_in_dim3A_425 : vector<16xi32>
        %parallel_loop3A_677 = tpu.bitcast %parallel_loop3A_676 : vector<16xi32> -> vector<16xf32>
        %parallel_loop3A_678 = arith.andi %parallel_loop3A_675, %broadcast_in_dim3A_427 : vector<16xi32>
        %parallel_loop3A_679 = tpu.bitcast %parallel_loop3A_678 : vector<16xi32> -> vector<16xf32>
        %parallel_loop3A_680 = arith.constant 2 : i32
        %parallel_loop3A_681 = arith.index_cast %parallel_loop3A_680 : i32 to index
        %parallel_loop3A_682 = arith.index_cast %parallel_loop3A_555 : i32 to index
        %parallel_loop3A_683 = arith.constant 48 : index
        %parallel_loop3A_684 = tpu.vector_load %arg11[%parallel_loop3A_681, %parallel_loop3A_682, %parallel_loop3A_683] {strides = array<i32>} : memref<4x64x128xf32, #tpu.memory_space<vmem>>, vector<1x1x16xf32>,
        %parallel_loop3A_685 = vector.shape_cast %parallel_loop3A_684 : vector<1x1x16xf32> to vector<16xf32>
        %parallel_loop3A_686 = arith.mulf %parallel_loop3A_685, %parallel_loop3A_677 : vector<16xf32>
        %parallel_loop3A_687 = arith.constant 2 : i32
        %parallel_loop3A_688 = arith.index_cast %parallel_loop3A_687 : i32 to index
        %parallel_loop3A_689 = arith.index_cast %parallel_loop3A_555 : i32 to index
        %parallel_loop3A_690 = arith.constant 48 : index
        %parallel_loop3A_691 = tpu.vector_load %arg11[%parallel_loop3A_688, %parallel_loop3A_689, %parallel_loop3A_690] {strides = array<i32>} : memref<4x64x128xf32, #tpu.memory_space<vmem>>, vector<1x1x16xf32>,
        %parallel_loop3A_692 = vector.shape_cast %parallel_loop3A_691 : vector<1x1x16xf32> to vector<16xf32>
        %parallel_loop3A_693 = vector.shape_cast %parallel_loop3A_686 : vector<16xf32> to vector<1x1x16xf32>
        tpu.vector_store %arg11[%parallel_loop3A_688, %parallel_loop3A_689, %parallel_loop3A_690], %parallel_loop3A_693 {strides = array<i32>} : memref<4x64x128xf32, #tpu.memory_space<vmem>>, vector<1x1x16xf32>,
        %parallel_loop3A_694 = arith.constant 2 : i32
        %parallel_loop3A_695 = arith.index_cast %parallel_loop3A_694 : i32 to index
        %parallel_loop3A_696 = arith.index_cast %parallel_loop3A_555 : i32 to index
        %parallel_loop3A_697 = arith.constant 112 : index
        %parallel_loop3A_698 = tpu.vector_load %arg11[%parallel_loop3A_695, %parallel_loop3A_696, %parallel_loop3A_697] {strides = array<i32>} : memref<4x64x128xf32, #tpu.memory_space<vmem>>, vector<1x1x16xf32>,
        %parallel_loop3A_699 = vector.shape_cast %parallel_loop3A_698 : vector<1x1x16xf32> to vector<16xf32>
        %parallel_loop3A_700 = arith.mulf %parallel_loop3A_699, %parallel_loop3A_679 : vector<16xf32>
        %parallel_loop3A_701 = arith.constant 2 : i32
        %parallel_loop3A_702 = arith.index_cast %parallel_loop3A_701 : i32 to index
        %parallel_loop3A_703 = arith.index_cast %parallel_loop3A_555 : i32 to index
        %parallel_loop3A_704 = arith.constant 112 : index
        %parallel_loop3A_705 = tpu.vector_load %arg11[%parallel_loop3A_702, %parallel_loop3A_703, %parallel_loop3A_704] {strides = array<i32>} : memref<4x64x128xf32, #tpu.memory_space<vmem>>, vector<1x1x16xf32>,
        %parallel_loop3A_706 = vector.shape_cast %parallel_loop3A_705 : vector<1x1x16xf32> to vector<16xf32>
        %parallel_loop3A_707 = vector.shape_cast %parallel_loop3A_700 : vector<16xf32> to vector<1x1x16xf32>
        tpu.vector_store %arg11[%parallel_loop3A_702, %parallel_loop3A_703, %parallel_loop3A_704], %parallel_loop3A_707 {strides = array<i32>} : memref<4x64x128xf32, #tpu.memory_space<vmem>>, vector<1x1x16xf32>,
      } {sc.loop_unroll_factor = 1 : i64, sc.parallel_access}
      %add3A_431 = arith.constant 2 : i32
      %add3A_432 = arith.addi %add3A_394, %add3A_431 : i32
      %lt3A_433 = arith.constant 80 : i32
      %lt3A_434 = arith.cmpi slt, %add3A_432, %lt3A_433 : i32
      %convert_element_type3A_435 = arith.extui %lt3A_434 : i1 to i32
      %cond3A_436 = arith.constant 0 : i32
      %cond3A_437 = arith.cmpi ne, %convert_element_type3A_435, %cond3A_436 : i32
      scf.if %cond3A_437 {
        %add3A_555 = arith.constant 2 : i32
        %add3A_556 = arith.addi %add3A_394, %add3A_555 : i32
        %mul3A_557 = arith.constant 64 : i32
        %mul3A_558 = arith.muli %add3A_556, %mul3A_557 : i32
        %dma_start3A_559 = arith.constant 0 : i32
        %dma_start3A_560 = arith.constant 0 : i32
        %dma_start3A_561 = arith.constant 0 : i32
        %dma_start3A_562 = tpu.memref_slice %arg10[%dma_start3A_559, %dma_start3A_560, %dma_start3A_561] : memref<2x64x64xi32, #tpu.memory_space<vmem>> -> memref<1x64x64xi32, #tpu.memory_space<vmem>>
        %dma_start3A_563 = tpu.memref_squeeze %dma_start3A_562 : memref<1x64x64xi32, #tpu.memory_space<vmem>> -> memref<64x64xi32, #tpu.memory_space<vmem>>
        %dma_start3A_564 = arith.constant 0 : i32
        %dma_start3A_565 = tpu.memref_slice %arg5[%arg0, %arg1, %mul3A_558, %dma_start3A_564] : memref<2x16x5120x64xi32, #tpu.memory_space<hbm>> -> memref<1x1x64x64xi32, #tpu.memory_space<hbm>>
        %dma_start3A_566 = tpu.memref_squeeze %dma_start3A_565 : memref<1x1x64x64xi32, #tpu.memory_space<hbm>> -> memref<64x64xi32, #tpu.memory_space<hbm>>
        %dma_start3A_567 = arith.constant 0 : i32
        %dma_start3A_568 = arith.constant 0 : i32
        %dma_start3A_569 = tpu.memref_slice %arg10[%dma_start3A_559, %dma_start3A_567, %dma_start3A_568] : memref<2x64x64xi32, #tpu.memory_space<vmem>> -> memref<1x64x64xi32, #tpu.memory_space<vmem>>
        %dma_start3A_570 = tpu.memref_squeeze %dma_start3A_569 : memref<1x64x64xi32, #tpu.memory_space<vmem>> -> memref<64x64xi32, #tpu.memory_space<vmem>>
        %dma_start3A_571 = arith.constant 0 : i32
        %dma_start3A_572 = tpu.memref_slice %arg5[%arg0, %arg1, %mul3A_558, %dma_start3A_571] : memref<2x16x5120x64xi32, #tpu.memory_space<hbm>> -> memref<1x1x64x64xi32, #tpu.memory_space<hbm>>
        %dma_start3A_573 = tpu.memref_squeeze %dma_start3A_572 : memref<1x1x64x64xi32, #tpu.memory_space<hbm>> -> memref<64x64xi32, #tpu.memory_space<hbm>>
        tpu.enqueue_dma source(%dma_start3A_573 : memref<64x64xi32, #tpu.memory_space<hbm>>) target(%dma_start3A_570 : memref<64x64xi32, #tpu.memory_space<vmem>>) target_semaphore(%arg14 : memref<!tpu.dma_semaphore, #tpu.memory_space<semaphore_mem>>)
      } else {
      }
      %ge3A_438 = arith.constant 2 : i32
      %ge3A_439 = arith.cmpi sge, %add3A_394, %ge3A_438 : i32
      %convert_element_type3A_440 = arith.extui %ge3A_439 : i1 to i32
      %cond3A_441 = arith.constant 0 : i32
      %cond3A_442 = arith.cmpi ne, %convert_element_type3A_440, %cond3A_441 : i32
      scf.if %cond3A_442 {
        %dma_wait3A_555 = arith.constant 0 : i32
        %dma_wait3A_556 = arith.constant 0 : i32
        %dma_wait3A_557 = arith.constant 0 : i32
        %dma_wait3A_558 = arith.constant 0 : i32
        %dma_wait3A_559 = tpu.memref_slice %arg11[%dma_wait3A_555, %dma_wait3A_557, %dma_wait3A_558] : memref<4x64x128xf32, #tpu.memory_space<vmem>> -> memref<1x64x128xf32, #tpu.memory_space<vmem>>
        %dma_wait3A_560 = tpu.memref_squeeze %dma_wait3A_559 : memref<1x64x128xf32, #tpu.memory_space<vmem>> -> memref<64x128xf32, #tpu.memory_space<vmem>>
        %dma_wait3A_561 = arith.constant 0 : i32
        %dma_wait3A_562 = tpu.memref_slice %arg9[%dma_wait3A_556, %dma_wait3A_561] : memref<4x64xi32, #tpu.memory_space<vmem>> -> memref<1x64xi32, #tpu.memory_space<vmem>>
        %dma_wait3A_563 = tpu.memref_squeeze %dma_wait3A_562 : memref<1x64xi32, #tpu.memory_space<vmem>> -> memref<64xi32, #tpu.memory_space<vmem>>
        %dma_wait3A_564 = arith.constant 0 : i32
        %dma_wait3A_565 = arith.constant 0 : i32
        %dma_wait3A_566 = tpu.memref_slice %arg7[%dma_wait3A_564, %dma_wait3A_565] : memref<10112x128xf32, #tpu.memory_space<vmem_shared>> -> memref<10112x128xf32, #tpu.memory_space<vmem_shared>>
        tpu.wait_indirect_dma semaphore(%arg16 : memref<!tpu.dma_semaphore, #tpu.memory_space<semaphore_mem>>) src(%dma_wait3A_560 : memref<64x128xf32, #tpu.memory_space<vmem>>) dst(%dma_wait3A_566 : memref<10112x128xf32, #tpu.memory_space<vmem_shared>>)
      } else {
      }
      %add3A_443 = arith.constant 2 : i32
      %add3A_444 = arith.addi %add3A_394, %add3A_443 : i32
      %lt3A_445 = arith.constant 80 : i32
      %lt3A_446 = arith.cmpi slt, %add3A_444, %lt3A_445 : i32
      %convert_element_type3A_447 = arith.extui %lt3A_446 : i1 to i32
      %cond3A_448 = arith.constant 0 : i32
      %cond3A_449 = arith.cmpi ne, %convert_element_type3A_447, %cond3A_448 : i32
      scf.if %cond3A_449 {
        %ge3A_555 = arith.constant 2 : i32
        %ge3A_556 = arith.cmpi sge, %add3A_394, %ge3A_555 : i32
        %convert_element_type3A_557 = arith.extui %ge3A_556 : i1 to i32
        %cond3A_558 = arith.constant 0 : i32
        %cond3A_559 = arith.cmpi ne, %convert_element_type3A_557, %cond3A_558 : i32
        scf.if %cond3A_559 {
          %add3A_572 = arith.constant 2 : i32
          %add3A_573 = arith.addi %add3A_394, %add3A_572 : i32
          %dma_wait3A_574 = arith.constant 0 : i32
          %dma_wait3A_575 = arith.constant 0 : i32
          %dma_wait3A_576 = tpu.memref_slice %arg8[%dma_wait3A_574, %dma_wait3A_575] : memref<4x64xi32, #tpu.memory_space<vmem>> -> memref<2x64xi32, #tpu.memory_space<vmem>>
          %dma_wait3A_577 = arith.constant 0 : i32
          %dma_wait3A_578 = tpu.memref_slice %arg3[%arg0, %arg1, %add3A_573, %dma_wait3A_577] : memref<2x16x80x64xi32, #tpu.memory_space<hbm>> -> memref<1x1x2x64xi32, #tpu.memory_space<hbm>>
          %dma_wait3A_579 = tpu.memref_squeeze %dma_wait3A_578 : memref<1x1x2x64xi32, #tpu.memory_space<hbm>> -> memref<2x64xi32, #tpu.memory_space<hbm>>
          %dma_wait3A_580 = arith.constant 0 : i32
          %dma_wait3A_581 = arith.constant 0 : i32
          %dma_wait3A_582 = tpu.memref_slice %arg8[%dma_wait3A_580, %dma_wait3A_581] : memref<4x64xi32, #tpu.memory_space<vmem>> -> memref<2x64xi32, #tpu.memory_space<vmem>>
          %dma_wait3A_583 = arith.constant 0 : i32
          %dma_wait3A_584 = tpu.memref_slice %arg3[%arg0, %arg1, %add3A_573, %dma_wait3A_583] : memref<2x16x80x64xi32, #tpu.memory_space<hbm>> -> memref<1x1x2x64xi32, #tpu.memory_space<hbm>>
          %dma_wait3A_585 = tpu.memref_squeeze %dma_wait3A_584 : memref<1x1x2x64xi32, #tpu.memory_space<hbm>> -> memref<2x64xi32, #tpu.memory_space<hbm>>
          tpu.wait_dma2 semaphore(%arg12 : memref<!tpu.dma_semaphore, #tpu.memory_space<semaphore_mem>>) src(%dma_wait3A_585 : memref<2x64xi32, #tpu.memory_space<hbm>>) dst(%dma_wait3A_582 : memref<2x64xi32, #tpu.memory_space<vmem>>)
        } else {
        }
        %dma_start3A_560 = arith.constant 0 : i32
        %dma_start3A_561 = arith.constant 0 : i32
        %dma_start3A_562 = arith.constant 0 : i32
        %dma_start3A_563 = arith.constant 0 : i32
        %dma_start3A_564 = tpu.memref_slice %arg11[%dma_start3A_561, %dma_start3A_562, %dma_start3A_563] : memref<4x64x128xf32, #tpu.memory_space<vmem>> -> memref<1x64x128xf32, #tpu.memory_space<vmem>>
        %dma_start3A_565 = tpu.memref_squeeze %dma_start3A_564 : memref<1x64x128xf32, #tpu.memory_space<vmem>> -> memref<64x128xf32, #tpu.memory_space<vmem>>
        %dma_start3A_566 = arith.constant 0 : i32
        %dma_start3A_567 = tpu.memref_slice %arg8[%dma_start3A_560, %dma_start3A_566] : memref<4x64xi32, #tpu.memory_space<vmem>> -> memref<1x64xi32, #tpu.memory_space<vmem>>
        %dma_start3A_568 = tpu.memref_squeeze %dma_start3A_567 : memref<1x64xi32, #tpu.memory_space<vmem>> -> memref<64xi32, #tpu.memory_space<vmem>>
        %dma_start3A_569 = arith.constant 0 : i32
        %dma_start3A_570 = arith.constant 0 : i32
        %dma_start3A_571 = tpu.memref_slice %arg2[%dma_start3A_569, %dma_start3A_570] : memref<10000x128xf32, #tpu.memory_space<hbm>> -> memref<10000x128xf32, #tpu.memory_space<hbm>>
        tpu.enqueue_indirect_dma source(%dma_start3A_571 : memref<10000x128xf32, #tpu.memory_space<hbm>>) target(%dma_start3A_565 : memref<64x128xf32, #tpu.memory_space<vmem>>) offsets(%dma_start3A_568 : memref<64xi32, #tpu.memory_space<vmem>>) semaphore(%arg15 : memref<!tpu.dma_semaphore, #tpu.memory_space<semaphore_mem>>)
      } else {
      }
      %ge3A_450 = arith.constant 4 : i32
      %ge3A_451 = arith.cmpi sge, %add3A_394, %ge3A_450 : i32
      %convert_element_type3A_452 = arith.extui %ge3A_451 : i1 to i32
      %cond3A_453 = arith.constant 0 : i32
      %cond3A_454 = arith.cmpi ne, %convert_element_type3A_452, %cond3A_453 : i32
      scf.if %cond3A_454 {
        %dma_wait3A_555 = arith.constant 2 : i32
        %dma_wait3A_556 = arith.constant 0 : i32
        %dma_wait3A_557 = tpu.memref_slice %arg9[%dma_wait3A_555, %dma_wait3A_556] : memref<4x64xi32, #tpu.memory_space<vmem>> -> memref<2x64xi32, #tpu.memory_space<vmem>>
        %dma_wait3A_558 = arith.constant 0 : i32
        %dma_wait3A_559 = tpu.memref_slice %arg4[%arg0, %arg1, %add3A_394, %dma_wait3A_558] : memref<2x16x80x64xi32, #tpu.memory_space<hbm>> -> memref<1x1x2x64xi32, #tpu.memory_space<hbm>>
        %dma_wait3A_560 = tpu.memref_squeeze %dma_wait3A_559 : memref<1x1x2x64xi32, #tpu.memory_space<hbm>> -> memref<2x64xi32, #tpu.memory_space<hbm>>
        %dma_wait3A_561 = arith.constant 2 : i32
        %dma_wait3A_562 = arith.constant 0 : i32
        %dma_wait3A_563 = tpu.memref_slice %arg9[%dma_wait3A_561, %dma_wait3A_562] : memref<4x64xi32, #tpu.memory_space<vmem>> -> memref<2x64xi32, #tpu.memory_space<vmem>>
        %dma_wait3A_564 = arith.constant 0 : i32
        %dma_wait3A_565 = tpu.memref_slice %arg4[%arg0, %arg1, %add3A_394, %dma_wait3A_564] : memref<2x16x80x64xi32, #tpu.memory_space<hbm>> -> memref<1x1x2x64xi32, #tpu.memory_space<hbm>>
        %dma_wait3A_566 = tpu.memref_squeeze %dma_wait3A_565 : memref<1x1x2x64xi32, #tpu.memory_space<hbm>> -> memref<2x64xi32, #tpu.memory_space<hbm>>
        tpu.wait_dma2 semaphore(%arg13 : memref<!tpu.dma_semaphore, #tpu.memory_space<semaphore_mem>>) src(%dma_wait3A_566 : memref<2x64xi32, #tpu.memory_space<hbm>>) dst(%dma_wait3A_563 : memref<2x64xi32, #tpu.memory_space<vmem>>)
      } else {
      }
      %dma_start3A_455 = arith.constant 2 : i32
      %dma_start3A_456 = arith.constant 2 : i32
      %dma_start3A_457 = arith.constant 0 : i32
      %dma_start3A_458 = arith.constant 0 : i32
      %dma_start3A_459 = tpu.memref_slice %arg11[%dma_start3A_455, %dma_start3A_457, %dma_start3A_458] : memref<4x64x128xf32, #tpu.memory_space<vmem>> -> memref<1x64x128xf32, #tpu.memory_space<vmem>>
      %dma_start3A_460 = tpu.memref_squeeze %dma_start3A_459 : memref<1x64x128xf32, #tpu.memory_space<vmem>> -> memref<64x128xf32, #tpu.memory_space<vmem>>
      %dma_start3A_461 = arith.constant 0 : i32
      %dma_start3A_462 = tpu.memref_slice %arg9[%dma_start3A_456, %dma_start3A_461] : memref<4x64xi32, #tpu.memory_space<vmem>> -> memref<1x64xi32, #tpu.memory_space<vmem>>
      %dma_start3A_463 = tpu.memref_squeeze %dma_start3A_462 : memref<1x64xi32, #tpu.memory_space<vmem>> -> memref<64xi32, #tpu.memory_space<vmem>>
      %dma_start3A_464 = arith.constant 0 : i32
      %dma_start3A_465 = arith.constant 0 : i32
      %dma_start3A_466 = tpu.memref_slice %arg7[%dma_start3A_464, %dma_start3A_465] : memref<10112x128xf32, #tpu.memory_space<vmem_shared>> -> memref<10112x128xf32, #tpu.memory_space<vmem_shared>>
      tpu.enqueue_indirect_dma source(%dma_start3A_460 : memref<64x128xf32, #tpu.memory_space<vmem>>) target(%dma_start3A_466 : memref<10112x128xf32, #tpu.memory_space<vmem_shared>>) offsets(%dma_start3A_463 : memref<64xi32, #tpu.memory_space<vmem>>) semaphore(%arg16 : memref<!tpu.dma_semaphore, #tpu.memory_space<semaphore_mem>>) {add = true}
      %mul3A_467 = arith.constant 4 : i32
      %mul3A_468 = arith.muli %scan3A_231, %mul3A_467 : i32
      %add3A_469 = arith.constant 3 : i32
      %add3A_470 = arith.addi %mul3A_468, %add3A_469 : i32
      %mul3A_471 = arith.constant 64 : i32
      %mul3A_472 = arith.muli %add3A_470, %mul3A_471 : i32
      %dma_wait3A_473 = arith.constant 1 : i32
      %dma_wait3A_474 = arith.constant 0 : i32
      %dma_wait3A_475 = arith.constant 0 : i32
      %dma_wait3A_476 = tpu.memref_slice %arg10[%dma_wait3A_473, %dma_wait3A_474, %dma_wait3A_475] : memref<2x64x64xi32, #tpu.memory_space<vmem>> -> memref<1x64x64xi32, #tpu.memory_space<vmem>>
      %dma_wait3A_477 = tpu.memref_squeeze %dma_wait3A_476 : memref<1x64x64xi32, #tpu.memory_space<vmem>> -> memref<64x64xi32, #tpu.memory_space<vmem>>
      %dma_wait3A_478 = arith.constant 0 : i32
      %dma_wait3A_479 = tpu.memref_slice %arg5[%arg0, %arg1, %mul3A_472, %dma_wait3A_478] : memref<2x16x5120x64xi32, #tpu.memory_space<hbm>> -> memref<1x1x64x64xi32, #tpu.memory_space<hbm>>
      %dma_wait3A_480 = tpu.memref_squeeze %dma_wait3A_479 : memref<1x1x64x64xi32, #tpu.memory_space<hbm>> -> memref<64x64xi32, #tpu.memory_space<hbm>>
      %dma_wait3A_481 = arith.constant 0 : i32
      %dma_wait3A_482 = arith.constant 0 : i32
      %dma_wait3A_483 = tpu.memref_slice %arg10[%dma_wait3A_473, %dma_wait3A_481, %dma_wait3A_482] : memref<2x64x64xi32, #tpu.memory_space<vmem>> -> memref<1x64x64xi32, #tpu.memory_space<vmem>>
      %dma_wait3A_484 = tpu.memref_squeeze %dma_wait3A_483 : memref<1x64x64xi32, #tpu.memory_space<vmem>> -> memref<64x64xi32, #tpu.memory_space<vmem>>
      %dma_wait3A_485 = arith.constant 0 : i32
      %dma_wait3A_486 = tpu.memref_slice %arg5[%arg0, %arg1, %mul3A_472, %dma_wait3A_485] : memref<2x16x5120x64xi32, #tpu.memory_space<hbm>> -> memref<1x1x64x64xi32, #tpu.memory_space<hbm>>
      %dma_wait3A_487 = tpu.memref_squeeze %dma_wait3A_486 : memref<1x1x64x64xi32, #tpu.memory_space<hbm>> -> memref<64x64xi32, #tpu.memory_space<hbm>>
      tpu.wait_dma2 semaphore(%arg14 : memref<!tpu.dma_semaphore, #tpu.memory_space<semaphore_mem>>) src(%dma_wait3A_487 : memref<64x64xi32, #tpu.memory_space<hbm>>) dst(%dma_wait3A_484 : memref<64x64xi32, #tpu.memory_space<vmem>>)
      %dma_wait3A_488 = arith.constant 3 : i32
      %dma_wait3A_489 = arith.constant 3 : i32
      %dma_wait3A_490 = arith.constant 0 : i32
      %dma_wait3A_491 = arith.constant 0 : i32
      %dma_wait3A_492 = tpu.memref_slice %arg11[%dma_wait3A_489, %dma_wait3A_490, %dma_wait3A_491] : memref<4x64x128xf32, #tpu.memory_space<vmem>> -> memref<1x64x128xf32, #tpu.memory_space<vmem>>
      %dma_wait3A_493 = tpu.memref_squeeze %dma_wait3A_492 : memref<1x64x128xf32, #tpu.memory_space<vmem>> -> memref<64x128xf32, #tpu.memory_space<vmem>>
      %dma_wait3A_494 = arith.constant 0 : i32
      %dma_wait3A_495 = tpu.memref_slice %arg8[%dma_wait3A_488, %dma_wait3A_494] : memref<4x64xi32, #tpu.memory_space<vmem>> -> memref<1x64xi32, #tpu.memory_space<vmem>>
      %dma_wait3A_496 = tpu.memref_squeeze %dma_wait3A_495 : memref<1x64xi32, #tpu.memory_space<vmem>> -> memref<64xi32, #tpu.memory_space<vmem>>
      %dma_wait3A_497 = arith.constant 0 : i32
      %dma_wait3A_498 = arith.constant 0 : i32
      %dma_wait3A_499 = tpu.memref_slice %arg2[%dma_wait3A_497, %dma_wait3A_498] : memref<10000x128xf32, #tpu.memory_space<hbm>> -> memref<10000x128xf32, #tpu.memory_space<hbm>>
      tpu.wait_indirect_dma semaphore(%arg15 : memref<!tpu.dma_semaphore, #tpu.memory_space<semaphore_mem>>) src(%dma_wait3A_499 : memref<10000x128xf32, #tpu.memory_space<hbm>>) dst(%dma_wait3A_493 : memref<64x128xf32, #tpu.memory_space<vmem>>)
      %broadcast_in_dim3A_500 = arith.constant 16 : i32
      %broadcast_in_dim3A_501 = vector.broadcast %broadcast_in_dim3A_500 : i32 to vector<16xi32>
      %broadcast_in_dim3A_502 = arith.constant -65536 : i32
      %broadcast_in_dim3A_503 = vector.broadcast %broadcast_in_dim3A_502 : i32 to vector<16xi32>
      %parallel_loop3A_504 = arith.constant 0 : i32
      %parallel_loop3A_505 = arith.constant 64 : i32
      %parallel_loop3A_506 = arith.constant 1 : i32
      scf.for %parallel_loop3A_555 = %parallel_loop3A_504 to %parallel_loop3A_505 step %parallel_loop3A_506  : i32 {
        %parallel_loop3A_556 = arith.constant 1 : i32
        %parallel_loop3A_557 = arith.index_cast %parallel_loop3A_556 : i32 to index
        %parallel_loop3A_558 = arith.index_cast %parallel_loop3A_555 : i32 to index
        %parallel_loop3A_559 = arith.constant 0 : index
        %parallel_loop3A_560 = tpu.vector_load %arg10[%parallel_loop3A_557, %parallel_loop3A_558, %parallel_loop3A_559] {strides = array<i32>} : memref<2x64x64xi32, #tpu.memory_space<vmem>>, vector<1x1x16xi32>,
        %parallel_loop3A_561 = vector.shape_cast %parallel_loop3A_560 : vector<1x1x16xi32> to vector<16xi32>
        %parallel_loop3A_562 = arith.shli %parallel_loop3A_561, %broadcast_in_dim3A_501 : vector<16xi32>
        %parallel_loop3A_563 = tpu.bitcast %parallel_loop3A_562 : vector<16xi32> -> vector<16xf32>
        %parallel_loop3A_564 = arith.andi %parallel_loop3A_561, %broadcast_in_dim3A_503 : vector<16xi32>
        %parallel_loop3A_565 = tpu.bitcast %parallel_loop3A_564 : vector<16xi32> -> vector<16xf32>
        %parallel_loop3A_566 = arith.constant 3 : i32
        %parallel_loop3A_567 = arith.index_cast %parallel_loop3A_566 : i32 to index
        %parallel_loop3A_568 = arith.index_cast %parallel_loop3A_555 : i32 to index
        %parallel_loop3A_569 = arith.constant 0 : index
        %parallel_loop3A_570 = tpu.vector_load %arg11[%parallel_loop3A_567, %parallel_loop3A_568, %parallel_loop3A_569] {strides = array<i32>} : memref<4x64x128xf32, #tpu.memory_space<vmem>>, vector<1x1x16xf32>,
        %parallel_loop3A_571 = vector.shape_cast %parallel_loop3A_570 : vector<1x1x16xf32> to vector<16xf32>
        %parallel_loop3A_572 = arith.mulf %parallel_loop3A_571, %parallel_loop3A_563 : vector<16xf32>
        %parallel_loop3A_573 = arith.constant 3 : i32
        %parallel_loop3A_574 = arith.index_cast %parallel_loop3A_573 : i32 to index
        %parallel_loop3A_575 = arith.index_cast %parallel_loop3A_555 : i32 to index
        %parallel_loop3A_576 = arith.constant 0 : index
        %parallel_loop3A_577 = tpu.vector_load %arg11[%parallel_loop3A_574, %parallel_loop3A_575, %parallel_loop3A_576] {strides = array<i32>} : memref<4x64x128xf32, #tpu.memory_space<vmem>>, vector<1x1x16xf32>,
        %parallel_loop3A_578 = vector.shape_cast %parallel_loop3A_577 : vector<1x1x16xf32> to vector<16xf32>
        %parallel_loop3A_579 = vector.shape_cast %parallel_loop3A_572 : vector<16xf32> to vector<1x1x16xf32>
        tpu.vector_store %arg11[%parallel_loop3A_574, %parallel_loop3A_575, %parallel_loop3A_576], %parallel_loop3A_579 {strides = array<i32>} : memref<4x64x128xf32, #tpu.memory_space<vmem>>, vector<1x1x16xf32>,
        %parallel_loop3A_580 = arith.constant 3 : i32
        %parallel_loop3A_581 = arith.index_cast %parallel_loop3A_580 : i32 to index
        %parallel_loop3A_582 = arith.index_cast %parallel_loop3A_555 : i32 to index
        %parallel_loop3A_583 = arith.constant 64 : index
        %parallel_loop3A_584 = tpu.vector_load %arg11[%parallel_loop3A_581, %parallel_loop3A_582, %parallel_loop3A_583] {strides = array<i32>} : memref<4x64x128xf32, #tpu.memory_space<vmem>>, vector<1x1x16xf32>,
        %parallel_loop3A_585 = vector.shape_cast %parallel_loop3A_584 : vector<1x1x16xf32> to vector<16xf32>
        %parallel_loop3A_586 = arith.mulf %parallel_loop3A_585, %parallel_loop3A_565 : vector<16xf32>
        %parallel_loop3A_587 = arith.constant 3 : i32
        %parallel_loop3A_588 = arith.index_cast %parallel_loop3A_587 : i32 to index
        %parallel_loop3A_589 = arith.index_cast %parallel_loop3A_555 : i32 to index
        %parallel_loop3A_590 = arith.constant 64 : index
        %parallel_loop3A_591 = tpu.vector_load %arg11[%parallel_loop3A_588, %parallel_loop3A_589, %parallel_loop3A_590] {strides = array<i32>} : memref<4x64x128xf32, #tpu.memory_space<vmem>>, vector<1x1x16xf32>,
        %parallel_loop3A_592 = vector.shape_cast %parallel_loop3A_591 : vector<1x1x16xf32> to vector<16xf32>
        %parallel_loop3A_593 = vector.shape_cast %parallel_loop3A_586 : vector<16xf32> to vector<1x1x16xf32>
        tpu.vector_store %arg11[%parallel_loop3A_588, %parallel_loop3A_589, %parallel_loop3A_590], %parallel_loop3A_593 {strides = array<i32>} : memref<4x64x128xf32, #tpu.memory_space<vmem>>, vector<1x1x16xf32>,
        %parallel_loop3A_594 = arith.constant 1 : i32
        %parallel_loop3A_595 = arith.index_cast %parallel_loop3A_594 : i32 to index
        %parallel_loop3A_596 = arith.index_cast %parallel_loop3A_555 : i32 to index
        %parallel_loop3A_597 = arith.constant 16 : index
        %parallel_loop3A_598 = tpu.vector_load %arg10[%parallel_loop3A_595, %parallel_loop3A_596, %parallel_loop3A_597] {strides = array<i32>} : memref<2x64x64xi32, #tpu.memory_space<vmem>>, vector<1x1x16xi32>,
        %parallel_loop3A_599 = vector.shape_cast %parallel_loop3A_598 : vector<1x1x16xi32> to vector<16xi32>
        %parallel_loop3A_600 = arith.shli %parallel_loop3A_599, %broadcast_in_dim3A_501 : vector<16xi32>
        %parallel_loop3A_601 = tpu.bitcast %parallel_loop3A_600 : vector<16xi32> -> vector<16xf32>
        %parallel_loop3A_602 = arith.andi %parallel_loop3A_599, %broadcast_in_dim3A_503 : vector<16xi32>
        %parallel_loop3A_603 = tpu.bitcast %parallel_loop3A_602 : vector<16xi32> -> vector<16xf32>
        %parallel_loop3A_604 = arith.constant 3 : i32
        %parallel_loop3A_605 = arith.index_cast %parallel_loop3A_604 : i32 to index
        %parallel_loop3A_606 = arith.index_cast %parallel_loop3A_555 : i32 to index
        %parallel_loop3A_607 = arith.constant 16 : index
        %parallel_loop3A_608 = tpu.vector_load %arg11[%parallel_loop3A_605, %parallel_loop3A_606, %parallel_loop3A_607] {strides = array<i32>} : memref<4x64x128xf32, #tpu.memory_space<vmem>>, vector<1x1x16xf32>,
        %parallel_loop3A_609 = vector.shape_cast %parallel_loop3A_608 : vector<1x1x16xf32> to vector<16xf32>
        %parallel_loop3A_610 = arith.mulf %parallel_loop3A_609, %parallel_loop3A_601 : vector<16xf32>
        %parallel_loop3A_611 = arith.constant 3 : i32
        %parallel_loop3A_612 = arith.index_cast %parallel_loop3A_611 : i32 to index
        %parallel_loop3A_613 = arith.index_cast %parallel_loop3A_555 : i32 to index
        %parallel_loop3A_614 = arith.constant 16 : index
        %parallel_loop3A_615 = tpu.vector_load %arg11[%parallel_loop3A_612, %parallel_loop3A_613, %parallel_loop3A_614] {strides = array<i32>} : memref<4x64x128xf32, #tpu.memory_space<vmem>>, vector<1x1x16xf32>,
        %parallel_loop3A_616 = vector.shape_cast %parallel_loop3A_615 : vector<1x1x16xf32> to vector<16xf32>
        %parallel_loop3A_617 = vector.shape_cast %parallel_loop3A_610 : vector<16xf32> to vector<1x1x16xf32>
        tpu.vector_store %arg11[%parallel_loop3A_612, %parallel_loop3A_613, %parallel_loop3A_614], %parallel_loop3A_617 {strides = array<i32>} : memref<4x64x128xf32, #tpu.memory_space<vmem>>, vector<1x1x16xf32>,
        %parallel_loop3A_618 = arith.constant 3 : i32
        %parallel_loop3A_619 = arith.index_cast %parallel_loop3A_618 : i32 to index
        %parallel_loop3A_620 = arith.index_cast %parallel_loop3A_555 : i32 to index
        %parallel_loop3A_621 = arith.constant 80 : index
        %parallel_loop3A_622 = tpu.vector_load %arg11[%parallel_loop3A_619, %parallel_loop3A_620, %parallel_loop3A_621] {strides = array<i32>} : memref<4x64x128xf32, #tpu.memory_space<vmem>>, vector<1x1x16xf32>,
        %parallel_loop3A_623 = vector.shape_cast %parallel_loop3A_622 : vector<1x1x16xf32> to vector<16xf32>
        %parallel_loop3A_624 = arith.mulf %parallel_loop3A_623, %parallel_loop3A_603 : vector<16xf32>
        %parallel_loop3A_625 = arith.constant 3 : i32
        %parallel_loop3A_626 = arith.index_cast %parallel_loop3A_625 : i32 to index
        %parallel_loop3A_627 = arith.index_cast %parallel_loop3A_555 : i32 to index
        %parallel_loop3A_628 = arith.constant 80 : index
        %parallel_loop3A_629 = tpu.vector_load %arg11[%parallel_loop3A_626, %parallel_loop3A_627, %parallel_loop3A_628] {strides = array<i32>} : memref<4x64x128xf32, #tpu.memory_space<vmem>>, vector<1x1x16xf32>,
        %parallel_loop3A_630 = vector.shape_cast %parallel_loop3A_629 : vector<1x1x16xf32> to vector<16xf32>
        %parallel_loop3A_631 = vector.shape_cast %parallel_loop3A_624 : vector<16xf32> to vector<1x1x16xf32>
        tpu.vector_store %arg11[%parallel_loop3A_626, %parallel_loop3A_627, %parallel_loop3A_628], %parallel_loop3A_631 {strides = array<i32>} : memref<4x64x128xf32, #tpu.memory_space<vmem>>, vector<1x1x16xf32>,
        %parallel_loop3A_632 = arith.constant 1 : i32
        %parallel_loop3A_633 = arith.index_cast %parallel_loop3A_632 : i32 to index
        %parallel_loop3A_634 = arith.index_cast %parallel_loop3A_555 : i32 to index
        %parallel_loop3A_635 = arith.constant 32 : index
        %parallel_loop3A_636 = tpu.vector_load %arg10[%parallel_loop3A_633, %parallel_loop3A_634, %parallel_loop3A_635] {strides = array<i32>} : memref<2x64x64xi32, #tpu.memory_space<vmem>>, vector<1x1x16xi32>,
        %parallel_loop3A_637 = vector.shape_cast %parallel_loop3A_636 : vector<1x1x16xi32> to vector<16xi32>
        %parallel_loop3A_638 = arith.shli %parallel_loop3A_637, %broadcast_in_dim3A_501 : vector<16xi32>
        %parallel_loop3A_639 = tpu.bitcast %parallel_loop3A_638 : vector<16xi32> -> vector<16xf32>
        %parallel_loop3A_640 = arith.andi %parallel_loop3A_637, %broadcast_in_dim3A_503 : vector<16xi32>
        %parallel_loop3A_641 = tpu.bitcast %parallel_loop3A_640 : vector<16xi32> -> vector<16xf32>
        %parallel_loop3A_642 = arith.constant 3 : i32
        %parallel_loop3A_643 = arith.index_cast %parallel_loop3A_642 : i32 to index
        %parallel_loop3A_644 = arith.index_cast %parallel_loop3A_555 : i32 to index
        %parallel_loop3A_645 = arith.constant 32 : index
        %parallel_loop3A_646 = tpu.vector_load %arg11[%parallel_loop3A_643, %parallel_loop3A_644, %parallel_loop3A_645] {strides = array<i32>} : memref<4x64x128xf32, #tpu.memory_space<vmem>>, vector<1x1x16xf32>,
        %parallel_loop3A_647 = vector.shape_cast %parallel_loop3A_646 : vector<1x1x16xf32> to vector<16xf32>
        %parallel_loop3A_648 = arith.mulf %parallel_loop3A_647, %parallel_loop3A_639 : vector<16xf32>
        %parallel_loop3A_649 = arith.constant 3 : i32
        %parallel_loop3A_650 = arith.index_cast %parallel_loop3A_649 : i32 to index
        %parallel_loop3A_651 = arith.index_cast %parallel_loop3A_555 : i32 to index
        %parallel_loop3A_652 = arith.constant 32 : index
        %parallel_loop3A_653 = tpu.vector_load %arg11[%parallel_loop3A_650, %parallel_loop3A_651, %parallel_loop3A_652] {strides = array<i32>} : memref<4x64x128xf32, #tpu.memory_space<vmem>>, vector<1x1x16xf32>,
        %parallel_loop3A_654 = vector.shape_cast %parallel_loop3A_653 : vector<1x1x16xf32> to vector<16xf32>
        %parallel_loop3A_655 = vector.shape_cast %parallel_loop3A_648 : vector<16xf32> to vector<1x1x16xf32>
        tpu.vector_store %arg11[%parallel_loop3A_650, %parallel_loop3A_651, %parallel_loop3A_652], %parallel_loop3A_655 {strides = array<i32>} : memref<4x64x128xf32, #tpu.memory_space<vmem>>, vector<1x1x16xf32>,
        %parallel_loop3A_656 = arith.constant 3 : i32
        %parallel_loop3A_657 = arith.index_cast %parallel_loop3A_656 : i32 to index
        %parallel_loop3A_658 = arith.index_cast %parallel_loop3A_555 : i32 to index
        %parallel_loop3A_659 = arith.constant 96 : index
        %parallel_loop3A_660 = tpu.vector_load %arg11[%parallel_loop3A_657, %parallel_loop3A_658, %parallel_loop3A_659] {strides = array<i32>} : memref<4x64x128xf32, #tpu.memory_space<vmem>>, vector<1x1x16xf32>,
        %parallel_loop3A_661 = vector.shape_cast %parallel_loop3A_660 : vector<1x1x16xf32> to vector<16xf32>
        %parallel_loop3A_662 = arith.mulf %parallel_loop3A_661, %parallel_loop3A_641 : vector<16xf32>
        %parallel_loop3A_663 = arith.constant 3 : i32
        %parallel_loop3A_664 = arith.index_cast %parallel_loop3A_663 : i32 to index
        %parallel_loop3A_665 = arith.index_cast %parallel_loop3A_555 : i32 to index
        %parallel_loop3A_666 = arith.constant 96 : index
        %parallel_loop3A_667 = tpu.vector_load %arg11[%parallel_loop3A_664, %parallel_loop3A_665, %parallel_loop3A_666] {strides = array<i32>} : memref<4x64x128xf32, #tpu.memory_space<vmem>>, vector<1x1x16xf32>,
        %parallel_loop3A_668 = vector.shape_cast %parallel_loop3A_667 : vector<1x1x16xf32> to vector<16xf32>
        %parallel_loop3A_669 = vector.shape_cast %parallel_loop3A_662 : vector<16xf32> to vector<1x1x16xf32>
        tpu.vector_store %arg11[%parallel_loop3A_664, %parallel_loop3A_665, %parallel_loop3A_666], %parallel_loop3A_669 {strides = array<i32>} : memref<4x64x128xf32, #tpu.memory_space<vmem>>, vector<1x1x16xf32>,
        %parallel_loop3A_670 = arith.constant 1 : i32
        %parallel_loop3A_671 = arith.index_cast %parallel_loop3A_670 : i32 to index
        %parallel_loop3A_672 = arith.index_cast %parallel_loop3A_555 : i32 to index
        %parallel_loop3A_673 = arith.constant 48 : index
        %parallel_loop3A_674 = tpu.vector_load %arg10[%parallel_loop3A_671, %parallel_loop3A_672, %parallel_loop3A_673] {strides = array<i32>} : memref<2x64x64xi32, #tpu.memory_space<vmem>>, vector<1x1x16xi32>,
        %parallel_loop3A_675 = vector.shape_cast %parallel_loop3A_674 : vector<1x1x16xi32> to vector<16xi32>
        %parallel_loop3A_676 = arith.shli %parallel_loop3A_675, %broadcast_in_dim3A_501 : vector<16xi32>
        %parallel_loop3A_677 = tpu.bitcast %parallel_loop3A_676 : vector<16xi32> -> vector<16xf32>
        %parallel_loop3A_678 = arith.andi %parallel_loop3A_675, %broadcast_in_dim3A_503 : vector<16xi32>
        %parallel_loop3A_679 = tpu.bitcast %parallel_loop3A_678 : vector<16xi32> -> vector<16xf32>
        %parallel_loop3A_680 = arith.constant 3 : i32
        %parallel_loop3A_681 = arith.index_cast %parallel_loop3A_680 : i32 to index
        %parallel_loop3A_682 = arith.index_cast %parallel_loop3A_555 : i32 to index
        %parallel_loop3A_683 = arith.constant 48 : index
        %parallel_loop3A_684 = tpu.vector_load %arg11[%parallel_loop3A_681, %parallel_loop3A_682, %parallel_loop3A_683] {strides = array<i32>} : memref<4x64x128xf32, #tpu.memory_space<vmem>>, vector<1x1x16xf32>,
        %parallel_loop3A_685 = vector.shape_cast %parallel_loop3A_684 : vector<1x1x16xf32> to vector<16xf32>
        %parallel_loop3A_686 = arith.mulf %parallel_loop3A_685, %parallel_loop3A_677 : vector<16xf32>
        %parallel_loop3A_687 = arith.constant 3 : i32
        %parallel_loop3A_688 = arith.index_cast %parallel_loop3A_687 : i32 to index
        %parallel_loop3A_689 = arith.index_cast %parallel_loop3A_555 : i32 to index
        %parallel_loop3A_690 = arith.constant 48 : index
        %parallel_loop3A_691 = tpu.vector_load %arg11[%parallel_loop3A_688, %parallel_loop3A_689, %parallel_loop3A_690] {strides = array<i32>} : memref<4x64x128xf32, #tpu.memory_space<vmem>>, vector<1x1x16xf32>,
        %parallel_loop3A_692 = vector.shape_cast %parallel_loop3A_691 : vector<1x1x16xf32> to vector<16xf32>
        %parallel_loop3A_693 = vector.shape_cast %parallel_loop3A_686 : vector<16xf32> to vector<1x1x16xf32>
        tpu.vector_store %arg11[%parallel_loop3A_688, %parallel_loop3A_689, %parallel_loop3A_690], %parallel_loop3A_693 {strides = array<i32>} : memref<4x64x128xf32, #tpu.memory_space<vmem>>, vector<1x1x16xf32>,
        %parallel_loop3A_694 = arith.constant 3 : i32
        %parallel_loop3A_695 = arith.index_cast %parallel_loop3A_694 : i32 to index
        %parallel_loop3A_696 = arith.index_cast %parallel_loop3A_555 : i32 to index
        %parallel_loop3A_697 = arith.constant 112 : index
        %parallel_loop3A_698 = tpu.vector_load %arg11[%parallel_loop3A_695, %parallel_loop3A_696, %parallel_loop3A_697] {strides = array<i32>} : memref<4x64x128xf32, #tpu.memory_space<vmem>>, vector<1x1x16xf32>,
        %parallel_loop3A_699 = vector.shape_cast %parallel_loop3A_698 : vector<1x1x16xf32> to vector<16xf32>
        %parallel_loop3A_700 = arith.mulf %parallel_loop3A_699, %parallel_loop3A_679 : vector<16xf32>
        %parallel_loop3A_701 = arith.constant 3 : i32
        %parallel_loop3A_702 = arith.index_cast %parallel_loop3A_701 : i32 to index
        %parallel_loop3A_703 = arith.index_cast %parallel_loop3A_555 : i32 to index
        %parallel_loop3A_704 = arith.constant 112 : index
        %parallel_loop3A_705 = tpu.vector_load %arg11[%parallel_loop3A_702, %parallel_loop3A_703, %parallel_loop3A_704] {strides = array<i32>} : memref<4x64x128xf32, #tpu.memory_space<vmem>>, vector<1x1x16xf32>,
        %parallel_loop3A_706 = vector.shape_cast %parallel_loop3A_705 : vector<1x1x16xf32> to vector<16xf32>
        %parallel_loop3A_707 = vector.shape_cast %parallel_loop3A_700 : vector<16xf32> to vector<1x1x16xf32>
        tpu.vector_store %arg11[%parallel_loop3A_702, %parallel_loop3A_703, %parallel_loop3A_704], %parallel_loop3A_707 {strides = array<i32>} : memref<4x64x128xf32, #tpu.memory_space<vmem>>, vector<1x1x16xf32>,
      } {sc.loop_unroll_factor = 1 : i64, sc.parallel_access}
      %add3A_507 = arith.constant 2 : i32
      %add3A_508 = arith.addi %add3A_470, %add3A_507 : i32
      %lt3A_509 = arith.constant 80 : i32
      %lt3A_510 = arith.cmpi slt, %add3A_508, %lt3A_509 : i32
      %convert_element_type3A_511 = arith.extui %lt3A_510 : i1 to i32
      %cond3A_512 = arith.constant 0 : i32
      %cond3A_513 = arith.cmpi ne, %convert_element_type3A_511, %cond3A_512 : i32
      scf.if %cond3A_513 {
        %add3A_555 = arith.constant 2 : i32
        %add3A_556 = arith.addi %add3A_470, %add3A_555 : i32
        %mul3A_557 = arith.constant 64 : i32
        %mul3A_558 = arith.muli %add3A_556, %mul3A_557 : i32
        %dma_start3A_559 = arith.constant 1 : i32
        %dma_start3A_560 = arith.constant 0 : i32
        %dma_start3A_561 = arith.constant 0 : i32
        %dma_start3A_562 = tpu.memref_slice %arg10[%dma_start3A_559, %dma_start3A_560, %dma_start3A_561] : memref<2x64x64xi32, #tpu.memory_space<vmem>> -> memref<1x64x64xi32, #tpu.memory_space<vmem>>
        %dma_start3A_563 = tpu.memref_squeeze %dma_start3A_562 : memref<1x64x64xi32, #tpu.memory_space<vmem>> -> memref<64x64xi32, #tpu.memory_space<vmem>>
        %dma_start3A_564 = arith.constant 0 : i32
        %dma_start3A_565 = tpu.memref_slice %arg5[%arg0, %arg1, %mul3A_558, %dma_start3A_564] : memref<2x16x5120x64xi32, #tpu.memory_space<hbm>> -> memref<1x1x64x64xi32, #tpu.memory_space<hbm>>
        %dma_start3A_566 = tpu.memref_squeeze %dma_start3A_565 : memref<1x1x64x64xi32, #tpu.memory_space<hbm>> -> memref<64x64xi32, #tpu.memory_space<hbm>>
        %dma_start3A_567 = arith.constant 0 : i32
        %dma_start3A_568 = arith.constant 0 : i32
        %dma_start3A_569 = tpu.memref_slice %arg10[%dma_start3A_559, %dma_start3A_567, %dma_start3A_568] : memref<2x64x64xi32, #tpu.memory_space<vmem>> -> memref<1x64x64xi32, #tpu.memory_space<vmem>>
        %dma_start3A_570 = tpu.memref_squeeze %dma_start3A_569 : memref<1x64x64xi32, #tpu.memory_space<vmem>> -> memref<64x64xi32, #tpu.memory_space<vmem>>
        %dma_start3A_571 = arith.constant 0 : i32
        %dma_start3A_572 = tpu.memref_slice %arg5[%arg0, %arg1, %mul3A_558, %dma_start3A_571] : memref<2x16x5120x64xi32, #tpu.memory_space<hbm>> -> memref<1x1x64x64xi32, #tpu.memory_space<hbm>>
        %dma_start3A_573 = tpu.memref_squeeze %dma_start3A_572 : memref<1x1x64x64xi32, #tpu.memory_space<hbm>> -> memref<64x64xi32, #tpu.memory_space<hbm>>
        tpu.enqueue_dma source(%dma_start3A_573 : memref<64x64xi32, #tpu.memory_space<hbm>>) target(%dma_start3A_570 : memref<64x64xi32, #tpu.memory_space<vmem>>) target_semaphore(%arg14 : memref<!tpu.dma_semaphore, #tpu.memory_space<semaphore_mem>>)
      } else {
      }
      %ge3A_514 = arith.constant 2 : i32
      %ge3A_515 = arith.cmpi sge, %add3A_470, %ge3A_514 : i32
      %convert_element_type3A_516 = arith.extui %ge3A_515 : i1 to i32
      %cond3A_517 = arith.constant 0 : i32
      %cond3A_518 = arith.cmpi ne, %convert_element_type3A_516, %cond3A_517 : i32
      scf.if %cond3A_518 {
        %dma_wait3A_555 = arith.constant 1 : i32
        %dma_wait3A_556 = arith.constant 1 : i32
        %dma_wait3A_557 = arith.constant 0 : i32
        %dma_wait3A_558 = arith.constant 0 : i32
        %dma_wait3A_559 = tpu.memref_slice %arg11[%dma_wait3A_555, %dma_wait3A_557, %dma_wait3A_558] : memref<4x64x128xf32, #tpu.memory_space<vmem>> -> memref<1x64x128xf32, #tpu.memory_space<vmem>>
        %dma_wait3A_560 = tpu.memref_squeeze %dma_wait3A_559 : memref<1x64x128xf32, #tpu.memory_space<vmem>> -> memref<64x128xf32, #tpu.memory_space<vmem>>
        %dma_wait3A_561 = arith.constant 0 : i32
        %dma_wait3A_562 = tpu.memref_slice %arg9[%dma_wait3A_556, %dma_wait3A_561] : memref<4x64xi32, #tpu.memory_space<vmem>> -> memref<1x64xi32, #tpu.memory_space<vmem>>
        %dma_wait3A_563 = tpu.memref_squeeze %dma_wait3A_562 : memref<1x64xi32, #tpu.memory_space<vmem>> -> memref<64xi32, #tpu.memory_space<vmem>>
        %dma_wait3A_564 = arith.constant 0 : i32
        %dma_wait3A_565 = arith.constant 0 : i32
        %dma_wait3A_566 = tpu.memref_slice %arg7[%dma_wait3A_564, %dma_wait3A_565] : memref<10112x128xf32, #tpu.memory_space<vmem_shared>> -> memref<10112x128xf32, #tpu.memory_space<vmem_shared>>
        tpu.wait_indirect_dma semaphore(%arg16 : memref<!tpu.dma_semaphore, #tpu.memory_space<semaphore_mem>>) src(%dma_wait3A_560 : memref<64x128xf32, #tpu.memory_space<vmem>>) dst(%dma_wait3A_566 : memref<10112x128xf32, #tpu.memory_space<vmem_shared>>)
      } else {
      }
      %ge3A_519 = arith.constant 3 : i32
      %ge3A_520 = arith.cmpi sge, %add3A_470, %ge3A_519 : i32
      %add3A_521 = arith.constant 2 : i32
      %add3A_522 = arith.addi %add3A_470, %add3A_521 : i32
      %lt3A_523 = arith.constant 80 : i32
      %lt3A_524 = arith.cmpi slt, %add3A_522, %lt3A_523 : i32
      %and3A_525 = arith.andi %ge3A_520, %lt3A_524 : i1
      %convert_element_type3A_526 = arith.extui %and3A_525 : i1 to i32
      %cond3A_527 = arith.constant 0 : i32
      %cond3A_528 = arith.cmpi ne, %convert_element_type3A_526, %cond3A_527 : i32
      scf.if %cond3A_528 {
        %add3A_555 = arith.constant 1 : i32
        %add3A_556 = arith.addi %add3A_470, %add3A_555 : i32
        %dma_start3A_557 = arith.constant 0 : i32
        %dma_start3A_558 = arith.constant 0 : i32
        %dma_start3A_559 = tpu.memref_slice %arg9[%dma_start3A_557, %dma_start3A_558] : memref<4x64xi32, #tpu.memory_space<vmem>> -> memref<2x64xi32, #tpu.memory_space<vmem>>
        %dma_start3A_560 = arith.constant 0 : i32
        %dma_start3A_561 = tpu.memref_slice %arg4[%arg0, %arg1, %add3A_556, %dma_start3A_560] : memref<2x16x80x64xi32, #tpu.memory_space<hbm>> -> memref<1x1x2x64xi32, #tpu.memory_space<hbm>>
        %dma_start3A_562 = tpu.memref_squeeze %dma_start3A_561 : memref<1x1x2x64xi32, #tpu.memory_space<hbm>> -> memref<2x64xi32, #tpu.memory_space<hbm>>
        %dma_start3A_563 = arith.constant 0 : i32
        %dma_start3A_564 = arith.constant 0 : i32
        %dma_start3A_565 = tpu.memref_slice %arg9[%dma_start3A_563, %dma_start3A_564] : memref<4x64xi32, #tpu.memory_space<vmem>> -> memref<2x64xi32, #tpu.memory_space<vmem>>
        %dma_start3A_566 = arith.constant 0 : i32
        %dma_start3A_567 = tpu.memref_slice %arg4[%arg0, %arg1, %add3A_556, %dma_start3A_566] : memref<2x16x80x64xi32, #tpu.memory_space<hbm>> -> memref<1x1x2x64xi32, #tpu.memory_space<hbm>>
        %dma_start3A_568 = tpu.memref_squeeze %dma_start3A_567 : memref<1x1x2x64xi32, #tpu.memory_space<hbm>> -> memref<2x64xi32, #tpu.memory_space<hbm>>
        tpu.enqueue_dma source(%dma_start3A_568 : memref<2x64xi32, #tpu.memory_space<hbm>>) target(%dma_start3A_565 : memref<2x64xi32, #tpu.memory_space<vmem>>) target_semaphore(%arg13 : memref<!tpu.dma_semaphore, #tpu.memory_space<semaphore_mem>>)
      } else {
      }
      %add3A_529 = arith.constant 4 : i32
      %add3A_530 = arith.addi %add3A_470, %add3A_529 : i32
      %lt3A_531 = arith.constant 80 : i32
      %lt3A_532 = arith.cmpi slt, %add3A_530, %lt3A_531 : i32
      %convert_element_type3A_533 = arith.extui %lt3A_532 : i1 to i32
      %cond3A_534 = arith.constant 0 : i32
      %cond3A_535 = arith.cmpi ne, %convert_element_type3A_533, %cond3A_534 : i32
      scf.if %cond3A_535 {
        %add3A_555 = arith.constant 3 : i32
        %add3A_556 = arith.addi %add3A_470, %add3A_555 : i32
        %dma_start3A_557 = arith.constant 2 : i32
        %dma_start3A_558 = arith.constant 0 : i32
        %dma_start3A_559 = tpu.memref_slice %arg8[%dma_start3A_557, %dma_start3A_558] : memref<4x64xi32, #tpu.memory_space<vmem>> -> memref<2x64xi32, #tpu.memory_space<vmem>>
        %dma_start3A_560 = arith.constant 0 : i32
        %dma_start3A_561 = tpu.memref_slice %arg3[%arg0, %arg1, %add3A_556, %dma_start3A_560] : memref<2x16x80x64xi32, #tpu.memory_space<hbm>> -> memref<1x1x2x64xi32, #tpu.memory_space<hbm>>
        %dma_start3A_562 = tpu.memref_squeeze %dma_start3A_561 : memref<1x1x2x64xi32, #tpu.memory_space<hbm>> -> memref<2x64xi32, #tpu.memory_space<hbm>>
        %dma_start3A_563 = arith.constant 2 : i32
        %dma_start3A_564 = arith.constant 0 : i32
        %dma_start3A_565 = tpu.memref_slice %arg8[%dma_start3A_563, %dma_start3A_564] : memref<4x64xi32, #tpu.memory_space<vmem>> -> memref<2x64xi32, #tpu.memory_space<vmem>>
        %dma_start3A_566 = arith.constant 0 : i32
        %dma_start3A_567 = tpu.memref_slice %arg3[%arg0, %arg1, %add3A_556, %dma_start3A_566] : memref<2x16x80x64xi32, #tpu.memory_space<hbm>> -> memref<1x1x2x64xi32, #tpu.memory_space<hbm>>
        %dma_start3A_568 = tpu.memref_squeeze %dma_start3A_567 : memref<1x1x2x64xi32, #tpu.memory_space<hbm>> -> memref<2x64xi32, #tpu.memory_space<hbm>>
        tpu.enqueue_dma source(%dma_start3A_568 : memref<2x64xi32, #tpu.memory_space<hbm>>) target(%dma_start3A_565 : memref<2x64xi32, #tpu.memory_space<vmem>>) target_semaphore(%arg12 : memref<!tpu.dma_semaphore, #tpu.memory_space<semaphore_mem>>)
      } else {
      }
      %add3A_536 = arith.constant 2 : i32
      %add3A_537 = arith.addi %add3A_470, %add3A_536 : i32
      %lt3A_538 = arith.constant 80 : i32
      %lt3A_539 = arith.cmpi slt, %add3A_537, %lt3A_538 : i32
      %convert_element_type3A_540 = arith.extui %lt3A_539 : i1 to i32
      %cond3A_541 = arith.constant 0 : i32
      %cond3A_542 = arith.cmpi ne, %convert_element_type3A_540, %cond3A_541 : i32
      scf.if %cond3A_542 {
        %dma_start3A_555 = arith.constant 1 : i32
        %dma_start3A_556 = arith.constant 1 : i32
        %dma_start3A_557 = arith.constant 0 : i32
        %dma_start3A_558 = arith.constant 0 : i32
        %dma_start3A_559 = tpu.memref_slice %arg11[%dma_start3A_556, %dma_start3A_557, %dma_start3A_558] : memref<4x64x128xf32, #tpu.memory_space<vmem>> -> memref<1x64x128xf32, #tpu.memory_space<vmem>>
        %dma_start3A_560 = tpu.memref_squeeze %dma_start3A_559 : memref<1x64x128xf32, #tpu.memory_space<vmem>> -> memref<64x128xf32, #tpu.memory_space<vmem>>
        %dma_start3A_561 = arith.constant 0 : i32
        %dma_start3A_562 = tpu.memref_slice %arg8[%dma_start3A_555, %dma_start3A_561] : memref<4x64xi32, #tpu.memory_space<vmem>> -> memref<1x64xi32, #tpu.memory_space<vmem>>
        %dma_start3A_563 = tpu.memref_squeeze %dma_start3A_562 : memref<1x64xi32, #tpu.memory_space<vmem>> -> memref<64xi32, #tpu.memory_space<vmem>>
        %dma_start3A_564 = arith.constant 0 : i32
        %dma_start3A_565 = arith.constant 0 : i32
        %dma_start3A_566 = tpu.memref_slice %arg2[%dma_start3A_564, %dma_start3A_565] : memref<10000x128xf32, #tpu.memory_space<hbm>> -> memref<10000x128xf32, #tpu.memory_space<hbm>>
        tpu.enqueue_indirect_dma source(%dma_start3A_566 : memref<10000x128xf32, #tpu.memory_space<hbm>>) target(%dma_start3A_560 : memref<64x128xf32, #tpu.memory_space<vmem>>) offsets(%dma_start3A_563 : memref<64xi32, #tpu.memory_space<vmem>>) semaphore(%arg15 : memref<!tpu.dma_semaphore, #tpu.memory_space<semaphore_mem>>)
      } else {
      }
      %dma_start3A_543 = arith.constant 3 : i32
      %dma_start3A_544 = arith.constant 3 : i32
      %dma_start3A_545 = arith.constant 0 : i32
      %dma_start3A_546 = arith.constant 0 : i32
      %dma_start3A_547 = tpu.memref_slice %arg11[%dma_start3A_543, %dma_start3A_545, %dma_start3A_546] : memref<4x64x128xf32, #tpu.memory_space<vmem>> -> memref<1x64x128xf32, #tpu.memory_space<vmem>>
      %dma_start3A_548 = tpu.memref_squeeze %dma_start3A_547 : memref<1x64x128xf32, #tpu.memory_space<vmem>> -> memref<64x128xf32, #tpu.memory_space<vmem>>
      %dma_start3A_549 = arith.constant 0 : i32
      %dma_start3A_550 = tpu.memref_slice %arg9[%dma_start3A_544, %dma_start3A_549] : memref<4x64xi32, #tpu.memory_space<vmem>> -> memref<1x64xi32, #tpu.memory_space<vmem>>
      %dma_start3A_551 = tpu.memref_squeeze %dma_start3A_550 : memref<1x64xi32, #tpu.memory_space<vmem>> -> memref<64xi32, #tpu.memory_space<vmem>>
      %dma_start3A_552 = arith.constant 0 : i32
      %dma_start3A_553 = arith.constant 0 : i32
      %dma_start3A_554 = tpu.memref_slice %arg7[%dma_start3A_552, %dma_start3A_553] : memref<10112x128xf32, #tpu.memory_space<vmem_shared>> -> memref<10112x128xf32, #tpu.memory_space<vmem_shared>>
      tpu.enqueue_indirect_dma source(%dma_start3A_548 : memref<64x128xf32, #tpu.memory_space<vmem>>) target(%dma_start3A_554 : memref<10112x128xf32, #tpu.memory_space<vmem_shared>>) offsets(%dma_start3A_551 : memref<64xi32, #tpu.memory_space<vmem>>) semaphore(%arg16 : memref<!tpu.dma_semaphore, #tpu.memory_space<semaphore_mem>>) {add = true}
    }
    %scan3A_205 = arith.constant 20 : i32
    %dma_wait3A_206 = arith.constant 2 : i32
    %dma_wait3A_207 = arith.constant 2 : i32
    %dma_wait3A_208 = arith.constant 0 : i32
    %dma_wait3A_209 = arith.constant 0 : i32
    %dma_wait3A_210 = tpu.memref_slice %arg11[%dma_wait3A_206, %dma_wait3A_208, %dma_wait3A_209] : memref<4x64x128xf32, #tpu.memory_space<vmem>> -> memref<1x64x128xf32, #tpu.memory_space<vmem>>
    %dma_wait3A_211 = tpu.memref_squeeze %dma_wait3A_210 : memref<1x64x128xf32, #tpu.memory_space<vmem>> -> memref<64x128xf32, #tpu.memory_space<vmem>>
    %dma_wait3A_212 = arith.constant 0 : i32
    %dma_wait3A_213 = tpu.memref_slice %arg9[%dma_wait3A_207, %dma_wait3A_212] : memref<4x64xi32, #tpu.memory_space<vmem>> -> memref<1x64xi32, #tpu.memory_space<vmem>>
    %dma_wait3A_214 = tpu.memref_squeeze %dma_wait3A_213 : memref<1x64xi32, #tpu.memory_space<vmem>> -> memref<64xi32, #tpu.memory_space<vmem>>
    %dma_wait3A_215 = arith.constant 0 : i32
    %dma_wait3A_216 = arith.constant 0 : i32
    %dma_wait3A_217 = tpu.memref_slice %arg7[%dma_wait3A_215, %dma_wait3A_216] : memref<10112x128xf32, #tpu.memory_space<vmem_shared>> -> memref<10112x128xf32, #tpu.memory_space<vmem_shared>>
    tpu.wait_indirect_dma semaphore(%arg16 : memref<!tpu.dma_semaphore, #tpu.memory_space<semaphore_mem>>) src(%dma_wait3A_211 : memref<64x128xf32, #tpu.memory_space<vmem>>) dst(%dma_wait3A_217 : memref<10112x128xf32, #tpu.memory_space<vmem_shared>>)
    %dma_wait3A_218 = arith.constant 3 : i32
    %dma_wait3A_219 = arith.constant 3 : i32
    %dma_wait3A_220 = arith.constant 0 : i32
    %dma_wait3A_221 = arith.constant 0 : i32
    %dma_wait3A_222 = tpu.memref_slice %arg11[%dma_wait3A_218, %dma_wait3A_220, %dma_wait3A_221] : memref<4x64x128xf32, #tpu.memory_space<vmem>> -> memref<1x64x128xf32, #tpu.memory_space<vmem>>
    %dma_wait3A_223 = tpu.memref_squeeze %dma_wait3A_222 : memref<1x64x128xf32, #tpu.memory_space<vmem>> -> memref<64x128xf32, #tpu.memory_space<vmem>>
    %dma_wait3A_224 = arith.constant 0 : i32
    %dma_wait3A_225 = tpu.memref_slice %arg9[%dma_wait3A_219, %dma_wait3A_224] : memref<4x64xi32, #tpu.memory_space<vmem>> -> memref<1x64xi32, #tpu.memory_space<vmem>>
    %dma_wait3A_226 = tpu.memref_squeeze %dma_wait3A_225 : memref<1x64xi32, #tpu.memory_space<vmem>> -> memref<64xi32, #tpu.memory_space<vmem>>
    %dma_wait3A_227 = arith.constant 0 : i32
    %dma_wait3A_228 = arith.constant 0 : i32
    %dma_wait3A_229 = tpu.memref_slice %arg7[%dma_wait3A_227, %dma_wait3A_228] : memref<10112x128xf32, #tpu.memory_space<vmem_shared>> -> memref<10112x128xf32, #tpu.memory_space<vmem_shared>>
    tpu.wait_indirect_dma semaphore(%arg16 : memref<!tpu.dma_semaphore, #tpu.memory_space<semaphore_mem>>) src(%dma_wait3A_223 : memref<64x128xf32, #tpu.memory_space<vmem>>) dst(%dma_wait3A_229 : memref<10112x128xf32, #tpu.memory_space<vmem_shared>>)
    %barrier3A_230 = arith.constant 0 : index
    tpu.barrier barrier_id(%barrier3A_230)
    "tpu.region"() ({
      %run_scoped3A_231 = tpu.sem_alloc : memref<!tpu.dma_semaphore, #tpu.memory_space<semaphore_mem>>
      %dma_start3A_232 = arith.constant 0 : i32
      %dma_start3A_233 = tpu.memref_slice %arg6[%arg0, %mul3A_171, %dma_start3A_232] : memref<2x10112x128xf32, #tpu.memory_space<hbm>> -> memref<1x632x128xf32, #tpu.memory_space<hbm>>
      %dma_start3A_234 = tpu.memref_squeeze %dma_start3A_233 : memref<1x632x128xf32, #tpu.memory_space<hbm>> -> memref<632x128xf32, #tpu.memory_space<hbm>>
      %dma_start3A_235 = arith.constant 0 : i32
      %dma_start3A_236 = tpu.memref_slice %arg7[%mul3A_171, %dma_start3A_235] : memref<10112x128xf32, #tpu.memory_space<vmem_shared>> -> memref<632x128xf32, #tpu.memory_space<vmem_shared>>
      tpu.enqueue_dma source(%dma_start3A_236 : memref<632x128xf32, #tpu.memory_space<vmem_shared>>) target(%dma_start3A_234 : memref<632x128xf32, #tpu.memory_space<hbm>>) target_semaphore(%run_scoped3A_231 : memref<!tpu.dma_semaphore, #tpu.memory_space<semaphore_mem>>)
      %dma_wait3A_237 = arith.constant 0 : i32
      %dma_wait3A_238 = tpu.memref_slice %arg6[%arg0, %mul3A_171, %dma_wait3A_237] : memref<2x10112x128xf32, #tpu.memory_space<hbm>> -> memref<1x632x128xf32, #tpu.memory_space<hbm>>
      %dma_wait3A_239 = tpu.memref_squeeze %dma_wait3A_238 : memref<1x632x128xf32, #tpu.memory_space<hbm>> -> memref<632x128xf32, #tpu.memory_space<hbm>>
      %dma_wait3A_240 = arith.constant 0 : i32
      %dma_wait3A_241 = tpu.memref_slice %arg7[%mul3A_171, %dma_wait3A_240] : memref<10112x128xf32, #tpu.memory_space<vmem_shared>> -> memref<632x128xf32, #tpu.memory_space<vmem_shared>>
      tpu.wait_dma2 semaphore(%run_scoped3A_231 : memref<!tpu.dma_semaphore, #tpu.memory_space<semaphore_mem>>) src(%dma_wait3A_241 : memref<632x128xf32, #tpu.memory_space<vmem_shared>>) dst(%dma_wait3A_239 : memref<632x128xf32, #tpu.memory_space<hbm>>)
      tpu.yield
    }) : () -> ()
    return
  }
}

module attributes {stable_mosaic.version = 14 : i64} {
  func.func @_w_body(%arg0: i32, %arg1: memref<2048x8xf32, #tpu.memory_space<vmem>>, %arg2: memref<2048x1xf32, #tpu.memory_space<vmem>>, %arg3: memref<8x64xf32, #tpu.memory_space<vmem>>, %arg4: memref<64x128xf32, #tpu.memory_space<vmem>>, %arg5: memref<400x128xf32, #tpu.memory_space<vmem>>, %arg6: memref<400x1xf32, #tpu.memory_space<vmem>>, %arg7: memref<128x128xf32, #tpu.memory_space<vmem>>, %arg8: memref<2048x64xi32, #tpu.memory_space<vmem>>, %arg9: memref<400x128xf32, #tpu.memory_space<vmem>>) attributes {dimension_semantics = [#tpu.dimension_semantics<arbitrary>], iteration_bounds = array<i64: 80>, scalar_prefetch = 0 : i64, scratch_operands = 0 : i64, tpu.core_type = #tpu.core_type<tc>, window_params = [{transform_indices = @transform_0, window_bounds = array<i64: 2048, 8>}, {transform_indices = @transform_1, window_bounds = array<i64: 2048, 1>}, {pipeline_mode = #tpu.pipeline_mode<synchronous>, transform_indices = @transform_2, window_bounds = array<i64: 8, 64>}, {pipeline_mode = #tpu.pipeline_mode<synchronous>, transform_indices = @transform_3, window_bounds = array<i64: 64, 128>}, {transform_indices = @transform_4, window_bounds = array<i64: 400, 128>}, {transform_indices = @transform_5, window_bounds = array<i64: 400, 1>}, {pipeline_mode = #tpu.pipeline_mode<synchronous>, transform_indices = @transform_6, window_bounds = array<i64: 128, 128>}, {transform_indices = @transform_7, window_bounds = array<i64: 2048, 64>}, {transform_indices = @transform_8, window_bounds = array<i64: 400, 128>}]} {
    %get3A = arith.constant 0 : index
    %get3A_0 = arith.constant 0 : index
    %get3A_1 = vector.load %arg1[%get3A, %get3A_0] : memref<2048x8xf32, #tpu.memory_space<vmem>>, vector<2048x8xf32>
    %get3A_2 = arith.constant 0 : index
    %get3A_3 = arith.constant 0 : index
    %get3A_4 = vector.load %arg3[%get3A_2, %get3A_3] : memref<8x64xf32, #tpu.memory_space<vmem>>, vector<8x64xf32>
    %dot_general3A = arith.constant dense<0.000000e+00> : vector<2048x64xf32>
    %dot_general3A_5 = tpu.matmul %get3A_1, %get3A_4, %dot_general3A {dimension_numbers = #tpu.dot_dimension_numbers<[1], [0], [0], [1], [0, 0, 1, 1], [], []>, transpose_lhs_hint = false} : vector<2048x8xf32>, vector<8x64xf32>, vector<2048x64xf32> -> vector<2048x64xf32>
    %mul3A = arith.constant 0.353553385 : f32
    %mul3A_6 = vector.broadcast %mul3A : f32 to vector<2048x64xf32>
    %mul3A_7 = arith.mulf %dot_general3A_5, %mul3A_6 : vector<2048x64xf32>
    %logistic3A = arith.negf %mul3A_7 : vector<2048x64xf32>
    %logistic3A_8 = math.exp %logistic3A : vector<2048x64xf32>
    %logistic3A_9 = arith.constant 1.000000e+00 : f32
    %logistic3A_10 = vector.broadcast %logistic3A_9 : f32 to vector<2048x64xf32>
    %logistic3A_11 = arith.addf %logistic3A_10, %logistic3A_8 : vector<2048x64xf32>
    %logistic3A_12 = arith.divf %logistic3A_10, %logistic3A_11 : vector<2048x64xf32>
    %mul3A_13 = arith.mulf %mul3A_7, %logistic3A_12 : vector<2048x64xf32>
    %mul3A_14 = arith.constant 1.67425609 : f32
    %mul3A_15 = vector.broadcast %mul3A_14 : f32 to vector<2048x64xf32>
    %mul3A_16 = arith.mulf %mul3A_13, %mul3A_15 : vector<2048x64xf32>
    %get3A_17 = arith.constant 0 : index
    %get3A_18 = arith.constant 0 : index
    %get3A_19 = vector.load %arg4[%get3A_17, %get3A_18] : memref<64x128xf32, #tpu.memory_space<vmem>>, vector<64x128xf32>
    %dot_general3A_20 = arith.constant dense<0.000000e+00> : vector<2048x128xf32>
    %dot_general3A_21 = tpu.matmul %mul3A_16, %get3A_19, %dot_general3A_20 {dimension_numbers = #tpu.dot_dimension_numbers<[1], [0], [0], [1], [0, 0, 1, 1], [], []>, transpose_lhs_hint = false} : vector<2048x64xf32>, vector<64x128xf32>, vector<2048x128xf32> -> vector<2048x128xf32>
    %get3A_22 = arith.constant 0 : index
    %get3A_23 = arith.constant 0 : index
    %get3A_24 = vector.load %arg2[%get3A_22, %get3A_23] : memref<2048x1xf32, #tpu.memory_space<vmem>>, vector<2048x1xf32>
    %mul3A_25 = vector.broadcast %get3A_24 : vector<2048x1xf32> to vector<2048x128xf32>
    %mul3A_26 = arith.mulf %dot_general3A_21, %mul3A_25 : vector<2048x128xf32>
    %mul3A_27 = arith.constant 3.125000e-02 : f32
    %mul3A_28 = vector.broadcast %mul3A_27 : f32 to vector<2048x128xf32>
    %mul3A_29 = arith.mulf %mul3A_26, %mul3A_28 : vector<2048x128xf32>
    %bitcast_convert_type3A = tpu.bitcast %mul3A_29 : vector<2048x128xf32> -> vector<2048x128xi32>
    %slice3A = vector.extract_strided_slice %bitcast_convert_type3A {offsets = [0, 0], sizes = [2048, 64], strides = [1, 1]} : vector<2048x128xi32> to vector<2048x64xi32>
    %add3A = arith.constant 32768 : i32
    %add3A_30 = vector.broadcast %add3A : i32 to vector<2048x64xi32>
    %add3A_31 = arith.addi %slice3A, %add3A_30 : vector<2048x64xi32>
    %shift_right_logical3A = arith.constant 16 : i32
    %shift_right_logical3A_32 = vector.broadcast %shift_right_logical3A : i32 to vector<2048x64xi32>
    %shift_right_logical3A_33 = arith.shrui %add3A_31, %shift_right_logical3A_32 : vector<2048x64xi32>
    %slice3A_34 = vector.extract_strided_slice %bitcast_convert_type3A {offsets = [0, 64], sizes = [2048, 64], strides = [1, 1]} : vector<2048x128xi32> to vector<2048x64xi32>
    %add3A_35 = arith.constant 32768 : i32
    %add3A_36 = vector.broadcast %add3A_35 : i32 to vector<2048x64xi32>
    %add3A_37 = arith.addi %slice3A_34, %add3A_36 : vector<2048x64xi32>
    %and3A = arith.constant -65536 : i32
    %and3A_38 = vector.broadcast %and3A : i32 to vector<2048x64xi32>
    %and3A_39 = arith.andi %add3A_37, %and3A_38 : vector<2048x64xi32>
    %or3A = arith.ori %and3A_39, %shift_right_logical3A_33 : vector<2048x64xi32>
    %swap3A = arith.constant 0 : index
    %swap3A_40 = arith.constant 0 : index
    %swap3A_41 = vector.load %arg8[%swap3A, %swap3A_40] : memref<2048x64xi32, #tpu.memory_space<vmem>>, vector<2048x64xi32>
    tpu.vector_store %arg8[%swap3A, %swap3A_40], %or3A {strides = array<i32>} : memref<2048x64xi32, #tpu.memory_space<vmem>>, vector<2048x64xi32>,
    %get3A_42 = arith.constant 0 : index
    %get3A_43 = arith.constant 0 : index
    %get3A_44 = vector.load %arg5[%get3A_42, %get3A_43] : memref<400x128xf32, #tpu.memory_space<vmem>>, vector<400x128xf32>
    %get3A_45 = arith.constant 0 : index
    %get3A_46 = arith.constant 0 : index
    %get3A_47 = vector.load %arg6[%get3A_45, %get3A_46] : memref<400x1xf32, #tpu.memory_space<vmem>>, vector<400x1xf32>
    %mul3A_48 = vector.broadcast %get3A_47 : vector<400x1xf32> to vector<400x128xf32>
    %mul3A_49 = arith.mulf %get3A_44, %mul3A_48 : vector<400x128xf32>
    %get3A_50 = arith.constant 0 : index
    %get3A_51 = arith.constant 0 : index
    %get3A_52 = vector.load %arg7[%get3A_50, %get3A_51] : memref<128x128xf32, #tpu.memory_space<vmem>>, vector<128x128xf32>
    %dot_general3A_53 = arith.constant dense<0.000000e+00> : vector<400x128xf32>
    %dot_general3A_54 = tpu.matmul %mul3A_49, %get3A_52, %dot_general3A_53 {dimension_numbers = #tpu.dot_dimension_numbers<[1], [0], [0], [1], [0, 0, 1, 1], [], []>, transpose_lhs_hint = false} : vector<400x128xf32>, vector<128x128xf32>, vector<400x128xf32> -> vector<400x128xf32>
    %mul3A_55 = arith.constant 0.0883883461 : f32
    %mul3A_56 = vector.broadcast %mul3A_55 : f32 to vector<400x128xf32>
    %mul3A_57 = arith.mulf %dot_general3A_54, %mul3A_56 : vector<400x128xf32>
    %swap3A_58 = arith.constant 0 : index
    %swap3A_59 = arith.constant 0 : index
    %swap3A_60 = vector.load %arg9[%swap3A_58, %swap3A_59] : memref<400x128xf32, #tpu.memory_space<vmem>>, vector<400x128xf32>
    tpu.vector_store %arg9[%swap3A_58, %swap3A_59], %mul3A_57 {strides = array<i32>} : memref<400x128xf32, #tpu.memory_space<vmem>>, vector<400x128xf32>,
    return
  }
  func.func @transform_0(%arg0: i32) -> (i32, i32) {
    %c0_i32 = arith.constant 0 : i32
    %c0_i32_0 = arith.constant 0 : i32
    return %arg0, %c0_i32 : i32, i32
  }
  func.func @transform_1(%arg0: i32) -> (i32, i32) {
    %c0_i32 = arith.constant 0 : i32
    %c0_i32_0 = arith.constant 0 : i32
    return %arg0, %c0_i32 : i32, i32
  }
  func.func @transform_2(%arg0: i32) -> (i32, i32) {
    %c0_i32 = arith.constant 0 : i32
    %c0_i32_0 = arith.constant 0 : i32
    %c0_i32_1 = arith.constant 0 : i32
    return %c0_i32, %c0_i32_0 : i32, i32
  }
  func.func @transform_3(%arg0: i32) -> (i32, i32) {
    %c0_i32 = arith.constant 0 : i32
    %c0_i32_0 = arith.constant 0 : i32
    %c0_i32_1 = arith.constant 0 : i32
    return %c0_i32, %c0_i32_0 : i32, i32
  }
  func.func @transform_4(%arg0: i32) -> (i32, i32) {
    %min3A = arith.constant 24 : i32
    %min3A_0 = arith.minsi %arg0, %min3A : i32
    %c0_i32 = arith.constant 0 : i32
    %c0_i32_1 = arith.constant 0 : i32
    return %min3A_0, %c0_i32 : i32, i32
  }
  func.func @transform_5(%arg0: i32) -> (i32, i32) {
    %min3A = arith.constant 24 : i32
    %min3A_0 = arith.minsi %arg0, %min3A : i32
    %c0_i32 = arith.constant 0 : i32
    %c0_i32_1 = arith.constant 0 : i32
    return %min3A_0, %c0_i32 : i32, i32
  }
  func.func @transform_6(%arg0: i32) -> (i32, i32) {
    %c0_i32 = arith.constant 0 : i32
    %c0_i32_0 = arith.constant 0 : i32
    %c0_i32_1 = arith.constant 0 : i32
    return %c0_i32, %c0_i32_0 : i32, i32
  }
  func.func @transform_7(%arg0: i32) -> (i32, i32) {
    %c0_i32 = arith.constant 0 : i32
    %c0_i32_0 = arith.constant 0 : i32
    return %arg0, %c0_i32 : i32, i32
  }
  func.func @transform_8(%arg0: i32) -> (i32, i32) {
    %min3A = arith.constant 24 : i32
    %min3A_0 = arith.minsi %arg0, %min3A : i32
    %c0_i32 = arith.constant 0 : i32
    %c0_i32_1 = arith.constant 0 : i32
    return %min3A_0, %c0_i32 : i32, i32
  }
}

module attributes {stable_mosaic.version = 14 : i64} {
  func.func @_f_body(%arg0: i32, %arg1: memref<2000x128xf32, #tpu.memory_space<vmem>>, %arg2: memref<2000x1xf32, #tpu.memory_space<vmem>>, %arg3: memref<2x2000x128xf32, #tpu.memory_space<vmem>>, %arg4: memref<128x128xf32, #tpu.memory_space<vmem>>, %arg5: memref<128x128xf32, #tpu.memory_space<vmem>>, %arg6: memref<2000x128xf32, #tpu.memory_space<vmem>>) attributes {dimension_semantics = [#tpu.dimension_semantics<arbitrary>], iteration_bounds = array<i64: 5>, scalar_prefetch = 0 : i64, scratch_operands = 0 : i64, tpu.core_type = #tpu.core_type<tc>, window_params = [{transform_indices = @transform_0, window_bounds = array<i64: 2000, 128>}, {transform_indices = @transform_1, window_bounds = array<i64: 2000, 1>}, {transform_indices = @transform_2, window_bounds = array<i64: 2, 2000, 128>}, {pipeline_mode = #tpu.pipeline_mode<synchronous>, transform_indices = @transform_3, window_bounds = array<i64: 128, 128>}, {pipeline_mode = #tpu.pipeline_mode<synchronous>, transform_indices = @transform_4, window_bounds = array<i64: 128, 128>}, {transform_indices = @transform_5, window_bounds = array<i64: 2000, 128>}]} {
    %get3A = arith.constant 0 : index
    %get3A_0 = arith.constant 0 : index
    %get3A_1 = vector.load %arg2[%get3A, %get3A_0] : memref<2000x1xf32, #tpu.memory_space<vmem>>, vector<2000x1xf32>
    %get3A_2 = arith.constant 0 : index
    %get3A_3 = arith.constant 0 : index
    %get3A_4 = vector.load %arg1[%get3A_2, %get3A_3] : memref<2000x128xf32, #tpu.memory_space<vmem>>, vector<2000x128xf32>
    %mul3A = vector.broadcast %get3A_1 : vector<2000x1xf32> to vector<2000x128xf32>
    %mul3A_5 = arith.mulf %get3A_4, %mul3A : vector<2000x128xf32>
    %get3A_6 = arith.constant 0 : index
    %get3A_7 = arith.constant 0 : index
    %get3A_8 = arith.constant 0 : index
    %get3A_9 = vector.load %arg3[%get3A_6, %get3A_7, %get3A_8] : memref<2x2000x128xf32, #tpu.memory_space<vmem>>, vector<1x2000x128xf32>
    %get3A_10 = vector.shape_cast %get3A_9 : vector<1x2000x128xf32> to vector<2000x128xf32>
    %get3A_11 = arith.constant 1 : index
    %get3A_12 = arith.constant 0 : index
    %get3A_13 = arith.constant 0 : index
    %get3A_14 = vector.load %arg3[%get3A_11, %get3A_12, %get3A_13] : memref<2x2000x128xf32, #tpu.memory_space<vmem>>, vector<1x2000x128xf32>
    %get3A_15 = vector.shape_cast %get3A_14 : vector<1x2000x128xf32> to vector<2000x128xf32>
    %add3A = arith.addf %get3A_10, %get3A_15 : vector<2000x128xf32>
    %mul3A_16 = vector.broadcast %get3A_1 : vector<2000x1xf32> to vector<2000x128xf32>
    %mul3A_17 = arith.mulf %add3A, %mul3A_16 : vector<2000x128xf32>
    %get3A_18 = arith.constant 0 : index
    %get3A_19 = arith.constant 0 : index
    %get3A_20 = vector.load %arg4[%get3A_18, %get3A_19] : memref<128x128xf32, #tpu.memory_space<vmem>>, vector<128x128xf32>
    %dot_general3A = arith.constant dense<0.000000e+00> : vector<2000x128xf32>
    %dot_general3A_21 = tpu.matmul %mul3A_5, %get3A_20, %dot_general3A {dimension_numbers = #tpu.dot_dimension_numbers<[1], [0], [0], [1], [0, 0, 1, 1], [], []>, transpose_lhs_hint = false} : vector<2000x128xf32>, vector<128x128xf32>, vector<2000x128xf32> -> vector<2000x128xf32>
    %mul3A_22 = arith.constant 0.0338247567 : f32
    %mul3A_23 = vector.broadcast %mul3A_22 : f32 to vector<2000x128xf32>
    %mul3A_24 = arith.mulf %dot_general3A_21, %mul3A_23 : vector<2000x128xf32>
    %get3A_25 = arith.constant 0 : index
    %get3A_26 = arith.constant 0 : index
    %get3A_27 = vector.load %arg5[%get3A_25, %get3A_26] : memref<128x128xf32, #tpu.memory_space<vmem>>, vector<128x128xf32>
    %dot_general3A_28 = arith.constant dense<0.000000e+00> : vector<2000x128xf32>
    %dot_general3A_29 = tpu.matmul %mul3A_17, %get3A_27, %dot_general3A_28 {dimension_numbers = #tpu.dot_dimension_numbers<[1], [0], [0], [1], [0, 0, 1, 1], [], []>, transpose_lhs_hint = false} : vector<2000x128xf32>, vector<128x128xf32>, vector<2000x128xf32> -> vector<2000x128xf32>
    %mul3A_30 = arith.constant 0.0816601887 : f32
    %mul3A_31 = vector.broadcast %mul3A_30 : f32 to vector<2000x128xf32>
    %mul3A_32 = arith.mulf %dot_general3A_29, %mul3A_31 : vector<2000x128xf32>
    %add3A_33 = arith.addf %mul3A_24, %mul3A_32 : vector<2000x128xf32>
    %swap3A = arith.constant 0 : index
    %swap3A_34 = arith.constant 0 : index
    %swap3A_35 = vector.load %arg6[%swap3A, %swap3A_34] : memref<2000x128xf32, #tpu.memory_space<vmem>>, vector<2000x128xf32>
    tpu.vector_store %arg6[%swap3A, %swap3A_34], %add3A_33 {strides = array<i32>} : memref<2000x128xf32, #tpu.memory_space<vmem>>, vector<2000x128xf32>,
    return
  }
  func.func @transform_0(%arg0: i32) -> (i32, i32) {
    %c0_i32 = arith.constant 0 : i32
    %c0_i32_0 = arith.constant 0 : i32
    return %arg0, %c0_i32 : i32, i32
  }
  func.func @transform_1(%arg0: i32) -> (i32, i32) {
    %c0_i32 = arith.constant 0 : i32
    %c0_i32_0 = arith.constant 0 : i32
    return %arg0, %c0_i32 : i32, i32
  }
  func.func @transform_2(%arg0: i32) -> (i32, i32, i32) {
    %c0_i32 = arith.constant 0 : i32
    %c0_i32_0 = arith.constant 0 : i32
    %c0_i32_1 = arith.constant 0 : i32
    return %c0_i32, %arg0, %c0_i32_0 : i32, i32, i32
  }
  func.func @transform_3(%arg0: i32) -> (i32, i32) {
    %c0_i32 = arith.constant 0 : i32
    %c0_i32_0 = arith.constant 0 : i32
    %c0_i32_1 = arith.constant 0 : i32
    return %c0_i32, %c0_i32_0 : i32, i32
  }
  func.func @transform_4(%arg0: i32) -> (i32, i32) {
    %c0_i32 = arith.constant 0 : i32
    %c0_i32_0 = arith.constant 0 : i32
    %c0_i32_1 = arith.constant 0 : i32
    return %c0_i32, %c0_i32_0 : i32, i32
  }
  func.func @transform_5(%arg0: i32) -> (i32, i32) {
    %c0_i32 = arith.constant 0 : i32
    %c0_i32_0 = arith.constant 0 : i32
    return %arg0, %c0_i32 : i32, i32
  }
}

</mosaic_0001>

<sc_bundles>
// kernel: kernel.5.cloned.1.call-start
scs
__scs_entry_jumppad:
0x0: {  	(pc) =	sbr.rel $0x88, $3  }
0x1: {  	(tag) =	ssettag $0x0;
	lr =	simm.s32 $0x1  }
0x2: {  	[smem:$0x3F96] =	sst lr;
	_ =	strace $0xD0000000  }
0x3: {  	_ = 	snop  }
0x4: {  	_ = 	snop  }
0x5: {  	_ = 	snop  }
0x6: {  	_ = 	snop  }
0x7: {  	_ = 	snop  }
__scs_overlays_trampoline_lowered:
0x8: {  	[smem:$0x3FA5] =	sst s0  }
0x9: {  	[smem:$0x3FA6] =	sst s1  }
0xa: {  	[smem:$0x3FA7] =	sst s2  }
0xb: {  	[smem:$0x3FA8] =	sst s3  }
0xc: {  	[smem:$0x3FA9] =	sst s4  }
0xd: {  	[smem:$0x3FAA] =	sst s5  }
0xe: {  	[smem:$0x3FAB] =	sst s6  }
0xf: {  	[smem:$0x3FAC] =	sst s7  }
0x10: {  	[smem:$0x3FAD] =	sst s8  }
0x11: {  	[smem:$0x3FAE] =	sst s9;
	s0 =	simm.s32 @!p0 $0x0  }
0x12: {  	s1 =	sld [smem:$0x3F94];
	s0 =	simm.s32 @p0 $0x1  }
0x13: {  	[smem:$0x3FAF] =	sst s0;
	s0 =	simm.s32 @!p1 $0x0  }
0x14: {  	s2 =	sld [smem:$0x3F93];
	s0 =	simm.s32 @p1 $0x1  }
0x15: {  	[smem:$0x3FB0] =	sst s0;
	s0 =	simm.s32 @!p2 $0x0  }
0x16: {  	s3 =	sld [smem:$0x3FDB];
	s0 =	simm.s32 @p2 $0x1  }
0x17: {  	s4 =	simm.s32 $0x1BF5;
	[smem:$0x3FB2] =	sst s0  }
0x18: {  	s0 =	sld [smem:$0x3F95];
	_ =	swait.ge [sflag:s4], $0x0  }
0x19: {  	s7 =	sld [smem:$0x3F96]  }
0x1a: {  	s8 =	sadd.s32 $0xFFFFE003, lr  }
0x1b: {  	s9 =	sadd.s32 $0xFFFFFEF7, lr;
	s5 =	simm.s32 $0xFFFFFFFF;
	p2 =	slt.u32 s8, $0xFFFFF086  }
0x1c: {  	p1 =	slt.u32 s9, $0xF7A;
	s5 =	simm.s32 @!p2 $0x0  }
0x1d: {  	s5 =	simm.s32 @p1 $0x1;
	p0 =	seq.s32 s7, s2  }
0x1e: {  	s7 =	smul.u32 @!p0 $0xF7A, s2;
	p2 =	seq.s32 @!p0 s5, $0x0  }
0x1f: {  	s9 =	smul.u32 $0xF7A, s1;
	s8 =	simm.s32 @!p0 $0x1BF5;
	p2 =	por !p2, p0  }
0x20: {  	[sflag:s8] =	ssyncset.s32 @!p0 $0xFFFFF086;
	s6 =	sadd.s32 @!p0 s3, s7;
	s7 =	simm.s32 @!p0 $0x108  }
0x21: {  	s3 =	sadd.s32 s3, s9;
	s6 =	sadd.s32 @!p0 $0x88, s6;
	s7 =	simm.s32 @p2 $0x1082  }
0x22: {  	[simem:s7], [sflag:s8] =	dma.local @!p0 [hbm:s6], $0xF7A  }
0x23: {  	s9 =	sor.u32 $0xD0000000, s2;
	s6 =	simm.s32 $0x108;
	_ =	swait.ge @!p0 [sflag:s8], $0x0  }
0x24: {  	s3 =	sadd.s32 $0x88, s3;
	s6 =	simm.s32 @!p1 $0x1082;
	[sflag:s4] =	ssyncset.s32 $0xFFFFF086  }
0x25: {  	[simem:s6], [sflag:s4] =	dma.local [hbm:s3], $0xF7A  }
0x26: {  	[smem:$0x3F96] =	sst s1;
	(tag) =	ssettag s2;
	_ =	strace s9  }
0x27: {  	s1 =	sld [smem:$0x3FA6]  }
0x28: {  	s2 =	sld [smem:$0x3FA7]  }
0x29: {  	s4 =	sld [smem:$0x3FA9]  }
0x2a: {  	p0 =	seq.s32 s5, $0x0;
	s5 =	sld [smem:$0x3FAA]  }
0x2b: {  	s6 =	sld [smem:$0x3FAB]  }
0x2c: {  	s7 =	sld [smem:$0x3FAC]  }
0x2d: {  	s3 =	simm.s32 $0x108;
	s8 =	sld [smem:$0x3FAD]  }
0x2e: {  	s3 =	simm.s32 @!p0 $0x1082;
	s9 =	sld [smem:$0x3FAE]  }
0x2f: {  	lr =	sadd.s32 s0, s3;
	s0 =	sld [smem:$0x3FA5]  }
0x30: {  	s3 =	sld [smem:$0x3FA8]  }
0x31: {  	[smem:$0x3FB1] =	sst s10  }
0x32: {  	s10 =	sld [smem:$0x3FAF];
	_ =	sdelay $0x3  }
0x33: {  	p0 =	seq.s32 s10, $0x1;
	s10 =	sld [smem:$0x3FB1];
	_ =	sdelay $0x3  }
0x34: {  	[smem:$0x3FB1] =	sst s10  }
0x35: {  	s10 =	sld [smem:$0x3FB0];
	_ =	sdelay $0x3  }
0x36: {  	p1 =	seq.s32 s10, $0x1;
	s10 =	sld [smem:$0x3FB1];
	_ =	sdelay $0x3  }
0x37: {  	[smem:$0x3FB1] =	sst s10  }
0x38: {  	s10 =	sld [smem:$0x3FB2]  }
0x39: {  	_ = 	snop;
	(pc) =	sbr.ind lr, $3  }
0x3a: {  	_ = 	snop  }
0x3b: {  	_ = 	snop  }
0x3c: {  	p2 =	seq.s32 s10, $0x1;
	s10 =	sld [smem:$0x3FB1]  }
0x3d: {  	_ =	shalt  }
0x3e: {  	_ =	shalt  }
0x3f: {  	_ =	shalt  }
0x40: {  	_ =	shalt  }
0x41: {  	_ =	shalt  }
0x42: {  	_ =	shalt  }
0x43: {  	_ =	shalt  }
0x44: {  	_ =	shalt  }
0x45: {  	_ =	shalt  }
0x46: {  	_ =	shalt  }
0x47: {  	_ =	shalt  }
0x48: {  	_ =	shalt  }
0x49: {  	_ =	shalt  }
0x4a: {  	_ =	shalt  }
0x4b: {  	_ =	shalt  }
0x4c: {  	_ =	shalt  }
0x4d: {  	_ =	shalt  }
0x4e: {  	_ =	shalt  }
0x4f: {  	_ =	shalt  }
0x50: {  	_ =	shalt  }
0x51: {  	_ =	shalt  }
0x52: {  	_ =	shalt  }
0x53: {  	_ =	shalt  }
0x54: {  	_ =	shalt  }
0x55: {  	_ =	shalt  }
0x56: {  	_ =	shalt  }
0x57: {  	_ =	shalt  }
0x58: {  	_ =	shalt  }
0x59: {  	_ =	shalt  }
0x5a: {  	_ =	shalt  }
0x5b: {  	_ =	shalt  }
0x5c: {  	_ =	shalt  }
0x5d: {  	_ =	shalt  }
0x5e: {  	_ =	shalt  }
0x5f: {  	_ =	shalt  }
0x60: {  	_ =	shalt  }
0x61: {  	_ =	shalt  }
0x62: {  	_ =	shalt  }
0x63: {  	_ =	shalt  }
0x64: {  	_ =	shalt  }
0x65: {  	_ =	shalt  }
0x66: {  	_ =	shalt  }
0x67: {  	_ =	shalt  }
0x68: {  	_ =	shalt  }
0x69: {  	_ =	shalt  }
0x6a: {  	_ =	shalt  }
0x6b: {  	_ =	shalt  }
0x6c: {  	_ =	shalt  }
0x6d: {  	_ =	shalt  }
0x6e: {  	_ =	shalt  }
0x6f: {  	_ =	shalt  }
0x70: {  	_ =	shalt  }
0x71: {  	_ =	shalt  }
0x72: {  	_ =	shalt  }
0x73: {  	_ =	shalt  }
0x74: {  	_ =	shalt  }
0x75: {  	_ =	shalt  }
0x76: {  	_ =	shalt  }
0x77: {  	_ =	shalt  }
0x78: {  	_ =	shalt  }
0x79: {  	_ =	shalt  }
0x7a: {  	_ =	shalt  }
0x7b: {  	_ =	shalt  }
0x7c: {  	_ =	shalt  }
0x7d: {  	_ =	shalt  }
0x7e: {  	_ =	shalt  }
0x7f: {  	_ =	shalt  }
0x80: {  	_ =	shalt  }
0x81: {  	_ =	shalt  }
0x82: {  	_ =	shalt  }
0x83: {  	_ =	shalt  }
0x84: {  	_ =	shalt  }
0x85: {  	_ =	shalt  }
0x86: {  	_ =	shalt  }
0x87: {  	_ =	shalt  }
.Lfunc_end0:
.L_simem_size_0:
called_computation_lowered:
.L_overlay_start_0:
0x88: {  	s2 =	sld [smem:$0x3FD9]  }
0x89: {  	s3 =	sld [smem:$0x3FFE];
	_ =	sdelay $0x1  }
0x8a: {  	s1 =	srdreg.scid  }
0x8b: {  	s0 =	sand.u32 $0x1, s1  }
0x8c: {  	s17 =	sshll.u32 s0, $0xA;
	s2 =	sadd.s32 s3, s2  }
0x8d: {  	s2 =	sadd.s32 s2, s17  }
0x8e: {  	[smem:$0x3FBD] =	sst s2  }
0x8f: {  	_ = 	snop  }
0x90: {  	s2 =	sld [smem:$0x3FD0];
	(tm) =	ssettm $0x1  }
0x91: {  	s18 =	sld [smem:$0x3FFB];
	_ =	sdelay $0x3  }
0x92: {  	_ =	strace s18  }
0x93: {  	s3 =	sld [smem:$0x3FFC];
	_ =	sdelay $0x3  }
0x94: {  	_ =	strace s3  }
0x95: {  	s3 =	sld [smem:$0x3FFD];
	_ =	sdelay $0x3  }
0x96: {  	_ =	strace s3  }
0x97: {  	_ =	strace $0x8FFFFFFF  }
0x98: {  	s19 =	sld [smem:$0x3FDB];
	_ =	sdelay $0x1  }
0x99: {  	s4 =	simm.s32 $_scs_section_size  }
0x9a: {  	s5 =	simm.s32 $_size__tile_overlayer_lowered;
	s6 =	simm.s32 $_tile_overlayer_lowered  }
0x9b: {  	s22 =	simm.s32 $0x1BFF;
	s21 =	sshll.u32 s6, $0x1;
	s3 =	sadd.s32 s4, s19  }
0x9c: {  	s7 =	simm.s32 $0x0;
	s20 =	sshll.u32 s5, $0x1;
	s5 =	sadd.s32 s21, s3  }
0x9d: {  	[timem:s7], [sflag:s22] =	dma.local [hbm:s5], s20  }
0x9e: {  	_ =	swait.ge [sflag:s22], s20  }
0x9f: {  	s4 =	ssub.s32 $0x0, s20;
	[sflag:s22] =	ssyncset.done $0x0  }
0xa0: {  	[sflag:s22] =	ssyncadd.s32 s4;
	_ =	sdelay $0x1  }
0xa1: {  	s23 =	simm.s32 $0x1B8B  }
0xa2: {  	_ =	swait.ge [sflag:s23], $0x1  }
0xa3: {  	[sflag:s23] =	ssyncset.done $0x0  }
0xa4: {  	s25 =	simm.s32 $0x1B8E;
	s24 =	sld [smem:$0x3FFE];
	[sflag:s23] =	ssyncadd.s32 $0xFFFFFFFF  }
0xa5: {  	s26 =	simm.s32 $execute0_lowered;
	[smem:$0x3FD2] =	sst s25  }
0xa6: {  	s5 =	sshll.u32 s26, $0x1;
	_ =	strace $0x80000046;
	[dreg:$0x1] =	wrdreg $0xFFFFFFFF  }
0xa7: {  	s28 =	simm.s32 $_size_execute0_lowered;
	s3 =	sadd.s32 s3, s5;
	[dreg:$0x0] =	wrdreg $0x0  }
0xa8: {  	s5 =	sshll.u32 s28, $0x1;
	[dreg:$0x2] =	wrdreg s3  }
0xa9: {  	[dreg:$0x3] =	wrdreg s5  }
0xaa: {  	[dreg:$0x4] =	wrdreg $0xC0  }
0xab: {  	_ =	task [dreg:s7], $0x5FFFF  }
0xac: {  	[dreg:$0x1] =	wrdreg $0xFFFFFFFF  }
0xad: {  	[dreg:$0x0] =	wrdreg $0x60  }
0xae: {  	[dreg:$0x2] =	wrdreg s2  }
0xaf: {  	[dreg:$0x3] =	wrdreg s24  }
0xb0: {  	[dreg:$0x4] =	wrdreg $0x0  }
0xb1: {  	[dreg:$0x5] =	wrdreg $0x9  }
0xb2: {  	_ =	task.clear_ibuf [dreg:s7], $0x6FFFF;
	_ =	strace $0x90000046  }
0xb3: {  	s29 =	simm.s32 $0x9;
	_ =	strace $0x80000048  }
0xb4: {  	_ =	swait.ge [sflag:s29], $0x1  }
0xb5: {  	[sflag:s29] =	ssyncadd.s32 $0xFFFFFFFF  }
0xb6: {  	_ =	strace $0x90000048  }
0xb7: {  	_ =	sfence  }
0xb8: {  	s30 =	sld [smem:$0x0];
	_ =	sdelay $0x2  }
0xb9: {  	s31 =	sshll.u32 s1, $0xD;
	s1 =	sshrl.u32 s1, $0x2  }
0xba: {  	s3 =	sand.u32 $0x4000, s31;
	s1 =	sadd.s32 s1, s30  }
0xbb: {  	s0 =	sor.u32 s3, s0;
	s1 =	sshll.u32 s1, $0x11  }
0xbc: {  	s0 =	sor.u32 s1, s0  }
0xbd: {  	s0 =	sadd.s32 $0x8F2B, s0  }
0xbe: {  	[sflag:s0] =	ssyncadd.remote.s32 $0x1  }
0xbf: {  	_ =	sfence.sel $0xFFFF  }
0xc0: {  	[dreg:$0x0] =	wrdreg $0xFFFFFFFF;
	(pc) =	sbr.abs _section_cstart, $3  }
0xc1: {  	[dreg:$0x1] =	wrdreg $0xFFFFFFFF  }
0xc2: {  	_ =	task.clear_ibuf [dreg:s7], $0x2FFFF;
	_ =	strace $0x9FFFFFFF  }
0xc3: {  	(tm) =	ssettm $0x7FFFFFFF  }
tec
execute0_lowered:
.L_overlay_start_1:
0x0: {  	(tag) =	ssettag $0x1  }
0x1: {  	s0 =	rddreg [dreg:$0x0];
	s13 =	stileid.u32  }
0x2: {  	s1 =	rddreg [dreg:$0x1];
	s6 =	smul.u32 $0x13C00, s13  }
0x3: {  	s2 =	srdreg.scid;
	s10 =	smul.u32 $0x2800, s13  }
0x4: {  	s3 =	rddreg [dreg:$0x2];
	s4 =	simm.s32 $0x0;
	s12 =	smul.u32 $0xA0000, s13  }
0x5: {  	s2 =	sand.u32 $0x1, s2;
	[smem:$0x7FF] =	sst s4;
	s31 =	smul.u32 $0x4F000, s13  }
0x6: {  	s7 =	sadd.s32 $0x16000, s1;
	s13 =	simm.s32 $0x16000;
	s8 =	smul.u32 $0x28000, s2  }
0x7: {  	s5 =	smul.u32 $0x13C000, s2;
	_ =	strace $0x80000047;
	s25 =	ssub.s32 $0x2, s2  }
0x8: {  	s2 =	smul.u32 $0xA00000, s2;
	s26 =	sshrl.u32 s25, $0x1;
	s8 =	sadd.s32 s10, s8  }
0x9: {  	s6 =	sadd.s32 s6, s5;
	s5 =	sadd.s32 $0x2000, s1;
	s11 =	sshrl.u32 s8, $0x3  }
0xa: {  	s9 =	sshrl.u32 s6, $0x3;
	s6 =	sadd.s32 $0xC000, s1;
	s28 =	sadd.s32 s5, s11  }
0xb: {  	s14 =	sadd.s32 s6, s11;
	s15 =	sor.u32 $0x20, s11;
	[dreg:$0x4] =	wrdreg s28  }
0xc: {  	s10 =	sshrl.u32 s31, $0x2;
	[dreg:$0x5] =	wrdreg s14;
	s16 =	sadd.s32 s5, s15  }
0xd: {  	s1 =	sadd.s32 s9, s1;
	s18 =	sadd.s32 s6, s15;
	[dreg:$0x6] =	wrdreg s16  }
0xe: {  	s9 =	ssub.s32 s25, s26;
	s1 =	sadd.s32 $0x296000, s1;
	[dreg:$0x7] =	wrdreg s18  }
0xf: {  	s11 =	sadd.s32 s12, s2;
	s26 =	smax.u32 s9, $0x1;
	[dreg:$0x12] =	wrdreg s1  }
0x10: {  	s17 =	sshrl.u32 s11, $0x3;
	s14 =	sadd.s32 s10, s3;
	[dreg:$0x13] =	wrdreg s26  }
0x11: {  	s12 =	simm.s32 $0x14000;
	s2 =	sadd.s32 s7, s17;
	[dreg:$0x9] =	wrdreg s14  }
0x12: {  	s29 =	sor.u32 $0x6000, s11;
	s19 =	sadd.s32 $0x2000, s14;
	[dreg:$0x8] =	wrdreg s2  }
0x13: {  	s30 =	sor.u32 $0xA000, s11;
	s20 =	sadd.s32 $0x4000, s14;
	[dreg:$0xb] =	wrdreg s19  }
0x14: {  	s10 =	simm.s32 $0x13F00;
	s21 =	sadd.s32 $0x6000, s14;
	[dreg:$0xc] =	wrdreg s20  }
0x15: {  	s9 =	simm.s32 $0x0;
	s22 =	sadd.s32 $0x8000, s14;
	[dreg:$0xd] =	wrdreg s21  }
0x16: {  	s23 =	sadd.s32 $0xA000, s14;
	s24 =	sadd.s32 $0xC000, s14;
	[dreg:$0xe] =	wrdreg s22  }
0x17: {  	s25 =	sadd.s32 $0xE000, s14;
	s28 =	sadd.s32 $0x10000, s14;
	[dreg:$0xf] =	wrdreg s23  }
0x18: {  	s31 =	sadd.s32 $0x12000, s14;
	s16 =	simm.s32 $0x40;
	[dreg:$0x10] =	wrdreg s24  }
0x19: {  	s17 =	simm.s32 $0x18000;
	s18 =	simm.s32 $0x1A000;
	[dreg:$0x11] =	wrdreg s25  }
0x1a: {  	s26 =	simm.s32 $0x13F80;
	s2 =	sadd.s32 $0x400, s2;
	[dreg:$0x14] =	wrdreg s28  }
0x1b: {  	[dreg:$0x15] =	wrdreg s31;
	s19 =	simm.s32 $0x1E000;
	s20 =	simm.s32 $0x6  }
0x1c: {  	s21 =	simm.s32 $0x3;
	s22 =	simm.s32 $0x4;
	s24 =	simm.s32 $0x13E80  }
0x1d: {  	v0 =	vimm.f32 $0.0e+00;
	s25 =	simm.s32 $0x1C000;
	[dreg:$0xa] =	wrdreg s2;
	s2 =	simm.s32 $0x13E00  }
.LBB2_1:
0x1e: {  	[dreg:$0x16] =	wrdreg s9  }
0x1f: {  	s1 =	rddreg [dreg:$0x4];
	s9 =	simm.s32 $0x13C00;
	s15 =	simm.s32 $0x1  }
0x20: {  	[tilespmem:s9], [sflag:$0x1] =	stream.linear.gather [hbm4b:s1+s4], $0x100, $0x38;
	v63 =	vld [tilespmem:$0x0]  }
0x21: {  	_ =	swait.ge [sflag:s15], $0x100  }
0x22: {  	[sflag:s15] =	ssyncset.done $0x0  }
0x23: {  	s23 =	simm.s32 $0x2;
	s28 =	rddreg [dreg:$0x5];
	[sflag:s15] =	ssyncadd.s32 $0xFFFFFF00  }
0x24: {  	[tilespmem:s2], [sflag:$0x2] =	stream.linear.gather [hbm4b:s28+s4], $0x100, $0x38;
	v63 =	vld [tilespmem:$0x0]  }
0x25: {  	_ =	swait.ge [sflag:s23], $0x100  }
0x26: {  	[sflag:s23] =	ssyncset.done $0x0  }
0x27: {  	s28 =	simm.s32 $0x13D00;
	s31 =	rddreg [dreg:$0x6];
	[sflag:s23] =	ssyncadd.s32 $0xFFFFFF00  }
0x28: {  	[tilespmem:s28], [sflag:$0x1] =	stream.linear.gather [hbm4b:s31+s4], $0x100, $0x38;
	v63 =	vld [tilespmem:$0x0]  }
0x29: {  	_ =	swait.ge [sflag:s15], $0x100  }
0x2a: {  	[sflag:s15] =	ssyncset.done $0x0  }
0x2b: {  	[sflag:s15] =	ssyncadd.s32 $0xFFFFFF00;
	s15 =	rddreg [dreg:$0x7]  }
0x2c: {  	[tilespmem:s10], [sflag:$0x2] =	stream.linear.gather [hbm4b:s15+s4], $0x100, $0x38;
	v63 =	vld [tilespmem:$0x0]  }
0x2d: {  	_ =	swait.ge [sflag:s23], $0x100  }
0x2e: {  	[sflag:s23] =	ssyncset.done $0x0  }
0x2f: {  	[sflag:s23] =	ssyncadd.s32 $0xFFFFFF00;
	s23 =	rddreg [dreg:$0x8]  }
0x30: {  	[tilespmem:s12], [sflag:$0x3] =	stream.linear.gather [hbm4b:s23+s4], $0x2000, $0x38;
	v63 =	vld [tilespmem:$0x0]  }
0x31: {  	s28 =	rddreg [dreg:$0xa]  }
0x32: {  	[tilespmem:s13], [sflag:$0x3] =	stream.linear.gather [hbm4b:s28+s4], $0x2000, $0x38;
	v63 =	vld [tilespmem:$0x0]  }
0x33: {  	_ = 	snop  }
0x34: {  	[tilespmem:s17], [sflag:$0x4] =	stream.indirect.gather [hbm4b:s0+s16], $0x80, s9, s16, $0xb8;
	v63 =	vld [tilespmem:$0x0]  }
0x35: {  	s1 =	simm.s32 $0x0;
	s31 =	simm.s32 $0x13C80;
	s9 =	simm.s32 $0x200  }
0x36: {  	[tilespmem:s18], [sflag:$0x4] =	stream.indirect.gather [hbm4b:s0+s16], $0x80, s31, s16, $0xb8;
	v63 =	vld [tilespmem:$0x0]  }
.LBB2_2:
0x37: {  	p0 =	sne.s32 s9, $0x7E00;
	[tilespmem:s1+$0x1E070] =	vst v0  }
0x38: {  	[tilespmem:s1+$0x1E000] =	vst v0  }
0x39: {  	[tilespmem:s1+$0x1E010] =	vst v0  }
.Ltmp0:
0x3a: {  	[tilespmem:s1+$0x1E020] =	vst v0;
	(pc) =	sbr.rel @p0 .LBB2_2-.Ltmp0, $4  }
0x3b: {  	[tilespmem:s1+$0x1E030] =	vst v0  }
0x3c: {  	[tilespmem:s1+$0x1E040] =	vst v0  }
0x3d: {  	[tilespmem:s1+$0x1E050] =	vst v0  }
0x3e: {  	[tilespmem:s1+$0x1E060] =	vst v0;
	s1 =	sshra.s32 s9, $0x2;
	s9 =	sadd.s32 $0x200, s9  }
0x3f: {  	[tilespmem:s1+$0x1E070] =	vst v0  }
0x40: {  	[tilespmem:s1+$0x1E000] =	vst v0  }
0x41: {  	[tilespmem:s1+$0x1E010] =	vst v0  }
0x42: {  	[tilespmem:s1+$0x1E020] =	vst v0  }
0x43: {  	[tilespmem:s1+$0x1E030] =	vst v0  }
0x44: {  	[tilespmem:s1+$0x1E040] =	vst v0  }
0x45: {  	[tilespmem:s1+$0x1E050] =	vst v0  }
0x46: {  	[tilespmem:s1+$0x1E060] =	vst v0  }
0x47: {  	[spmem:s14] =	stream.linear.scatter [tilespmem:s19], [sflag:$0x6], $0x2000, $0x38;
	v63 =	vld [tilespmem:$0x0]  }
0x48: {  	_ =	swait.ge [sflag:s20], $0x2000  }
0x49: {  	[sflag:s20] =	ssyncset.done $0x0  }
0x4a: {  	s23 =	rddreg [dreg:$0xb];
	[sflag:s20] =	ssyncadd.s32 $0xFFFFE000  }
0x4b: {  	[spmem:s23] =	stream.linear.scatter [tilespmem:s19], [sflag:$0x6], $0x2000, $0x38;
	v63 =	vld [tilespmem:$0x0]  }
0x4c: {  	_ =	swait.ge [sflag:s20], $0x2000  }
0x4d: {  	[sflag:s20] =	ssyncset.done $0x0  }
0x4e: {  	s28 =	rddreg [dreg:$0xc];
	[sflag:s20] =	ssyncadd.s32 $0xFFFFE000  }
0x4f: {  	[spmem:s28] =	stream.linear.scatter [tilespmem:s19], [sflag:$0x6], $0x2000, $0x38;
	v63 =	vld [tilespmem:$0x0]  }
0x50: {  	_ =	swait.ge [sflag:s20], $0x2000  }
0x51: {  	[sflag:s20] =	ssyncset.done $0x0  }
0x52: {  	s31 =	rddreg [dreg:$0xd];
	[sflag:s20] =	ssyncadd.s32 $0xFFFFE000  }
0x53: {  	[spmem:s31] =	stream.linear.scatter [tilespmem:s19], [sflag:$0x6], $0x2000, $0x38;
	v63 =	vld [tilespmem:$0x0]  }
0x54: {  	_ =	swait.ge [sflag:s20], $0x2000  }
0x55: {  	[sflag:s20] =	ssyncset.done $0x0  }
0x56: {  	s9 =	rddreg [dreg:$0xe];
	[sflag:s20] =	ssyncadd.s32 $0xFFFFE000  }
0x57: {  	[spmem:s9] =	stream.linear.scatter [tilespmem:s19], [sflag:$0x6], $0x2000, $0x38;
	v63 =	vld [tilespmem:$0x0]  }
0x58: {  	_ =	swait.ge [sflag:s20], $0x2000  }
0x59: {  	[sflag:s20] =	ssyncset.done $0x0  }
0x5a: {  	s14 =	rddreg [dreg:$0xf];
	[sflag:s20] =	ssyncadd.s32 $0xFFFFE000  }
0x5b: {  	[spmem:s14] =	stream.linear.scatter [tilespmem:s19], [sflag:$0x6], $0x2000, $0x38;
	v63 =	vld [tilespmem:$0x0]  }
0x5c: {  	_ =	swait.ge [sflag:s20], $0x2000  }
0x5d: {  	[sflag:s20] =	ssyncset.done $0x0  }
0x5e: {  	s15 =	rddreg [dreg:$0x10];
	[sflag:s20] =	ssyncadd.s32 $0xFFFFE000  }
0x5f: {  	[spmem:s15] =	stream.linear.scatter [tilespmem:s19], [sflag:$0x6], $0x2000, $0x38;
	v63 =	vld [tilespmem:$0x0]  }
0x60: {  	_ =	swait.ge [sflag:s20], $0x2000  }
0x61: {  	[sflag:s20] =	ssyncset.done $0x0  }
0x62: {  	s23 =	rddreg [dreg:$0x11];
	[sflag:s20] =	ssyncadd.s32 $0xFFFFE000  }
0x63: {  	[spmem:s23] =	stream.linear.scatter [tilespmem:s19], [sflag:$0x6], $0x2000, $0x38;
	v63 =	vld [tilespmem:$0x0]  }
0x64: {  	_ =	swait.ge [sflag:s20], $0x2000  }
0x65: {  	[sflag:s20] =	ssyncset.done $0x0  }
0x66: {  	s28 =	rddreg [dreg:$0x14];
	[sflag:s20] =	ssyncadd.s32 $0xFFFFE000  }
0x67: {  	[spmem:s28] =	stream.linear.scatter [tilespmem:s19], [sflag:$0x6], $0x2000, $0x38;
	v63 =	vld [tilespmem:$0x0]  }
0x68: {  	_ =	swait.ge [sflag:s20], $0x2000  }
0x69: {  	[sflag:s20] =	ssyncset.done $0x0  }
0x6a: {  	s31 =	rddreg [dreg:$0x15];
	[sflag:s20] =	ssyncadd.s32 $0xFFFFE000  }
0x6b: {  	[spmem:s31] =	stream.linear.scatter [tilespmem:s19], [sflag:$0x6], $0x1C00, $0x38;
	v63 =	vld [tilespmem:$0x0]  }
0x6c: {  	_ =	swait.ge [sflag:s20], $0x1C00  }
0x6d: {  	[sflag:s20] =	ssyncset.done $0x0  }
0x6e: {  	[sflag:s20] =	ssyncadd.s32 $0xFFFFE400  }
0x6f: {  	s15 =	simm.s32 $0x0;
	[bflag:$0x0] =	sbarrier.arrive $0xFFFF  }
.LBB2_4:
0x70: {  	_ =	swait.ge [sflag:s21], $0x2000  }
0x71: {  	[sflag:s21] =	ssyncset.done $0x0  }
0x72: {  	[sflag:s21] =	ssyncadd.s32 $0xFFFFE000  }
0x73: {  	_ =	swait.ge [sflag:s22], $0x2000  }
0x74: {  	[sflag:s22] =	ssyncset.done $0x0  }
0x75: {  	s1 =	simm.s32 $0x0;
	[sflag:s22] =	ssyncadd.s32 $0xFFFFE000  }
0x76: {  	v1 =	vld [tilespmem:s1+$0x14030]  }
0x77: {  	v2 =	vld [tilespmem:s1+$0x18070]  }
0x78: {  	v4 =	vld [tilespmem:s1+$0x14000]  }
0x79: {  	v5 =	vld [tilespmem:s1+$0x14010]  }
0x7a: {  	v8 =	vld [tilespmem:s1+$0x14020]  }
0x7b: {  	v7 =	vld [tilespmem:s1+$0x18000]  }
0x7c: {  	v12 =	vld [tilespmem:s1+$0x18040];
	v3 =	vand.u32 $0xFFFF0000, v1  }
0x7d: {  	v6 =	vld [tilespmem:s1+$0x18010];
	v2 =	vmul.f32 v3, v2  }
0x7e: {  	v3 =	vld [tilespmem:s1+$0x18050]  }
0x7f: {  	v1 =	vshll.u32 v1, $0x10;
	v13 =	vand.u32 $0xFFFF0000, v4;
	[tilespmem:s1+$0x18070] =	vst v2;
	v2 =	vshll.u32 v4, $0x10;
	v4 =	vld [tilespmem:s1+$0x18020]  }
0x80: {  	v10 =	vshll.u32 v5, $0x10;
	v9 =	vand.u32 $0xFFFF0000, v5;
	v5 =	vld [tilespmem:s1+$0x18060];
	v11 =	vmul.f32 v2, v7  }
0x81: {  	s9 =	simm.s32 $0x80;
	s14 =	simm.s32 $0x400;
	v12 =	vmul.f32 v13, v12;
	v7 =	vshll.u32 v8, $0x10;
	v2 =	vand.u32 $0xFFFF0000, v8;
	v8 =	vld [tilespmem:s1+$0x18030]  }
.LBB2_5:
0x82: {  	p0 =	sne.s32 s14, $0x7E00;
	v13 =	vld [tilespmem:s9+$0x14030];
	[tilespmem:s1+$0x18000] =	vst v11;
	v6 =	vmul.f32 v10, v6  }
0x83: {  	v10 =	vld [tilespmem:s9+$0x18070];
	[tilespmem:s1+$0x18040] =	vst v12;
	v3 =	vmul.f32 v9, v3  }
0x84: {  	v9 =	vld [tilespmem:s9+$0x14000];
	[tilespmem:s1+$0x18010] =	vst v6;
	v4 =	vmul.f32 v7, v4  }
0x85: {  	v7 =	vld [tilespmem:s9+$0x14010];
	[tilespmem:s1+$0x18050] =	vst v3;
	v2 =	vmul.f32 v2, v5  }
0x86: {  	v5 =	vld [tilespmem:s9+$0x14020];
	[tilespmem:s1+$0x18020] =	vst v4;
	v3 =	vmul.f32 v1, v8  }
0x87: {  	v8 =	vld [tilespmem:s9+$0x18000];
	v1 =	vshll.u32 v13, $0x10;
	v4 =	vand.u32 $0xFFFF0000, v13;
	[tilespmem:s1+$0x18060] =	vst v2  }
0x88: {  	v12 =	vld [tilespmem:s9+$0x18040];
	v2 =	vmul.f32 v4, v10;
	[tilespmem:s1+$0x18030] =	vst v3;
	s1 =	smov.u32 s9  }
.Ltmp1:
0x89: {  	v11 =	vshll.u32 v9, $0x10;
	v13 =	vand.u32 $0xFFFF0000, v9;
	v6 =	vld [tilespmem:s1+$0x18010];
	(pc) =	sbr.rel @p0 .LBB2_5-.Ltmp1, $4  }
0x8a: {  	v10 =	vshll.u32 v7, $0x10;
	v9 =	vand.u32 $0xFFFF0000, v7;
	v3 =	vld [tilespmem:s1+$0x18050];
	[tilespmem:s1+$0x18070] =	vst v2  }
0x8b: {  	v7 =	vshll.u32 v5, $0x10;
	v2 =	vand.u32 $0xFFFF0000, v5;
	v4 =	vld [tilespmem:s1+$0x18020]  }
0x8c: {  	v11 =	vmul.f32 v11, v8;
	v5 =	vld [tilespmem:s1+$0x18060]  }
0x8d: {  	s9 =	sshra.s32 s14, $0x2;
	s14 =	sadd.s32 $0x200, s14;
	v12 =	vmul.f32 v13, v12;
	v8 =	vld [tilespmem:s1+$0x18030]  }
0x8e: {  	v13 =	vld [tilespmem:s9+$0x14030]  }
0x8f: {  	v14 =	vld [tilespmem:s9+$0x18070]  }
0x90: {  	v15 =	vld [tilespmem:s9+$0x14000]  }
0x91: {  	v16 =	vld [tilespmem:s9+$0x14010]  }
0x92: {  	v17 =	vld [tilespmem:s9+$0x14020];
	[tilespmem:s1+$0x18000] =	vst v11;
	v6 =	vmul.f32 v10, v6  }
0x93: {  	v10 =	vld [tilespmem:s9+$0x18000];
	[tilespmem:s1+$0x18040] =	vst v12;
	v3 =	vmul.f32 v9, v3  }
0x94: {  	v11 =	vld [tilespmem:s9+$0x18040];
	[tilespmem:s1+$0x18010] =	vst v6;
	v4 =	vmul.f32 v7, v4;
	v9 =	vand.u32 $0xFFFF0000, v13  }
0x95: {  	[tilespmem:s1+$0x18050] =	vst v3;
	v2 =	vmul.f32 v2, v5;
	v6 =	vmul.f32 v9, v14;
	v9 =	vld [tilespmem:s9+$0x18010]  }
0x96: {  	v3 =	vld [tilespmem:s9+$0x18050];
	[tilespmem:s1+$0x18020] =	vst v4  }
0x97: {  	v5 =	vld [tilespmem:s9+$0x18020];
	v1 =	vmul.f32 v1, v8;
	v4 =	vshll.u32 v15, $0x10;
	[tilespmem:s1+$0x18060] =	vst v2  }
0x98: {  	v2 =	vand.u32 $0xFFFF0000, v15;
	v4 =	vmul.f32 v4, v10;
	[tilespmem:s9+$0x18070] =	vst v6;
	v6 =	vld [tilespmem:s9+$0x18060]  }
0x99: {  	v7 =	vld [tilespmem:s9+$0x18030];
	[tilespmem:s1+$0x18030] =	vst v1;
	v1 =	vshll.u32 v16, $0x10;
	v2 =	vmul.f32 v2, v11  }
0x9a: {  	v8 =	vand.u32 $0xFFFF0000, v16;
	[tilespmem:s9+$0x18000] =	vst v4;
	v1 =	vmul.f32 v1, v9  }
0x9b: {  	s1 =	sshll.u32 s15, $0x2;
	v4 =	vshll.u32 v17, $0x10;
	[tilespmem:s9+$0x18040] =	vst v2;
	v2 =	vmul.f32 v8, v3  }
0x9c: {  	s28 =	sor.u32 $0x2, s1;
	v3 =	vand.u32 $0xFFFF0000, v17;
	[tilespmem:s9+$0x18010] =	vst v1;
	v1 =	vmul.f32 v4, v5  }
0x9d: {  	s14 =	sshll.u32 s28, $0xD;
	[tilespmem:s9+$0x18050] =	vst v2;
	v4 =	vshll.u32 v13, $0x10;
	v2 =	vmul.f32 v3, v6  }
0x9e: {  	s14 =	sadd.s32 s11, s14;
	[tilespmem:s9+$0x18020] =	vst v1;
	v1 =	vmul.f32 v4, v7  }
0x9f: {  	p0 =	sne.s32 s15, $0x0;
	s14 =	sshrl.u32 s14, $0x3;
	[tilespmem:s9+$0x18060] =	vst v2  }
0xa0: {  	s23 =	sadd.s32 s7, s14;
	[tilespmem:s9+$0x18030] =	vst v1;
	s9 =	simm.s32 @p0 $0x5  }
0xa1: {  	[tilespmem:s12], [sflag:$0x3] =	stream.linear.gather [hbm4b:s23+s4], $0x2000, $0x38;
	v63 =	vld [tilespmem:$0x0]  }
0xa2: {  	_ =	swait.ge @p0 [sflag:s9], $0x2000  }
0xa3: {  	[sflag:s9] =	ssyncset.done @p0 $0x0  }
0xa4: {  	[sflag:s9] =	ssyncadd.s32 @p0 $0xFFFFE000;
	s9 =	simm.s32 @p0 $0x1  }
0xa5: {  	_ =	swait.ge @p0 [sflag:s9], $0x100  }
0xa6: {  	s31 =	simm.s32 @p0 $0x1C000;
	[sflag:s9] =	ssyncset.done @p0 $0x0  }
0xa7: {  	s14 =	simm.s32 @p0 $0x13D00;
	[sflag:s9] =	ssyncadd.s32 @p0 $0xFFFFFF00;
	s9 =	simm.s32 @p0 $0x40  }
0xa8: {  	[tilespmem:s31], [sflag:$0x4] =	stream.indirect.gather @p0 [hbm4b:s0+s9], $0x80, s14, s9, $0xb8;
	v63 =	vld [tilespmem:$0x0]  }
0xa9: {  	s9 =	simm.s32 @p0 $0x2  }
0xaa: {  	_ =	swait.ge @p0 [sflag:s9], $0x100  }
0xab: {  	s14 =	simm.s32 @!p0 $0x13D00;
	[sflag:s9] =	ssyncset.done @p0 $0x0  }
0xac: {  	s31 =	simm.s32 @!p0 $0x1C000;
	[sflag:s9] =	ssyncadd.s32 @p0 $0xFFFFFF00;
	s9 =	simm.s32 @!p0 $0x40  }
0xad: {  	[tilespmem:s31], [sflag:$0x4] =	stream.indirect.gather @!p0 [hbm4b:s0+s9], $0x80, s14, s9, $0xb8;
	v63 =	vld [tilespmem:$0x0]  }
0xae: {  	_ = 	snop  }
0xaf: {  	[spmem:s3] =	stream.indirect.scatter.add.f32 [tilespmem:s17], [sflag:$0x5], $0x80, s2, s16, $0xb8;
	v63 =	vld [tilespmem:$0x0]  }
0xb0: {  	_ =	swait.ge [sflag:s21], $0x2000  }
0xb1: {  	[sflag:s21] =	ssyncset.done $0x0  }
0xb2: {  	[sflag:s21] =	ssyncadd.s32 $0xFFFFE000  }
0xb3: {  	_ =	swait.ge [sflag:s22], $0x2000  }
0xb4: {  	[sflag:s22] =	ssyncset.done $0x0  }
0xb5: {  	s9 =	simm.s32 $0x0;
	[sflag:s22] =	ssyncadd.s32 $0xFFFFE000  }
0xb6: {  	v1 =	vld [tilespmem:s9+$0x16030]  }
0xb7: {  	v2 =	vld [tilespmem:s9+$0x1A070]  }
0xb8: {  	v4 =	vld [tilespmem:s9+$0x16000]  }
0xb9: {  	v5 =	vld [tilespmem:s9+$0x16010]  }
0xba: {  	v8 =	vld [tilespmem:s9+$0x16020]  }
0xbb: {  	v11 =	vld [tilespmem:s9+$0x1A000]  }
0xbc: {  	v12 =	vld [tilespmem:s9+$0x1A040]  }
0xbd: {  	v7 =	vld [tilespmem:s9+$0x1A010];
	v3 =	vand.u32 $0xFFFF0000, v1  }
0xbe: {  	v2 =	vmul.f32 v3, v2;
	v3 =	vld [tilespmem:s9+$0x1A050]  }
0xbf: {  	v1 =	vshll.u32 v1, $0x10;
	v13 =	vshll.u32 v4, $0x10;
	v14 =	vand.u32 $0xFFFF0000, v4;
	v4 =	vld [tilespmem:s9+$0x1A020]  }
0xc0: {  	v10 =	vshll.u32 v5, $0x10;
	v9 =	vand.u32 $0xFFFF0000, v5;
	v5 =	vld [tilespmem:s9+$0x1A060];
	v11 =	vmul.f32 v13, v11  }
0xc1: {  	s14 =	simm.s32 $0x80;
	s31 =	simm.s32 $0x400;
	v6 =	vshll.u32 v8, $0x10;
	v12 =	vmul.f32 v14, v12;
	[tilespmem:s9+$0x1A070] =	vst v2;
	v2 =	vand.u32 $0xFFFF0000, v8;
	v8 =	vld [tilespmem:s9+$0x1A030]  }
.LBB2_7:
0xc2: {  	p0 =	sne.s32 s31, $0x7E00;
	v13 =	vld [tilespmem:s14+$0x16030];
	[tilespmem:s9+$0x1A000] =	vst v11;
	v7 =	vmul.f32 v10, v7  }
0xc3: {  	v10 =	vld [tilespmem:s14+$0x1A070];
	[tilespmem:s9+$0x1A040] =	vst v12;
	v3 =	vmul.f32 v9, v3  }
0xc4: {  	v9 =	vld [tilespmem:s14+$0x16000];
	[tilespmem:s9+$0x1A010] =	vst v7;
	v4 =	vmul.f32 v6, v4  }
0xc5: {  	v6 =	vld [tilespmem:s14+$0x16010];
	[tilespmem:s9+$0x1A050] =	vst v3;
	v2 =	vmul.f32 v2, v5  }
0xc6: {  	v5 =	vld [tilespmem:s14+$0x16020];
	[tilespmem:s9+$0x1A020] =	vst v4;
	v3 =	vmul.f32 v1, v8  }
0xc7: {  	v8 =	vld [tilespmem:s14+$0x1A000];
	v1 =	vshll.u32 v13, $0x10;
	v4 =	vand.u32 $0xFFFF0000, v13;
	[tilespmem:s9+$0x1A060] =	vst v2  }
0xc8: {  	v12 =	vld [tilespmem:s14+$0x1A040];
	v2 =	vmul.f32 v4, v10;
	[tilespmem:s9+$0x1A030] =	vst v3;
	s9 =	smov.u32 s14  }
.Ltmp2:
0xc9: {  	v11 =	vshll.u32 v9, $0x10;
	v13 =	vand.u32 $0xFFFF0000, v9;
	v7 =	vld [tilespmem:s9+$0x1A010];
	(pc) =	sbr.rel @p0 .LBB2_7-.Ltmp2, $4  }
0xca: {  	v10 =	vshll.u32 v6, $0x10;
	v9 =	vand.u32 $0xFFFF0000, v6;
	v3 =	vld [tilespmem:s9+$0x1A050];
	[tilespmem:s9+$0x1A070] =	vst v2  }
0xcb: {  	v6 =	vshll.u32 v5, $0x10;
	v2 =	vand.u32 $0xFFFF0000, v5;
	v4 =	vld [tilespmem:s9+$0x1A020]  }
0xcc: {  	v11 =	vmul.f32 v11, v8;
	v5 =	vld [tilespmem:s9+$0x1A060]  }
0xcd: {  	s14 =	sshra.s32 s31, $0x2;
	s31 =	sadd.s32 $0x200, s31;
	v12 =	vmul.f32 v13, v12;
	v8 =	vld [tilespmem:s9+$0x1A030]  }
0xce: {  	v13 =	vld [tilespmem:s14+$0x16030]  }
0xcf: {  	v14 =	vld [tilespmem:s14+$0x1A070]  }
0xd0: {  	v15 =	vld [tilespmem:s14+$0x16000]  }
0xd1: {  	v16 =	vld [tilespmem:s14+$0x16010]  }
0xd2: {  	v17 =	vld [tilespmem:s14+$0x16020];
	[tilespmem:s9+$0x1A000] =	vst v11;
	v7 =	vmul.f32 v10, v7  }
0xd3: {  	v51 =	vld [tilespmem:s14+$0x1A000];
	[tilespmem:s9+$0x1A040] =	vst v12;
	v3 =	vmul.f32 v9, v3  }
0xd4: {  	v53 =	vld [tilespmem:s14+$0x1A040];
	[tilespmem:s9+$0x1A010] =	vst v7;
	v4 =	vmul.f32 v6, v4  }
0xd5: {  	v55 =	vld [tilespmem:s14+$0x1A010];
	[tilespmem:s9+$0x1A050] =	vst v3;
	v2 =	vmul.f32 v2, v5  }
0xd6: {  	v3 =	vld [tilespmem:s14+$0x1A050];
	[tilespmem:s9+$0x1A020] =	vst v4;
	v1 =	vmul.f32 v1, v8;
	v52 =	vand.u32 $0xFFFF0000, v13  }
0xd7: {  	v57 =	vld [tilespmem:s14+$0x1A020];
	v56 =	vshll.u32 v15, $0x10;
	[tilespmem:s9+$0x1A060] =	vst v2;
	v54 =	vmul.f32 v52, v14  }
0xd8: {  	v58 =	vld [tilespmem:s14+$0x1A060];
	v2 =	vand.u32 $0xFFFF0000, v15;
	v4 =	vmul.f32 v56, v51;
	[tilespmem:s9+$0x1A030] =	vst v1  }
0xd9: {  	v59 =	vld [tilespmem:s14+$0x1A030];
	v1 =	vshll.u32 v16, $0x10;
	v2 =	vmul.f32 v2, v53;
	[tilespmem:s14+$0x1A070] =	vst v54  }
0xda: {  	v60 =	vand.u32 $0xFFFF0000, v16;
	v1 =	vmul.f32 v1, v55;
	[tilespmem:s14+$0x1A000] =	vst v4  }
0xdb: {  	v61 =	vshll.u32 v17, $0x10;
	[tilespmem:s14+$0x1A040] =	vst v2;
	v2 =	vmul.f32 v60, v3  }
0xdc: {  	v3 =	vand.u32 $0xFFFF0000, v17;
	[tilespmem:s14+$0x1A010] =	vst v1;
	v1 =	vmul.f32 v61, v57  }
0xdd: {  	v62 =	vshll.u32 v13, $0x10;
	s9 =	sshll.u32 s15, $0xF;
	[tilespmem:s14+$0x1A050] =	vst v2;
	v2 =	vmul.f32 v3, v58  }
0xde: {  	p1 =	seq.s32 s15, $0x0;
	s31 =	sadd.s32 s9, s29;
	[tilespmem:s14+$0x1A020] =	vst v1;
	v1 =	vmul.f32 v62, v59  }
0xdf: {  	s28 =	sshll.u32 @!p1 s28, $0x7;
	s31 =	sshrl.u32 s31, $0x3;
	[tilespmem:s14+$0x1A060] =	vst v2  }
0xe0: {  	p0 =	seq.s32 @!p1 s15, $0x13;
	s31 =	sadd.s32 s7, s31;
	[tilespmem:s14+$0x1A030] =	vst v1;
	s14 =	sshll.u32 @!p1 s15, $0x9  }
0xe1: {  	[tilespmem:s13], [sflag:$0x3] =	stream.linear.gather [hbm4b:s31+s4], $0x2000, $0x38;
	v63 =	vld [tilespmem:$0x0]  }
0xe2: {  	s28 =	sand.u32 @!p1 $0x300, s28;
	p2 =	por p1, !p0;
	s23 =	sand.u32 @!p1 $0x3C00, s14  }
.Ltmp3:
0xe3: {  	s31 =	simm.s32 @!p1 $0x5;
	s23 =	sadd.s32 @!p1 s8, s23;
	(pc) =	sbr.rel @!p2 .LBB2_10-.Ltmp3, $4  }
0xe4: {  	p0 =	por @!p1 $0x1, $0x1;
	_ =	swait.ge @!p1 [sflag:s31], $0x2000;
	s23 =	sor.u32 @!p1 s23, s28  }
0xe5: {  	[sflag:s31] =	ssyncset.done @!p1 $0x0;
	s28 =	simm.s32 @!p1 $0x0;
	s23 =	sshrl.u32 @!p1 s23, $0x3  }
0xe6: {  	[sflag:s31] =	ssyncadd.s32 @!p1 $0xFFFFE000;
	s31 =	simm.s32 @!p1 $0x13F00;
	s23 =	sadd.s32 @!p1 s6, s23  }
0xe7: {  	[tilespmem:s31], [sflag:$0x2] =	stream.linear.gather @!p1 [hbm4b:s23+s28], $0x100, $0x38;
	v63 =	vld [tilespmem:$0x0]  }
0xe8: {  	s14 =	simm.s32 @p1 $0x0  }
0xe9: {  	s14 =	sadd.s32 $0x200, s14  }
0xea: {  	s23 =	sand.u32 $0x7C00, s14  }
0xeb: {  	s14 =	sand.u32 $0x200, s14;
	s23 =	sadd.s32 s8, s23  }
0xec: {  	s14 =	sor.u32 s14, s23  }
0xed: {  	s14 =	sshrl.u32 s14, $0x3  }
0xee: {  	s31 =	simm.s32 $0x13C00;
	p0 =	por $0x0, $0x0;
	s14 =	sadd.s32 s5, s14  }
0xef: {  	[tilespmem:s31], [sflag:$0x1] =	stream.linear.gather [hbm4b:s14+s4], $0x100, $0x38;
	v63 =	vld [tilespmem:$0x0]  }
.LBB2_10:
0xf0: {  	s14 =	simm.s32 $0x13D80  }
0xf1: {  	[tilespmem:s19], [sflag:$0x4] =	stream.indirect.gather [hbm4b:s0+s16], $0x80, s14, s16, $0xb8;
	v63 =	vld [tilespmem:$0x0]  }
0xf2: {  	_ = 	snop  }
0xf3: {  	[spmem:s3] =	stream.indirect.scatter.add.f32 [tilespmem:s18], [sflag:$0x5], $0x80, s24, s16, $0xb8;
	v63 =	vld [tilespmem:$0x0]  }
0xf4: {  	_ =	swait.ge [sflag:s21], $0x2000  }
0xf5: {  	[sflag:s21] =	ssyncset.done $0x0  }
0xf6: {  	[sflag:s21] =	ssyncadd.s32 $0xFFFFE000  }
0xf7: {  	_ =	swait.ge [sflag:s22], $0x2000  }
0xf8: {  	[sflag:s22] =	ssyncset.done $0x0  }
0xf9: {  	s28 =	simm.s32 $0x0;
	[sflag:s22] =	ssyncadd.s32 $0xFFFFE000  }
0xfa: {  	v1 =	vld [tilespmem:s28+$0x14030]  }
0xfb: {  	v2 =	vld [tilespmem:s28+$0x1C070]  }
0xfc: {  	v4 =	vld [tilespmem:s28+$0x14000]  }
0xfd: {  	v5 =	vld [tilespmem:s28+$0x14010]  }
0xfe: {  	v8 =	vld [tilespmem:s28+$0x14020]  }
0xff: {  	v7 =	vld [tilespmem:s28+$0x1C000]  }
0x100: {  	v12 =	vld [tilespmem:s28+$0x1C040];
	v3 =	vand.u32 $0xFFFF0000, v1  }
0x101: {  	v6 =	vld [tilespmem:s28+$0x1C010];
	v2 =	vmul.f32 v3, v2  }
0x102: {  	v3 =	vld [tilespmem:s28+$0x1C050]  }
0x103: {  	v1 =	vshll.u32 v1, $0x10;
	v13 =	vand.u32 $0xFFFF0000, v4;
	[tilespmem:s28+$0x1C070] =	vst v2;
	v2 =	vshll.u32 v4, $0x10;
	v4 =	vld [tilespmem:s28+$0x1C020]  }
0x104: {  	v10 =	vshll.u32 v5, $0x10;
	v9 =	vand.u32 $0xFFFF0000, v5;
	v5 =	vld [tilespmem:s28+$0x1C060];
	v11 =	vmul.f32 v2, v7  }
0x105: {  	s31 =	simm.s32 $0x400;
	s14 =	simm.s32 $0x80;
	v12 =	vmul.f32 v13, v12;
	v7 =	vshll.u32 v8, $0x10;
	v2 =	vand.u32 $0xFFFF0000, v8;
	v8 =	vld [tilespmem:s28+$0x1C030]  }
.LBB2_11:
0x106: {  	p2 =	sne.s32 s31, $0x7E00;
	v13 =	vld [tilespmem:s14+$0x14030];
	[tilespmem:s28+$0x1C000] =	vst v11;
	v6 =	vmul.f32 v10, v6  }
0x107: {  	v10 =	vld [tilespmem:s14+$0x1C070];
	[tilespmem:s28+$0x1C040] =	vst v12;
	v3 =	vmul.f32 v9, v3  }
0x108: {  	v9 =	vld [tilespmem:s14+$0x14000];
	[tilespmem:s28+$0x1C010] =	vst v6;
	v4 =	vmul.f32 v7, v4  }
0x109: {  	v7 =	vld [tilespmem:s14+$0x14010];
	[tilespmem:s28+$0x1C050] =	vst v3;
	v2 =	vmul.f32 v2, v5  }
0x10a: {  	v5 =	vld [tilespmem:s14+$0x14020];
	[tilespmem:s28+$0x1C020] =	vst v4;
	v3 =	vmul.f32 v1, v8  }
0x10b: {  	v8 =	vld [tilespmem:s14+$0x1C000];
	v1 =	vshll.u32 v13, $0x10;
	v4 =	vand.u32 $0xFFFF0000, v13;
	[tilespmem:s28+$0x1C060] =	vst v2  }
0x10c: {  	v12 =	vld [tilespmem:s14+$0x1C040];
	v2 =	vmul.f32 v4, v10;
	[tilespmem:s28+$0x1C030] =	vst v3;
	s28 =	smov.u32 s14  }
.Ltmp4:
0x10d: {  	v11 =	vshll.u32 v9, $0x10;
	v13 =	vand.u32 $0xFFFF0000, v9;
	v6 =	vld [tilespmem:s28+$0x1C010];
	(pc) =	sbr.rel @p2 .LBB2_11-.Ltmp4, $4  }
0x10e: {  	v10 =	vshll.u32 v7, $0x10;
	v9 =	vand.u32 $0xFFFF0000, v7;
	v3 =	vld [tilespmem:s28+$0x1C050];
	[tilespmem:s28+$0x1C070] =	vst v2  }
0x10f: {  	v7 =	vshll.u32 v5, $0x10;
	v2 =	vand.u32 $0xFFFF0000, v5;
	v4 =	vld [tilespmem:s28+$0x1C020]  }
0x110: {  	v11 =	vmul.f32 v11, v8;
	v5 =	vld [tilespmem:s28+$0x1C060]  }
0x111: {  	s14 =	sshra.s32 s31, $0x2;
	s31 =	sadd.s32 $0x200, s31;
	v12 =	vmul.f32 v13, v12;
	v8 =	vld [tilespmem:s28+$0x1C030]  }
0x112: {  	v13 =	vld [tilespmem:s14+$0x14030]  }
0x113: {  	v14 =	vld [tilespmem:s14+$0x1C070]  }
0x114: {  	v15 =	vld [tilespmem:s14+$0x14000]  }
0x115: {  	v16 =	vld [tilespmem:s14+$0x14010]  }
0x116: {  	v17 =	vld [tilespmem:s14+$0x14020];
	[tilespmem:s28+$0x1C000] =	vst v11;
	v6 =	vmul.f32 v10, v6  }
0x117: {  	v10 =	vld [tilespmem:s14+$0x1C000];
	[tilespmem:s28+$0x1C040] =	vst v12;
	v3 =	vmul.f32 v9, v3  }
0x118: {  	v11 =	vld [tilespmem:s14+$0x1C040];
	[tilespmem:s28+$0x1C010] =	vst v6;
	v4 =	vmul.f32 v7, v4;
	v9 =	vand.u32 $0xFFFF0000, v13  }
0x119: {  	[tilespmem:s28+$0x1C050] =	vst v3;
	v2 =	vmul.f32 v2, v5;
	v6 =	vmul.f32 v9, v14;
	v9 =	vld [tilespmem:s14+$0x1C010]  }
0x11a: {  	v3 =	vld [tilespmem:s14+$0x1C050];
	[tilespmem:s28+$0x1C020] =	vst v4  }
0x11b: {  	v5 =	vld [tilespmem:s14+$0x1C020];
	v1 =	vmul.f32 v1, v8;
	v4 =	vshll.u32 v15, $0x10;
	[tilespmem:s28+$0x1C060] =	vst v2  }
0x11c: {  	v2 =	vand.u32 $0xFFFF0000, v15;
	v4 =	vmul.f32 v4, v10;
	[tilespmem:s14+$0x1C070] =	vst v6;
	v6 =	vld [tilespmem:s14+$0x1C060]  }
0x11d: {  	v7 =	vld [tilespmem:s14+$0x1C030];
	[tilespmem:s28+$0x1C030] =	vst v1;
	v1 =	vshll.u32 v16, $0x10;
	v2 =	vmul.f32 v2, v11  }
0x11e: {  	v8 =	vand.u32 $0xFFFF0000, v16;
	[tilespmem:s14+$0x1C000] =	vst v4;
	v1 =	vmul.f32 v1, v9  }
0x11f: {  	v4 =	vshll.u32 v17, $0x10;
	[tilespmem:s14+$0x1C040] =	vst v2;
	v2 =	vmul.f32 v8, v3  }
0x120: {  	v3 =	vand.u32 $0xFFFF0000, v17;
	[tilespmem:s14+$0x1C010] =	vst v1;
	v1 =	vmul.f32 v4, v5  }
0x121: {  	[tilespmem:s14+$0x1C050] =	vst v2;
	v4 =	vshll.u32 v13, $0x10;
	v2 =	vmul.f32 v3, v6  }
0x122: {  	[tilespmem:s14+$0x1C020] =	vst v1;
	v1 =	vmul.f32 v4, v7  }
0x123: {  	[tilespmem:s14+$0x1C060] =	vst v2  }
0x124: {  	s1 =	sadd.s32 $0x4, s1;
	[tilespmem:s14+$0x1C030] =	vst v1;
	s14 =	simm.s32 @p0 $0x5  }
0x125: {  	s23 =	sshll.u32 @!p0 s1, $0xD;
	_ =	swait.ge @p0 [sflag:s14], $0x2000  }
0x126: {  	s23 =	sadd.s32 @!p0 s11, s23;
	[sflag:s14] =	ssyncset.done @p0 $0x0  }
0x127: {  	[sflag:s14] =	ssyncadd.s32 @p0 $0xFFFFE000;
	s14 =	sshrl.u32 @!p0 s23, $0x3  }
0x128: {  	s28 =	simm.s32 @!p0 $0x14000;
	s23 =	simm.s32 @!p0 $0x0;
	s14 =	sadd.s32 @!p0 s7, s14  }
0x129: {  	[tilespmem:s28], [sflag:$0x3] =	stream.linear.gather @!p0 [hbm4b:s14+s23], $0x2000, $0x38;
	v63 =	vld [tilespmem:$0x0]  }
0x12a: {  	s14 =	simm.s32 @!p0 $0x5  }
0x12b: {  	_ =	swait.ge @!p0 [sflag:s14], $0x2000  }
0x12c: {  	[sflag:s14] =	ssyncset.done @!p0 $0x0  }
0x12d: {  	[sflag:s14] =	ssyncadd.s32 @!p0 $0xFFFFE000;
	s14 =	simm.s32 @!p0 $0x1  }
0x12e: {  	_ =	swait.ge @!p0 [sflag:s14], $0x100  }
0x12f: {  	s23 =	simm.s32 @!p0 $0x13C00;
	[sflag:s14] =	ssyncset.done @!p0 $0x0  }
0x130: {  	s28 =	simm.s32 @!p0 $0x18000;
	[sflag:s14] =	ssyncadd.s32 @!p0 $0xFFFFFF00;
	s14 =	simm.s32 @!p0 $0x40  }
0x131: {  	[tilespmem:s28], [sflag:$0x4] =	stream.indirect.gather @!p0 [hbm4b:s0+s14], $0x80, s23, s14, $0xb8;
	v63 =	vld [tilespmem:$0x0]  }
0x132: {  	s14 =	simm.s32 @!p1 $0x2  }
0x133: {  	_ =	swait.ge @!p1 [sflag:s14], $0x100  }
0x134: {  	[sflag:s14] =	ssyncset.done @!p1 $0x0  }
0x135: {  	[sflag:s14] =	ssyncadd.s32 @!p1 $0xFFFFFF00  }
0x136: {  	[spmem:s3] =	stream.indirect.scatter.add.f32 [tilespmem:s25], [sflag:$0x5], $0x80, s10, s16, $0xb8;
	v63 =	vld [tilespmem:$0x0]  }
0x137: {  	_ =	swait.ge [sflag:s21], $0x2000  }
0x138: {  	[sflag:s21] =	ssyncset.done $0x0  }
0x139: {  	[sflag:s21] =	ssyncadd.s32 $0xFFFFE000  }
0x13a: {  	_ =	swait.ge [sflag:s22], $0x2000  }
0x13b: {  	[sflag:s22] =	ssyncset.done $0x0  }
0x13c: {  	s28 =	simm.s32 $0x0;
	[sflag:s22] =	ssyncadd.s32 $0xFFFFE000  }
0x13d: {  	v1 =	vld [tilespmem:s28+$0x16030]  }
0x13e: {  	v2 =	vld [tilespmem:s28+$0x1E070]  }
0x13f: {  	v4 =	vld [tilespmem:s28+$0x16000]  }
0x140: {  	v5 =	vld [tilespmem:s28+$0x16010]  }
0x141: {  	v8 =	vld [tilespmem:s28+$0x16020]  }
0x142: {  	v11 =	vld [tilespmem:s28+$0x1E000]  }
0x143: {  	v12 =	vld [tilespmem:s28+$0x1E040]  }
0x144: {  	v7 =	vld [tilespmem:s28+$0x1E010];
	v3 =	vand.u32 $0xFFFF0000, v1  }
0x145: {  	v2 =	vmul.f32 v3, v2;
	v3 =	vld [tilespmem:s28+$0x1E050]  }
0x146: {  	v1 =	vshll.u32 v1, $0x10;
	v13 =	vshll.u32 v4, $0x10;
	v14 =	vand.u32 $0xFFFF0000, v4;
	v4 =	vld [tilespmem:s28+$0x1E020]  }
0x147: {  	v10 =	vshll.u32 v5, $0x10;
	v9 =	vand.u32 $0xFFFF0000, v5;
	v5 =	vld [tilespmem:s28+$0x1E060];
	v11 =	vmul.f32 v13, v11  }
0x148: {  	s31 =	simm.s32 $0x400;
	s14 =	simm.s32 $0x80;
	v6 =	vshll.u32 v8, $0x10;
	v12 =	vmul.f32 v14, v12;
	[tilespmem:s28+$0x1E070] =	vst v2;
	v2 =	vand.u32 $0xFFFF0000, v8;
	v8 =	vld [tilespmem:s28+$0x1E030]  }
.LBB2_13:
0x149: {  	p1 =	sne.s32 s31, $0x7E00;
	v13 =	vld [tilespmem:s14+$0x16030];
	[tilespmem:s28+$0x1E000] =	vst v11;
	v7 =	vmul.f32 v10, v7  }
0x14a: {  	v10 =	vld [tilespmem:s14+$0x1E070];
	[tilespmem:s28+$0x1E040] =	vst v12;
	v3 =	vmul.f32 v9, v3  }
0x14b: {  	v9 =	vld [tilespmem:s14+$0x16000];
	[tilespmem:s28+$0x1E010] =	vst v7;
	v4 =	vmul.f32 v6, v4  }
0x14c: {  	v6 =	vld [tilespmem:s14+$0x16010];
	[tilespmem:s28+$0x1E050] =	vst v3;
	v2 =	vmul.f32 v2, v5  }
0x14d: {  	v5 =	vld [tilespmem:s14+$0x16020];
	[tilespmem:s28+$0x1E020] =	vst v4;
	v3 =	vmul.f32 v1, v8  }
0x14e: {  	v8 =	vld [tilespmem:s14+$0x1E000];
	v1 =	vshll.u32 v13, $0x10;
	v4 =	vand.u32 $0xFFFF0000, v13;
	[tilespmem:s28+$0x1E060] =	vst v2  }
0x14f: {  	v12 =	vld [tilespmem:s14+$0x1E040];
	v2 =	vmul.f32 v4, v10;
	[tilespmem:s28+$0x1E030] =	vst v3;
	s28 =	smov.u32 s14  }
.Ltmp5:
0x150: {  	v11 =	vshll.u32 v9, $0x10;
	v13 =	vand.u32 $0xFFFF0000, v9;
	v7 =	vld [tilespmem:s28+$0x1E010];
	(pc) =	sbr.rel @p1 .LBB2_13-.Ltmp5, $4  }
0x151: {  	v10 =	vshll.u32 v6, $0x10;
	v9 =	vand.u32 $0xFFFF0000, v6;
	v3 =	vld [tilespmem:s28+$0x1E050];
	[tilespmem:s28+$0x1E070] =	vst v2  }
0x152: {  	v6 =	vshll.u32 v5, $0x10;
	v2 =	vand.u32 $0xFFFF0000, v5;
	v4 =	vld [tilespmem:s28+$0x1E020]  }
0x153: {  	v11 =	vmul.f32 v11, v8;
	v5 =	vld [tilespmem:s28+$0x1E060]  }
0x154: {  	s14 =	sshra.s32 s31, $0x2;
	s31 =	sadd.s32 $0x200, s31;
	v12 =	vmul.f32 v13, v12;
	v8 =	vld [tilespmem:s28+$0x1E030]  }
0x155: {  	v13 =	vld [tilespmem:s14+$0x16030]  }
0x156: {  	v14 =	vld [tilespmem:s14+$0x1E070]  }
0x157: {  	v15 =	vld [tilespmem:s14+$0x16000]  }
0x158: {  	v16 =	vld [tilespmem:s14+$0x16010]  }
0x159: {  	v17 =	vld [tilespmem:s14+$0x16020];
	[tilespmem:s28+$0x1E000] =	vst v11;
	v7 =	vmul.f32 v10, v7  }
0x15a: {  	v51 =	vld [tilespmem:s14+$0x1E000];
	[tilespmem:s28+$0x1E040] =	vst v12;
	v3 =	vmul.f32 v9, v3  }
0x15b: {  	v53 =	vld [tilespmem:s14+$0x1E040];
	[tilespmem:s28+$0x1E010] =	vst v7;
	v4 =	vmul.f32 v6, v4  }
0x15c: {  	v55 =	vld [tilespmem:s14+$0x1E010];
	[tilespmem:s28+$0x1E050] =	vst v3;
	v2 =	vmul.f32 v2, v5  }
0x15d: {  	v3 =	vld [tilespmem:s14+$0x1E050];
	[tilespmem:s28+$0x1E020] =	vst v4;
	v1 =	vmul.f32 v1, v8;
	v52 =	vand.u32 $0xFFFF0000, v13  }
0x15e: {  	v57 =	vld [tilespmem:s14+$0x1E020];
	v56 =	vshll.u32 v15, $0x10;
	[tilespmem:s28+$0x1E060] =	vst v2;
	v54 =	vmul.f32 v52, v14  }
0x15f: {  	v58 =	vld [tilespmem:s14+$0x1E060];
	v2 =	vand.u32 $0xFFFF0000, v15;
	v4 =	vmul.f32 v56, v51;
	[tilespmem:s28+$0x1E030] =	vst v1  }
0x160: {  	v59 =	vld [tilespmem:s14+$0x1E030];
	v1 =	vshll.u32 v16, $0x10;
	v2 =	vmul.f32 v2, v53;
	[tilespmem:s14+$0x1E070] =	vst v54  }
0x161: {  	v60 =	vand.u32 $0xFFFF0000, v16;
	v1 =	vmul.f32 v1, v55;
	[tilespmem:s14+$0x1E000] =	vst v4  }
0x162: {  	v61 =	vshll.u32 v17, $0x10;
	[tilespmem:s14+$0x1E040] =	vst v2;
	v2 =	vmul.f32 v60, v3  }
0x163: {  	v3 =	vand.u32 $0xFFFF0000, v17;
	[tilespmem:s14+$0x1E010] =	vst v1;
	v1 =	vmul.f32 v61, v57  }
0x164: {  	v62 =	vshll.u32 v13, $0x10;
	[tilespmem:s14+$0x1E050] =	vst v2;
	v2 =	vmul.f32 v3, v58  }
0x165: {  	s9 =	sadd.s32 @!p0 s9, s30;
	[tilespmem:s14+$0x1E020] =	vst v1;
	v1 =	vmul.f32 v62, v59  }
0x166: {  	s23 =	simm.s32 @!p0 $0x16000;
	s9 =	sshrl.u32 @!p0 s9, $0x3;
	[tilespmem:s14+$0x1E060] =	vst v2  }
0x167: {  	s1 =	sshll.u32 @!p0 s1, $0x7;
	s9 =	sadd.s32 @!p0 s7, s9;
	[tilespmem:s14+$0x1E030] =	vst v1;
	s14 =	simm.s32 @!p0 $0x0  }
0x168: {  	[tilespmem:s23], [sflag:$0x3] =	stream.linear.gather @!p0 [hbm4b:s9+s14], $0x2000, $0x38;
	v63 =	vld [tilespmem:$0x0]  }
0x169: {  	s9 =	sand.u32 @!p0 $0x7C00, s1  }
0x16a: {  	s23 =	simm.s32 @!p0 $0x5;
	s1 =	sand.u32 @!p0 $0x200, s1;
	s9 =	sadd.s32 @!p0 s8, s9  }
0x16b: {  	_ =	swait.ge @!p0 [sflag:s23], $0x2000;
	s1 =	sor.u32 @!p0 s1, s9  }
0x16c: {  	[sflag:s23] =	ssyncset.done @!p0 $0x0;
	s1 =	sshrl.u32 @!p0 s1, $0x3  }
0x16d: {  	s9 =	simm.s32 @!p0 $0x13E00;
	[sflag:s23] =	ssyncadd.s32 @!p0 $0xFFFFE000;
	s1 =	sadd.s32 @!p0 s6, s1  }
0x16e: {  	[tilespmem:s9], [sflag:$0x2] =	stream.linear.gather @!p0 [hbm4b:s1+s14], $0x100, $0x38;
	v63 =	vld [tilespmem:$0x0]  }
0x16f: {  	s1 =	sshll.u32 @!p0 s15, $0x9  }
0x170: {  	s1 =	sadd.s32 @!p0 $0x300, s1  }
0x171: {  	s9 =	sand.u32 @!p0 $0x7C00, s1  }
0x172: {  	s1 =	sand.u32 @!p0 $0x300, s1;
	s9 =	sadd.s32 @!p0 s8, s9  }
0x173: {  	s1 =	sor.u32 @!p0 s1, s9  }
0x174: {  	s1 =	sshrl.u32 @!p0 s1, $0x3  }
0x175: {  	s9 =	simm.s32 @!p0 $0x13D00;
	s1 =	sadd.s32 @!p0 s5, s1  }
0x176: {  	[tilespmem:s9], [sflag:$0x1] =	stream.linear.gather @!p0 [hbm4b:s1+s14], $0x100, $0x38;
	v63 =	vld [tilespmem:$0x0]  }
0x177: {  	s1 =	simm.s32 @!p0 $0x40;
	s9 =	simm.s32 @!p0 $0x13C80;
	s14 =	simm.s32 @!p0 $0x1A000  }
0x178: {  	[tilespmem:s14], [sflag:$0x4] =	stream.indirect.gather @!p0 [hbm4b:s0+s1], $0x80, s9, s1, $0xb8;
	v63 =	vld [tilespmem:$0x0]  }
0x179: {  	s1 =	simm.s32 @p0 $0x5  }
0x17a: {  	_ =	swait.ge @p0 [sflag:s1], $0x2000  }
0x17b: {  	s15 =	sadd.s32 $0x1, s15;
	[sflag:s1] =	ssyncset.done @p0 $0x0  }
0x17c: {  	[sflag:s1] =	ssyncadd.s32 @p0 $0xFFFFE000;
	p0 =	sne.s32 s15, $0x14  }
.Ltmp6:
0x17d: {  	_ = 	snop;
	(pc) =	sbr.rel @p0 .LBB2_4-.Ltmp6, $2  }
0x17e: {  	_ =	sdelay $0x2  }
0x17f: {  	[spmem:s3] =	stream.indirect.scatter.add.f32 [tilespmem:s19], [sflag:$0x5], $0x80, s26, s16, $0xb8;
	v63 =	vld [tilespmem:$0x0]  }
0x180: {  	s1 =	simm.s32 $0x5  }
0x181: {  	_ =	swait.ge [sflag:s1], $0x2000  }
0x182: {  	[sflag:s1] =	ssyncset.done $0x0  }
0x183: {  	[sflag:s1] =	ssyncadd.s32 $0xFFFFE000  }
0x184: {  	_ =	swait.ge [sflag:s1], $0x2000  }
0x185: {  	[sflag:s1] =	ssyncset.done $0x0  }
0x186: {  	[sflag:s1] =	ssyncadd.s32 $0xFFFFE000  }
0x187: {  	s23 =	stileid.u32;
	[bflag:$0x0] =	sbarrier.arrive $0xFFFF  }
0x188: {  	s1 =	sshll.u32 s23, $0x6;
	s14 =	rddreg [dreg:$0x9]  }
0x189: {  	s1 =	sor.u32 $0x1C06, s1;
	s15 =	rddreg [dreg:$0x12];
	s9 =	sshrl.u32 s14, $0x3  }
0x18a: {  	[hbm:s15], [sflag:s1] =	dma.local [spmem:s9], $0x2780  }
0x18b: {  	_ =	swait.ge [sflag:s20], $0x2780  }
0x18c: {  	s28 =	rddreg [dreg:$0x16]  }
0x18d: {  	s31 =	rddreg [dreg:$0x13];
	s9 =	sadd.s32 $0x1, s28  }
0x18e: {  	p0 =	sne.s32 s9, s31  }
.Ltmp7:
0x18f: {  	_ = 	snop;
	(pc) =	sbr.rel @p0 .LBB2_1-.Ltmp7, $3  }
0x190: {  	_ =	sdelay $0x1  }
0x191: {  	[sflag:s20] =	ssyncset.done $0x0  }
0x192: {  	[sflag:s20] =	ssyncadd.s32 $0xFFFFD880  }
0x193: {  	_ =	sfence.sel $0x180000  }
0x194: {  	[bflag:$0x0] =	sbarrier.arrive $0xFFFF  }
0x195: {  	_ =	strace $0x90000047  }
0x196: {  	s0 =	stileid.u32;
	[bflag:$0x2] =	sbarrier.arrive $0xFFFF  }
0x197: {  	p0 =	sne.s32 s0, $0x0;
	s0 =	rddreg [dreg:$0x3]  }
0x198: {  	s0 =	sadd.s32 @!p0 $0x100000, s0  }
0x199: {  	[sflag:s0] =	ssyncadd.tile.s32 @!p0 $0x1;
	_ =	shalt  }
.Lfunc_end2:
_tile_overlayer_lowered:
.L_overlay_start_2:
0x19a: {  	(tag) =	ssettag $0x2  }
0x19b: {  	s0 =	rddreg [dreg:$0x0];
	s2 =	stileid.u32  }
0x19c: {  	s1 =	rddreg [dreg:$0x1];
	p0 =	sne.s32 s2, $0x0  }
0x19d: {  	s3 =	rddreg [dreg:$0x2];
	[bflag:$0x3] =	sbarrier.arrive $0xFFFF;
	s2 =	simm.s32 @!p0 $0x1C06  }
0x19e: {  	[timem:s3], [sflag:s2] =	dma.local @!p0 [hbm:s0], s1  }
0x19f: {  	s0 =	simm.s32 @!p0 $0x6  }
0x1a0: {  	_ =	swait.ge @!p0 [sflag:s0], s1  }
0x1a1: {  	s1 =	ssub.s32 @!p0 $0x0, s1;
	[sflag:s0] =	ssyncset.done @!p0 $0x0  }
0x1a2: {  	[sflag:s0] =	ssyncadd.s32 @!p0 s1  }
0x1a3: {  	[bflag:$0x3] =	sbarrier.arrive $0xFFFF  }
0x1a4: {  	_ =	shalt  }

</sc_bundles>
